<compile_context>
chip_gen: v7x
topology: tpu7x:2x2x1
jax: 0.10.2.dev20260603
libtpu: 0.0.44.dev20260713+nightly
codegen_flags: <defaults>
</compile_context>

<pallas_src>
import functools

import jax
import jax.numpy as jnp
from jax import lax
from jax.experimental import pallas as pl
from jax.experimental.pallas import tpu as pltpu
from jax.experimental.pallas import tpu_sc as plsc

N = 10000
E = 320000
D = 128
G = 64

NC = 2
NS = 16
NW = NC * NS
CH = 125
NCHUNK = 80
BLKC = 16
N_PAD = 10240
RPT = N_PAD // NS

_mesh = functools.partial(
    plsc.VectorSubcoreMesh,
    core_axis_name="c", subcore_axis_name="s", num_cores=NC, num_subcores=NS,
)


def _deg_body(dst_hbm, out_hbm, slab, ones, zbuf, shdeg, sem):
    c = lax.axis_index("c")
    s = lax.axis_index("s")

    def _z(i, _):
        zbuf[pl.ds(i * 16, 16)] = jnp.zeros((16,), jnp.float32)
        return 0
    lax.fori_loop(0, RPT // 16, _z, 0)

    def _o(i, _):
        ones[pl.ds(i * 16, 16)] = jnp.ones((16,), jnp.float32)
        return 0
    lax.fori_loop(0, 128 // 16, _o, 0)

    pltpu.sync_copy(zbuf, shdeg.at[pl.ds(s * RPT, RPT)])
    plsc.subcore_barrier()

    w = c * NS + s
    pltpu.sync_copy(dst_hbm.at[w], slab)

    def _acc(j, _):
        pltpu.async_copy(ones.at[pl.ds(0, CH)], shdeg.at[slab.at[j]],
                         sem, add=True)
        return 0
    lax.fori_loop(0, NCHUNK, _acc, 0)

    def _dr(j, _):
        pltpu.make_async_copy(ones.at[pl.ds(0, CH)], shdeg.at[slab.at[0]],
                              sem).wait()
        return 0
    lax.fori_loop(0, NCHUNK, _dr, 0)

    plsc.subcore_barrier()
    pltpu.sync_copy(shdeg.at[pl.ds(s * RPT, RPT)],
                    out_hbm.at[c, pl.ds(s * RPT, RPT)])


def _deg_call(dst3):
    k = pl.kernel(
        _deg_body,
        out_type=jax.ShapeDtypeStruct((NC, N_PAD), jnp.float32),
        mesh=_mesh(),
        scratch_types=[
            pltpu.VMEM((NCHUNK, CH), jnp.int32),
            pltpu.VMEM((128,), jnp.float32),
            pltpu.VMEM((RPT,), jnp.float32),
            pltpu.VMEM_SHARED((N_PAD,), jnp.float32),
            pltpu.SemaphoreType.DMA,
        ],
    )
    return k(dst3)


def _prescale_body(x_ref, d_ref, y_ref, dinv_ref):
    deg = d_ref[0] + d_ref[1] + 1.0
    dinv = lax.rsqrt(deg)
    dinv_ref[...] = dinv
    y_ref[...] = x_ref[...] * dinv


def _prescale_call(x, deg_parts):
    return pl.pallas_call(
        _prescale_body,
        grid=(1,),
        in_specs=[
            pl.BlockSpec((N, D), lambda i: (0, 0)),
            pl.BlockSpec((NC, N, 1), lambda i: (0, 0, 0)),
        ],
        out_specs=[
            pl.BlockSpec((N, D), lambda i: (0, 0)),
            pl.BlockSpec((N, 1), lambda i: (0, 0)),
        ],
        out_shape=[
            jax.ShapeDtypeStruct((N, D), jnp.float32),
            jax.ShapeDtypeStruct((N, 1), jnp.float32),
        ],
    )(x, deg_parts)


def _scatter_body(src_hbm, dst_hbm, y_hbm, out_hbm,
                  src_slab, dst_blk, rows, shu, sem_g, sem_d):
    c = lax.axis_index("c")
    s = lax.axis_index("s")
    w = c * NS + s

    def _gather(j, b):
        return pltpu.make_async_copy(
            y_hbm.at[src_slab.at[j]], rows.at[pl.ds(b * 128, CH)],
            sem_g.at[b])

    def _z(i, _):
        rows[i // 8, pl.ds((i % 8) * 16, 16)] = jnp.zeros((16,), jnp.float32)
        return 0
    lax.fori_loop(0, 128 * 8, _z, 0)

    def _zs(bi, _):
        pltpu.async_copy(rows.at[pl.ds(0, 128)],
                         shu.at[pl.ds(s * RPT + bi * 128, 128)], sem_d.at[0])
        return 0
    lax.fori_loop(0, RPT // 128, _zs, 0)

    def _zw(bi, _):
        pltpu.make_async_copy(rows.at[pl.ds(0, 128)],
                              shu.at[pl.ds(s * RPT, 128)], sem_d.at[0]).wait()
        return 0
    lax.fori_loop(0, RPT // 128, _zw, 0)
    plsc.subcore_barrier()

    pltpu.sync_copy(src_hbm.at[w], src_slab)
    pltpu.make_async_copy(dst_hbm.at[w, pl.ds(0, BLKC)], dst_blk.at[0],
                          sem_d.at[0]).start()
    _gather(0, 0).start()
    _gather(1, 1).start()

    for bb in range(NCHUNK // BLKC):
        p = bb % 2
        pltpu.make_async_copy(dst_hbm.at[w, pl.ds(bb * BLKC, BLKC)],
                              dst_blk.at[p], sem_d.at[p]).wait()
        if bb + 1 < NCHUNK // BLKC:
            pltpu.make_async_copy(
                dst_hbm.at[w, pl.ds((bb + 1) * BLKC, BLKC)],
                dst_blk.at[1 - p], sem_d.at[1 - p]).start()

        def _pair(k, _2):
            for b in range(2):
                j = bb * BLKC + k * 2 + b
                _gather(j, b).wait()
                pltpu.sync_copy(rows.at[pl.ds(b * 128, CH)],
                                shu.at[dst_blk.at[p, k * 2 + b]], add=True)

                @pl.when(j + 2 < NCHUNK)
                def _():
                    _gather(j + 2, b).start()
            return 0
        lax.fori_loop(0, BLKC // 2, _pair, 0)

    plsc.subcore_barrier()

    def _out(bi, _):
        r0 = s * RPT + bi * 128
        pltpu.async_copy(shu.at[pl.ds(r0, 128)], out_hbm.at[c, pl.ds(r0, 128)],
                         sem_d.at[0])
        return 0
    lax.fori_loop(0, RPT // 128, _out, 0)

    def _ow(bi, _):
        r0 = s * RPT
        pltpu.make_async_copy(shu.at[pl.ds(r0, 128)],
                              out_hbm.at[c, pl.ds(r0, 128)],
                              sem_d.at[0]).wait()
        return 0
    lax.fori_loop(0, RPT // 128, _ow, 0)


def _scatter_call(src3, dst3, y):
    k = pl.kernel(
        _scatter_body,
        out_type=jax.ShapeDtypeStruct((NC, N_PAD, D), jnp.float32),
        mesh=_mesh(),
        scratch_types=[
            pltpu.VMEM((NCHUNK, CH), jnp.int32),
            pltpu.VMEM((2, BLKC, CH), jnp.int32),
            pltpu.VMEM((2 * 128, D), jnp.float32),
            pltpu.VMEM_SHARED((N_PAD, D), jnp.float32),
            pltpu.SemaphoreType.DMA((2,)),
            pltpu.SemaphoreType.DMA((2,)),
        ],
    )
    return k(src3, dst3, y)


_BN = 2000
_NBLK = N // _BN


def _final_body(u0_ref, u1_ref, y_ref, dinv_ref, batch_ref,
                w_ref, b_ref, fcw_ref, fcb_ref, out_ref, num_acc, cnt_acc):
    i = pl.program_id(0)

    @pl.when(i == 0)
    def _():
        num_acc[...] = jnp.zeros((1, G), jnp.float32)
        cnt_acc[...] = jnp.zeros((1, G), jnp.float32)

    z = (u0_ref[0] + u1_ref[0] + y_ref[...]) * dinv_ref[...]
    h = jnp.dot(z, w_ref[...]) + b_ref[...]
    h = jnp.maximum(h, 0.0)
    t = jnp.dot(h, fcw_ref[...])

    gids = lax.broadcasted_iota(jnp.int32, (1, G), 1)
    m = (batch_ref[...] == gids).astype(jnp.float32)
    num_acc[...] += jnp.sum(m * t, axis=0, keepdims=True)
    cnt_acc[...] += jnp.sum(m, axis=0, keepdims=True)

    @pl.when(i == _NBLK - 1)
    def _():
        pooled = num_acc[...] / jnp.maximum(cnt_acc[...], 1.0)
        logits = pooled + fcb_ref[...]
        out_ref[...] = jax.nn.sigmoid(logits)


def _final_call(u2, y, dinv, batch2d, W, b2d, fc_W, fc_b2d):
    row = lambda i: (i, 0)
    fixed = lambda i: (0, 0)
    out = pl.pallas_call(
        _final_body,
        grid=(_NBLK,),
        in_specs=[
            pl.BlockSpec((1, _BN, D), lambda i: (0, i, 0)),
            pl.BlockSpec((1, _BN, D), lambda i: (1, i, 0)),
            pl.BlockSpec((_BN, D), row),
            pl.BlockSpec((_BN, 1), row),
            pl.BlockSpec((_BN, 1), row),
            pl.BlockSpec((D, D), fixed),
            pl.BlockSpec((1, D), fixed),
            pl.BlockSpec((D, 1), fixed),
            pl.BlockSpec((1, 1), fixed),
        ],
        out_specs=pl.BlockSpec((1, G), fixed),
        out_shape=jax.ShapeDtypeStruct((1, G), jnp.float32),
        scratch_shapes=[
            pltpu.VMEM((1, G), jnp.float32),
            pltpu.VMEM((1, G), jnp.float32),
        ],
    )(u2, u2, y, dinv, batch2d, W, b2d, fc_W, fc_b2d)
    return out


def kernel(x, W, b, fc_W, fc_b, edge_index, batch):
    src3 = edge_index[0].reshape(NW, NCHUNK, CH)
    dst3 = edge_index[1].reshape(NW, NCHUNK, CH)

    deg_parts = _deg_call(dst3)
    y, dinv = _prescale_call(x, deg_parts.reshape(NC, N_PAD, 1))

    u2 = _scatter_call(src3, dst3, y)

    out = _final_call(u2, y, dinv, batch.reshape(N, 1),
                      W, b.reshape(1, D), fc_W, fc_b.reshape(1, 1))
    return out.reshape(G, 1)

# --- scband reference (transcript-rebuilt; emitter-appended) ---
"""Pipeline reference for scband-gcngraph-class-48017734369846 (READ-ONLY COPY).

The authoritative reference and input builder live on the scoring server;
editing this copy changes nothing except your own understanding.
"""

import jax, jax.numpy as jnp
import numpy as np

N = 10000
E = 320000
D = 128
G = 64


def setup_inputs(seed=0) -> dict:
    key = jax.random.key(seed)
    k1, k2, k3, k4, k5 = jax.random.split(key, 5)
    x = jax.random.normal(k1, (N, D), dtype=jnp.float32)
    edge_index = jax.random.randint(k2, (2, E), 0, N, dtype=jnp.int32)
    batch = jnp.sort(jax.random.randint(k3, (N,), 0, G, dtype=jnp.int32))
    W = jax.random.normal(k4, (D, D), dtype=jnp.float32) * (1.0 / np.sqrt(D))
    b = jnp.zeros((D,), dtype=jnp.float32)
    fc_W = jax.random.normal(k5, (D, 1), dtype=jnp.float32) * (1.0 / np.sqrt(D))
    fc_b = jnp.zeros((1,), dtype=jnp.float32)
    return {"x": x, "W": W, "b": b, "fc_W": fc_W, "fc_b": fc_b, "edge_index": edge_index, "batch": batch}


def reference(x, W, b, fc_W, fc_b, edge_index, batch):
    # GCNConv with symmetric normalization and self-loops (PyG default)
    src = edge_index[0]
    dst = edge_index[1]
    loop = jnp.arange(N, dtype=src.dtype)
    src = jnp.concatenate([src, loop])
    dst = jnp.concatenate([dst, loop])
    ew = jnp.ones((src.shape[0],), dtype=x.dtype)
    deg = jax.ops.segment_sum(ew, dst, num_segments=N)
    dinv = jnp.where(deg > 0, 1.0 / jnp.sqrt(deg), 0.0)
    norm = dinv[src] * dinv[dst]
    h = x @ W
    msgs = h[src] * norm[:, None]
    agg = jax.ops.segment_sum(msgs, dst, num_segments=N) + b
    out = jax.nn.relu(agg)
    # global_mean_pool over graph ids
    counts = jax.ops.segment_sum(jnp.ones((N,), dtype=x.dtype), batch, num_segments=G)
    pooled = jax.ops.segment_sum(out, batch, num_segments=G) / jnp.maximum(counts, 1.0)[:, None]
    logits = pooled @ fc_W + fc_b
    return jax.nn.sigmoid(logits)

if __name__ == "__main__":
    import jax
    _d = setup_inputs()
    print(jax.jit(kernel)(*tuple(_d.values())))

</pallas_src>

<mosaic_0001>
#map = affine_map<(d0, d1) -> (0, 0, 0)>
#map1 = affine_map<(d0, d1) -> (0, 0)>
module attributes {stable_mosaic.version = 14 : i64} {
  func.func @_scatter_body(%arg0: i32, %arg1: i32, %arg2: memref<32x80x125xi32, #tpu.memory_space<hbm>>, %arg3: memref<32x80x125xi32, #tpu.memory_space<hbm>>, %arg4: memref<10000x128xf32, #tpu.memory_space<hbm>>, %arg5: memref<2x10240x128xf32, #tpu.memory_space<hbm>>, %arg6: memref<80x125xi32, #tpu.memory_space<vmem>>, %arg7: memref<2x16x125xi32, #tpu.memory_space<vmem>>, %arg8: memref<256x128xf32, #tpu.memory_space<vmem>>, %arg9: memref<10240x128xf32, #tpu.memory_space<vmem_shared>>, %arg10: memref<2x!tpu.dma_semaphore, #tpu.memory_space<semaphore_mem>>, %arg11: memref<2x!tpu.dma_semaphore, #tpu.memory_space<semaphore_mem>>) attributes {dimension_semantics = [#tpu.dimension_semantics<core_parallel>, #tpu.dimension_semantics<subcore_parallel>], iteration_bounds = array<i64: 2, 16>, scalar_prefetch = 0 : i64, scratch_operands = 6 : i64, tpu.core_type = #tpu.core_type<sc_vector_subcore>, window_params = [{transform_indices = #map}, {transform_indices = #map}, {transform_indices = #map1}, {transform_indices = #map}]} {
    %mul3A = arith.constant 16 : i32
    %mul3A_0 = arith.muli %arg0, %mul3A : i32
    %add3A = arith.addi %mul3A_0, %arg1 : i32
    %scan3A = arith.constant 0 : i32
    %scan3A_1 = arith.constant 0 : i32
    %scan3A_2 = arith.constant 1024 : i32
    %scan3A_3 = arith.addi %scan3A_1, %scan3A_2 : i32
    %scan3A_4 = arith.constant 1 : i32
    %scan3A_5 = scf.for %scan3A_295 = %scan3A_1 to %scan3A_3 step %scan3A_4 iter_args(%scan3A_296 = %scan3A) -> (i32)  : i32 {
      %broadcast_in_dim3A = arith.constant 0.000000e+00 : f32
      %broadcast_in_dim3A_297 = vector.broadcast %broadcast_in_dim3A : f32 to vector<16xf32>
      %jit3A = arith.constant 8 : i32
      %div3A = arith.divsi %scan3A_295, %jit3A : i32
      %sign3A = arith.constant 0 : i32
      %sign3A_298 = arith.cmpi sgt, %scan3A_295, %sign3A : i32
      %sign3A_299 = arith.extui %sign3A_298 : i1 to i32
      %sign3A_300 = arith.constant 0 : i32
      %sign3A_301 = arith.cmpi slt, %scan3A_295, %sign3A_300 : i32
      %sign3A_302 = arith.extui %sign3A_301 : i1 to i32
      %sign3A_303 = arith.subi %sign3A_299, %sign3A_302 : i32
      %sign3A_304 = arith.constant 0 : i32
      %sign3A_305 = arith.cmpi sgt, %jit3A, %sign3A_304 : i32
      %sign3A_306 = arith.extui %sign3A_305 : i1 to i32
      %sign3A_307 = arith.constant 0 : i32
      %sign3A_308 = arith.cmpi slt, %jit3A, %sign3A_307 : i32
      %sign3A_309 = arith.extui %sign3A_308 : i1 to i32
      %sign3A_310 = arith.subi %sign3A_306, %sign3A_309 : i32
      %ne3A = arith.cmpi ne, %sign3A_303, %sign3A_310 : i32
      %rem3A = arith.remsi %scan3A_295, %jit3A : i32
      %ne3A_311 = arith.constant 0 : i32
      %ne3A_312 = arith.cmpi ne, %rem3A, %ne3A_311 : i32
      %and3A = arith.andi %ne3A, %ne3A_312 : i1
      %sub3A = arith.constant 1 : i32
      %sub3A_313 = arith.subi %div3A, %sub3A : i32
      %select_n3A = arith.select %and3A, %sub3A_313, %div3A : i32
      %jit3A_314 = arith.constant 8 : i32
      %eq3A = arith.constant 0 : i32
      %eq3A_315 = arith.cmpi eq, %jit3A_314, %eq3A : i32
      %jit3A_316 = arith.constant 1 : i32
      %select_n3A_317 = arith.select %eq3A_315, %jit3A_316, %jit3A_314 : i32
      %rem3A_318 = arith.remsi %scan3A_295, %select_n3A_317 : i32
      %ne3A_319 = arith.constant 0 : i32
      %ne3A_320 = arith.cmpi ne, %rem3A_318, %ne3A_319 : i32
      %lt3A = arith.constant 0 : i32
      %lt3A_321 = arith.cmpi slt, %rem3A_318, %lt3A : i32
      %lt3A_322 = arith.constant 0 : i32
      %lt3A_323 = arith.cmpi slt, %select_n3A_317, %lt3A_322 : i32
      %ne3A_324 = arith.xori %lt3A_321, %lt3A_323 : i1
      %and3A_325 = arith.andi %ne3A_324, %ne3A_320 : i1
      %add3A_326 = arith.addi %rem3A_318, %select_n3A_317 : i32
      %select_n3A_327 = arith.select %and3A_325, %add3A_326, %rem3A_318 : i32
      %mul3A_328 = arith.constant 16 : i32
      %mul3A_329 = arith.muli %select_n3A_327, %mul3A_328 : i32
      %swap3A = arith.index_cast %select_n3A : i32 to index
      %swap3A_330 = arith.index_cast %mul3A_329 : i32 to index
      %swap3A_331 = tpu.vector_load %arg8[%swap3A, %swap3A_330] {strides = array<i32>} : memref<256x128xf32, #tpu.memory_space<vmem>>, vector<1x16xf32>,
      %swap3A_332 = vector.shape_cast %swap3A_331 : vector<1x16xf32> to vector<16xf32>
      %swap3A_333 = vector.shape_cast %broadcast_in_dim3A_297 : vector<16xf32> to vector<1x16xf32>
      tpu.vector_store %arg8[%swap3A, %swap3A_330], %swap3A_333 {strides = array<i32>} : memref<256x128xf32, #tpu.memory_space<vmem>>, vector<1x16xf32>,
      %scan3A_334 = arith.constant 0 : i32
      scf.yield %scan3A_334 : i32
    }
    %scan3A_6 = arith.constant 1024 : i32
    %scan3A_7 = arith.constant 0 : i32
    %scan3A_8 = arith.constant 0 : i32
    %scan3A_9 = arith.constant 5 : i32
    %scan3A_10 = arith.addi %scan3A_8, %scan3A_9 : i32
    %scan3A_11 = arith.constant 1 : i32
    %scan3A_12 = scf.for %scan3A_295 = %scan3A_8 to %scan3A_10 step %scan3A_11 iter_args(%scan3A_296 = %scan3A_7) -> (i32)  : i32 {
      %mul3A_297 = arith.constant 640 : i32
      %mul3A_298 = arith.muli %arg1, %mul3A_297 : i32
      %mul3A_299 = arith.constant 128 : i32
      %mul3A_300 = arith.muli %scan3A_295, %mul3A_299 : i32
      %add3A_301 = arith.addi %mul3A_298, %mul3A_300 : i32
      %dma_start3A_302 = arith.constant 0 : i32
      %dma_start3A_303 = arith.constant 0 : i32
      %dma_start3A_304 = arith.constant 0 : i32
      %dma_start3A_305 = tpu.memref_slice %arg8[%dma_start3A_303, %dma_start3A_304] : memref<256x128xf32, #tpu.memory_space<vmem>> -> memref<128x128xf32, #tpu.memory_space<vmem>>
      %dma_start3A_306 = arith.constant 0 : i32
      %dma_start3A_307 = tpu.memref_slice %arg9[%add3A_301, %dma_start3A_306] : memref<10240x128xf32, #tpu.memory_space<vmem_shared>> -> memref<128x128xf32, #tpu.memory_space<vmem_shared>>
      %dma_start3A_308 = tpu.memref_slice %arg11[%dma_start3A_302] : memref<2x!tpu.dma_semaphore, #tpu.memory_space<semaphore_mem>> -> memref<1x!tpu.dma_semaphore, #tpu.memory_space<semaphore_mem>>
      %dma_start3A_309 = tpu.memref_squeeze %dma_start3A_308 : memref<1x!tpu.dma_semaphore, #tpu.memory_space<semaphore_mem>> -> memref<!tpu.dma_semaphore, #tpu.memory_space<semaphore_mem>>
      %dma_start3A_310 = arith.constant 0 : i32
      %dma_start3A_311 = tpu.memref_slice %arg9[%add3A_301, %dma_start3A_310] : memref<10240x128xf32, #tpu.memory_space<vmem_shared>> -> memref<128x128xf32, #tpu.memory_space<vmem_shared>>
      %dma_start3A_312 = arith.constant 0 : i32
      %dma_start3A_313 = arith.constant 0 : i32
      %dma_start3A_314 = tpu.memref_slice %arg8[%dma_start3A_312, %dma_start3A_313] : memref<256x128xf32, #tpu.memory_space<vmem>> -> memref<128x128xf32, #tpu.memory_space<vmem>>
      tpu.enqueue_dma source(%dma_start3A_314 : memref<128x128xf32, #tpu.memory_space<vmem>>) target(%dma_start3A_311 : memref<128x128xf32, #tpu.memory_space<vmem_shared>>) target_semaphore(%dma_start3A_309 : memref<!tpu.dma_semaphore, #tpu.memory_space<semaphore_mem>>)
      %scan3A_315 = arith.constant 0 : i32
      scf.yield %scan3A_315 : i32
    }
    %scan3A_13 = arith.constant 5 : i32
    %scan3A_14 = arith.constant 0 : i32
    %scan3A_15 = arith.constant 0 : i32
    %scan3A_16 = arith.constant 5 : i32
    %scan3A_17 = arith.addi %scan3A_15, %scan3A_16 : i32
    %scan3A_18 = arith.constant 1 : i32
    %scan3A_19 = scf.for %scan3A_295 = %scan3A_15 to %scan3A_17 step %scan3A_18 iter_args(%scan3A_296 = %scan3A_14) -> (i32)  : i32 {
      %mul3A_297 = arith.constant 640 : i32
      %mul3A_298 = arith.muli %arg1, %mul3A_297 : i32
      %dma_wait3A_299 = arith.constant 0 : i32
      %dma_wait3A_300 = arith.constant 0 : i32
      %dma_wait3A_301 = arith.constant 0 : i32
      %dma_wait3A_302 = tpu.memref_slice %arg8[%dma_wait3A_300, %dma_wait3A_301] : memref<256x128xf32, #tpu.memory_space<vmem>> -> memref<128x128xf32, #tpu.memory_space<vmem>>
      %dma_wait3A_303 = arith.constant 0 : i32
      %dma_wait3A_304 = tpu.memref_slice %arg9[%mul3A_298, %dma_wait3A_303] : memref<10240x128xf32, #tpu.memory_space<vmem_shared>> -> memref<128x128xf32, #tpu.memory_space<vmem_shared>>
      %dma_wait3A_305 = tpu.memref_slice %arg11[%dma_wait3A_299] : memref<2x!tpu.dma_semaphore, #tpu.memory_space<semaphore_mem>> -> memref<1x!tpu.dma_semaphore, #tpu.memory_space<semaphore_mem>>
      %dma_wait3A_306 = tpu.memref_squeeze %dma_wait3A_305 : memref<1x!tpu.dma_semaphore, #tpu.memory_space<semaphore_mem>> -> memref<!tpu.dma_semaphore, #tpu.memory_space<semaphore_mem>>
      %dma_wait3A_307 = arith.constant 0 : i32
      %dma_wait3A_308 = tpu.memref_slice %arg9[%mul3A_298, %dma_wait3A_307] : memref<10240x128xf32, #tpu.memory_space<vmem_shared>> -> memref<128x128xf32, #tpu.memory_space<vmem_shared>>
      %dma_wait3A_309 = arith.constant 0 : i32
      %dma_wait3A_310 = arith.constant 0 : i32
      %dma_wait3A_311 = tpu.memref_slice %arg8[%dma_wait3A_309, %dma_wait3A_310] : memref<256x128xf32, #tpu.memory_space<vmem>> -> memref<128x128xf32, #tpu.memory_space<vmem>>
      tpu.wait_dma2 semaphore(%dma_wait3A_306 : memref<!tpu.dma_semaphore, #tpu.memory_space<semaphore_mem>>) src(%dma_wait3A_311 : memref<128x128xf32, #tpu.memory_space<vmem>>) dst(%dma_wait3A_308 : memref<128x128xf32, #tpu.memory_space<vmem_shared>>)
      %scan3A_312 = arith.constant 0 : i32
      scf.yield %scan3A_312 : i32
    }
    %scan3A_20 = arith.constant 5 : i32
    %barrier3A = arith.constant 0 : index
    tpu.barrier barrier_id(%barrier3A)
    "tpu.region"() ({
      %run_scoped3A = tpu.sem_alloc : memref<!tpu.dma_semaphore, #tpu.memory_space<semaphore_mem>>
      %dma_start3A_295 = arith.constant 0 : i32
      %dma_start3A_296 = arith.constant 0 : i32
      %dma_start3A_297 = tpu.memref_slice %arg2[%add3A, %dma_start3A_295, %dma_start3A_296] : memref<32x80x125xi32, #tpu.memory_space<hbm>> -> memref<1x80x125xi32, #tpu.memory_space<hbm>>
      %dma_start3A_298 = tpu.memref_squeeze %dma_start3A_297 : memref<1x80x125xi32, #tpu.memory_space<hbm>> -> memref<80x125xi32, #tpu.memory_space<hbm>>
      %dma_start3A_299 = arith.constant 0 : i32
      %dma_start3A_300 = arith.constant 0 : i32
      %dma_start3A_301 = tpu.memref_slice %arg2[%add3A, %dma_start3A_299, %dma_start3A_300] : memref<32x80x125xi32, #tpu.memory_space<hbm>> -> memref<1x80x125xi32, #tpu.memory_space<hbm>>
      %dma_start3A_302 = tpu.memref_squeeze %dma_start3A_301 : memref<1x80x125xi32, #tpu.memory_space<hbm>> -> memref<80x125xi32, #tpu.memory_space<hbm>>
      tpu.enqueue_dma source(%dma_start3A_302 : memref<80x125xi32, #tpu.memory_space<hbm>>) target(%arg6 : memref<80x125xi32, #tpu.memory_space<vmem>>) target_semaphore(%run_scoped3A : memref<!tpu.dma_semaphore, #tpu.memory_space<semaphore_mem>>)
      %dma_wait3A_303 = arith.constant 0 : i32
      %dma_wait3A_304 = arith.constant 0 : i32
      %dma_wait3A_305 = tpu.memref_slice %arg2[%add3A, %dma_wait3A_303, %dma_wait3A_304] : memref<32x80x125xi32, #tpu.memory_space<hbm>> -> memref<1x80x125xi32, #tpu.memory_space<hbm>>
      %dma_wait3A_306 = tpu.memref_squeeze %dma_wait3A_305 : memref<1x80x125xi32, #tpu.memory_space<hbm>> -> memref<80x125xi32, #tpu.memory_space<hbm>>
      %dma_wait3A_307 = arith.constant 0 : i32
      %dma_wait3A_308 = arith.constant 0 : i32
      %dma_wait3A_309 = tpu.memref_slice %arg2[%add3A, %dma_wait3A_307, %dma_wait3A_308] : memref<32x80x125xi32, #tpu.memory_space<hbm>> -> memref<1x80x125xi32, #tpu.memory_space<hbm>>
      %dma_wait3A_310 = tpu.memref_squeeze %dma_wait3A_309 : memref<1x80x125xi32, #tpu.memory_space<hbm>> -> memref<80x125xi32, #tpu.memory_space<hbm>>
      tpu.wait_dma2 semaphore(%run_scoped3A : memref<!tpu.dma_semaphore, #tpu.memory_space<semaphore_mem>>) src(%dma_wait3A_310 : memref<80x125xi32, #tpu.memory_space<hbm>>) dst(%arg6 : memref<80x125xi32, #tpu.memory_space<vmem>>)
      tpu.yield
    }) : () -> ()
    %dma_start3A = arith.constant 0 : i32
    %dma_start3A_21 = arith.constant 0 : i32
    %dma_start3A_22 = arith.constant 0 : i32
    %dma_start3A_23 = arith.constant 0 : i32
    %dma_start3A_24 = tpu.memref_slice %arg7[%dma_start3A, %dma_start3A_22, %dma_start3A_23] : memref<2x16x125xi32, #tpu.memory_space<vmem>> -> memref<1x16x125xi32, #tpu.memory_space<vmem>>
    %dma_start3A_25 = tpu.memref_squeeze %dma_start3A_24 : memref<1x16x125xi32, #tpu.memory_space<vmem>> -> memref<16x125xi32, #tpu.memory_space<vmem>>
    %dma_start3A_26 = arith.constant 0 : i32
    %dma_start3A_27 = arith.constant 0 : i32
    %dma_start3A_28 = tpu.memref_slice %arg3[%add3A, %dma_start3A_26, %dma_start3A_27] : memref<32x80x125xi32, #tpu.memory_space<hbm>> -> memref<1x16x125xi32, #tpu.memory_space<hbm>>
    %dma_start3A_29 = tpu.memref_squeeze %dma_start3A_28 : memref<1x16x125xi32, #tpu.memory_space<hbm>> -> memref<16x125xi32, #tpu.memory_space<hbm>>
    %dma_start3A_30 = tpu.memref_slice %arg11[%dma_start3A_21] : memref<2x!tpu.dma_semaphore, #tpu.memory_space<semaphore_mem>> -> memref<1x!tpu.dma_semaphore, #tpu.memory_space<semaphore_mem>>
    %dma_start3A_31 = tpu.memref_squeeze %dma_start3A_30 : memref<1x!tpu.dma_semaphore, #tpu.memory_space<semaphore_mem>> -> memref<!tpu.dma_semaphore, #tpu.memory_space<semaphore_mem>>
    %dma_start3A_32 = arith.constant 0 : i32
    %dma_start3A_33 = arith.constant 0 : i32
    %dma_start3A_34 = tpu.memref_slice %arg7[%dma_start3A, %dma_start3A_32, %dma_start3A_33] : memref<2x16x125xi32, #tpu.memory_space<vmem>> -> memref<1x16x125xi32, #tpu.memory_space<vmem>>
    %dma_start3A_35 = tpu.memref_squeeze %dma_start3A_34 : memref<1x16x125xi32, #tpu.memory_space<vmem>> -> memref<16x125xi32, #tpu.memory_space<vmem>>
    %dma_start3A_36 = arith.constant 0 : i32
    %dma_start3A_37 = arith.constant 0 : i32
    %dma_start3A_38 = tpu.memref_slice %arg3[%add3A, %dma_start3A_36, %dma_start3A_37] : memref<32x80x125xi32, #tpu.memory_space<hbm>> -> memref<1x16x125xi32, #tpu.memory_space<hbm>>
    %dma_start3A_39 = tpu.memref_squeeze %dma_start3A_38 : memref<1x16x125xi32, #tpu.memory_space<hbm>> -> memref<16x125xi32, #tpu.memory_space<hbm>>
    tpu.enqueue_dma source(%dma_start3A_39 : memref<16x125xi32, #tpu.memory_space<hbm>>) target(%dma_start3A_35 : memref<16x125xi32, #tpu.memory_space<vmem>>) target_semaphore(%dma_start3A_31 : memref<!tpu.dma_semaphore, #tpu.memory_space<semaphore_mem>>)
    %dma_start3A_40 = arith.constant 0 : i32
    %dma_start3A_41 = arith.constant 0 : i32
    %dma_start3A_42 = arith.constant 0 : i32
    %dma_start3A_43 = arith.constant 0 : i32
    %dma_start3A_44 = tpu.memref_slice %arg8[%dma_start3A_42, %dma_start3A_43] : memref<256x128xf32, #tpu.memory_space<vmem>> -> memref<125x128xf32, #tpu.memory_space<vmem>>
    %dma_start3A_45 = arith.constant 0 : i32
    %dma_start3A_46 = tpu.memref_slice %arg6[%dma_start3A_40, %dma_start3A_45] : memref<80x125xi32, #tpu.memory_space<vmem>> -> memref<1x125xi32, #tpu.memory_space<vmem>>
    %dma_start3A_47 = tpu.memref_squeeze %dma_start3A_46 : memref<1x125xi32, #tpu.memory_space<vmem>> -> memref<125xi32, #tpu.memory_space<vmem>>
    %dma_start3A_48 = arith.constant 0 : i32
    %dma_start3A_49 = arith.constant 0 : i32
    %dma_start3A_50 = tpu.memref_slice %arg4[%dma_start3A_48, %dma_start3A_49] : memref<10000x128xf32, #tpu.memory_space<hbm>> -> memref<10000x128xf32, #tpu.memory_space<hbm>>
    %dma_start3A_51 = tpu.memref_slice %arg10[%dma_start3A_41] : memref<2x!tpu.dma_semaphore, #tpu.memory_space<semaphore_mem>> -> memref<1x!tpu.dma_semaphore, #tpu.memory_space<semaphore_mem>>
    %dma_start3A_52 = tpu.memref_squeeze %dma_start3A_51 : memref<1x!tpu.dma_semaphore, #tpu.memory_space<semaphore_mem>> -> memref<!tpu.dma_semaphore, #tpu.memory_space<semaphore_mem>>
    tpu.enqueue_indirect_dma source(%dma_start3A_50 : memref<10000x128xf32, #tpu.memory_space<hbm>>) target(%dma_start3A_44 : memref<125x128xf32, #tpu.memory_space<vmem>>) offsets(%dma_start3A_47 : memref<125xi32, #tpu.memory_space<vmem>>) semaphore(%dma_start3A_52 : memref<!tpu.dma_semaphore, #tpu.memory_space<semaphore_mem>>)
    %dma_start3A_53 = arith.constant 1 : i32
    %dma_start3A_54 = arith.constant 1 : i32
    %dma_start3A_55 = arith.constant 128 : i32
    %dma_start3A_56 = arith.constant 0 : i32
    %dma_start3A_57 = tpu.memref_slice %arg8[%dma_start3A_55, %dma_start3A_56] : memref<256x128xf32, #tpu.memory_space<vmem>> -> memref<125x128xf32, #tpu.memory_space<vmem>>
    %dma_start3A_58 = arith.constant 0 : i32
    %dma_start3A_59 = tpu.memref_slice %arg6[%dma_start3A_53, %dma_start3A_58] : memref<80x125xi32, #tpu.memory_space<vmem>> -> memref<1x125xi32, #tpu.memory_space<vmem>>
    %dma_start3A_60 = tpu.memref_squeeze %dma_start3A_59 : memref<1x125xi32, #tpu.memory_space<vmem>> -> memref<125xi32, #tpu.memory_space<vmem>>
    %dma_start3A_61 = arith.constant 0 : i32
    %dma_start3A_62 = arith.constant 0 : i32
    %dma_start3A_63 = tpu.memref_slice %arg4[%dma_start3A_61, %dma_start3A_62] : memref<10000x128xf32, #tpu.memory_space<hbm>> -> memref<10000x128xf32, #tpu.memory_space<hbm>>
    %dma_start3A_64 = tpu.memref_slice %arg10[%dma_start3A_54] : memref<2x!tpu.dma_semaphore, #tpu.memory_space<semaphore_mem>> -> memref<1x!tpu.dma_semaphore, #tpu.memory_space<semaphore_mem>>
    %dma_start3A_65 = tpu.memref_squeeze %dma_start3A_64 : memref<1x!tpu.dma_semaphore, #tpu.memory_space<semaphore_mem>> -> memref<!tpu.dma_semaphore, #tpu.memory_space<semaphore_mem>>
    tpu.enqueue_indirect_dma source(%dma_start3A_63 : memref<10000x128xf32, #tpu.memory_space<hbm>>) target(%dma_start3A_57 : memref<125x128xf32, #tpu.memory_space<vmem>>) offsets(%dma_start3A_60 : memref<125xi32, #tpu.memory_space<vmem>>) semaphore(%dma_start3A_65 : memref<!tpu.dma_semaphore, #tpu.memory_space<semaphore_mem>>)
    %dma_wait3A = arith.constant 0 : i32
    %dma_wait3A_66 = arith.constant 0 : i32
    %dma_wait3A_67 = arith.constant 0 : i32
    %dma_wait3A_68 = arith.constant 0 : i32
    %dma_wait3A_69 = tpu.memref_slice %arg7[%dma_wait3A, %dma_wait3A_67, %dma_wait3A_68] : memref<2x16x125xi32, #tpu.memory_space<vmem>> -> memref<1x16x125xi32, #tpu.memory_space<vmem>>
    %dma_wait3A_70 = tpu.memref_squeeze %dma_wait3A_69 : memref<1x16x125xi32, #tpu.memory_space<vmem>> -> memref<16x125xi32, #tpu.memory_space<vmem>>
    %dma_wait3A_71 = arith.constant 0 : i32
    %dma_wait3A_72 = arith.constant 0 : i32
    %dma_wait3A_73 = tpu.memref_slice %arg3[%add3A, %dma_wait3A_71, %dma_wait3A_72] : memref<32x80x125xi32, #tpu.memory_space<hbm>> -> memref<1x16x125xi32, #tpu.memory_space<hbm>>
    %dma_wait3A_74 = tpu.memref_squeeze %dma_wait3A_73 : memref<1x16x125xi32, #tpu.memory_space<hbm>> -> memref<16x125xi32, #tpu.memory_space<hbm>>
    %dma_wait3A_75 = tpu.memref_slice %arg11[%dma_wait3A_66] : memref<2x!tpu.dma_semaphore, #tpu.memory_space<semaphore_mem>> -> memref<1x!tpu.dma_semaphore, #tpu.memory_space<semaphore_mem>>
    %dma_wait3A_76 = tpu.memref_squeeze %dma_wait3A_75 : memref<1x!tpu.dma_semaphore, #tpu.memory_space<semaphore_mem>> -> memref<!tpu.dma_semaphore, #tpu.memory_space<semaphore_mem>>
    %dma_wait3A_77 = arith.constant 0 : i32
    %dma_wait3A_78 = arith.constant 0 : i32
    %dma_wait3A_79 = tpu.memref_slice %arg7[%dma_wait3A, %dma_wait3A_77, %dma_wait3A_78] : memref<2x16x125xi32, #tpu.memory_space<vmem>> -> memref<1x16x125xi32, #tpu.memory_space<vmem>>
    %dma_wait3A_80 = tpu.memref_squeeze %dma_wait3A_79 : memref<1x16x125xi32, #tpu.memory_space<vmem>> -> memref<16x125xi32, #tpu.memory_space<vmem>>
    %dma_wait3A_81 = arith.constant 0 : i32
    %dma_wait3A_82 = arith.constant 0 : i32
    %dma_wait3A_83 = tpu.memref_slice %arg3[%add3A, %dma_wait3A_81, %dma_wait3A_82] : memref<32x80x125xi32, #tpu.memory_space<hbm>> -> memref<1x16x125xi32, #tpu.memory_space<hbm>>
    %dma_wait3A_84 = tpu.memref_squeeze %dma_wait3A_83 : memref<1x16x125xi32, #tpu.memory_space<hbm>> -> memref<16x125xi32, #tpu.memory_space<hbm>>
    tpu.wait_dma2 semaphore(%dma_wait3A_76 : memref<!tpu.dma_semaphore, #tpu.memory_space<semaphore_mem>>) src(%dma_wait3A_84 : memref<16x125xi32, #tpu.memory_space<hbm>>) dst(%dma_wait3A_80 : memref<16x125xi32, #tpu.memory_space<vmem>>)
    %dma_start3A_85 = arith.constant 1 : i32
    %dma_start3A_86 = arith.constant 1 : i32
    %dma_start3A_87 = arith.constant 0 : i32
    %dma_start3A_88 = arith.constant 0 : i32
    %dma_start3A_89 = tpu.memref_slice %arg7[%dma_start3A_85, %dma_start3A_87, %dma_start3A_88] : memref<2x16x125xi32, #tpu.memory_space<vmem>> -> memref<1x16x125xi32, #tpu.memory_space<vmem>>
    %dma_start3A_90 = tpu.memref_squeeze %dma_start3A_89 : memref<1x16x125xi32, #tpu.memory_space<vmem>> -> memref<16x125xi32, #tpu.memory_space<vmem>>
    %dma_start3A_91 = arith.constant 16 : i32
    %dma_start3A_92 = arith.constant 0 : i32
    %dma_start3A_93 = tpu.memref_slice %arg3[%add3A, %dma_start3A_91, %dma_start3A_92] : memref<32x80x125xi32, #tpu.memory_space<hbm>> -> memref<1x16x125xi32, #tpu.memory_space<hbm>>
    %dma_start3A_94 = tpu.memref_squeeze %dma_start3A_93 : memref<1x16x125xi32, #tpu.memory_space<hbm>> -> memref<16x125xi32, #tpu.memory_space<hbm>>
    %dma_start3A_95 = tpu.memref_slice %arg11[%dma_start3A_86] : memref<2x!tpu.dma_semaphore, #tpu.memory_space<semaphore_mem>> -> memref<1x!tpu.dma_semaphore, #tpu.memory_space<semaphore_mem>>
    %dma_start3A_96 = tpu.memref_squeeze %dma_start3A_95 : memref<1x!tpu.dma_semaphore, #tpu.memory_space<semaphore_mem>> -> memref<!tpu.dma_semaphore, #tpu.memory_space<semaphore_mem>>
    %dma_start3A_97 = arith.constant 0 : i32
    %dma_start3A_98 = arith.constant 0 : i32
    %dma_start3A_99 = tpu.memref_slice %arg7[%dma_start3A_85, %dma_start3A_97, %dma_start3A_98] : memref<2x16x125xi32, #tpu.memory_space<vmem>> -> memref<1x16x125xi32, #tpu.memory_space<vmem>>
    %dma_start3A_100 = tpu.memref_squeeze %dma_start3A_99 : memref<1x16x125xi32, #tpu.memory_space<vmem>> -> memref<16x125xi32, #tpu.memory_space<vmem>>
    %dma_start3A_101 = arith.constant 16 : i32
    %dma_start3A_102 = arith.constant 0 : i32
    %dma_start3A_103 = tpu.memref_slice %arg3[%add3A, %dma_start3A_101, %dma_start3A_102] : memref<32x80x125xi32, #tpu.memory_space<hbm>> -> memref<1x16x125xi32, #tpu.memory_space<hbm>>
    %dma_start3A_104 = tpu.memref_squeeze %dma_start3A_103 : memref<1x16x125xi32, #tpu.memory_space<hbm>> -> memref<16x125xi32, #tpu.memory_space<hbm>>
    tpu.enqueue_dma source(%dma_start3A_104 : memref<16x125xi32, #tpu.memory_space<hbm>>) target(%dma_start3A_100 : memref<16x125xi32, #tpu.memory_space<vmem>>) target_semaphore(%dma_start3A_96 : memref<!tpu.dma_semaphore, #tpu.memory_space<semaphore_mem>>)
    %scan3A_105 = arith.constant 0 : i32
    %scan3A_106 = arith.constant 0 : i32
    %scan3A_107 = arith.constant 8 : i32
    %scan3A_108 = arith.addi %scan3A_106, %scan3A_107 : i32
    %scan3A_109 = arith.constant 1 : i32
    %scan3A_110 = scf.for %scan3A_295 = %scan3A_106 to %scan3A_108 step %scan3A_109 iter_args(%scan3A_296 = %scan3A_105) -> (i32)  : i32 {
      %mul3A_297 = arith.constant 2 : i32
      %mul3A_298 = arith.muli %scan3A_295, %mul3A_297 : i32
      %add3A_299 = arith.constant 0 : i32
      %add3A_300 = arith.addi %add3A_299, %mul3A_298 : i32
      %add3A_301 = arith.constant 0 : i32
      %add3A_302 = arith.addi %add3A_300, %add3A_301 : i32
      %dma_wait3A_303 = arith.constant 0 : i32
      %dma_wait3A_304 = arith.constant 0 : i32
      %dma_wait3A_305 = arith.constant 0 : i32
      %dma_wait3A_306 = tpu.memref_slice %arg8[%dma_wait3A_304, %dma_wait3A_305] : memref<256x128xf32, #tpu.memory_space<vmem>> -> memref<125x128xf32, #tpu.memory_space<vmem>>
      %dma_wait3A_307 = arith.constant 0 : i32
      %dma_wait3A_308 = tpu.memref_slice %arg6[%add3A_302, %dma_wait3A_307] : memref<80x125xi32, #tpu.memory_space<vmem>> -> memref<1x125xi32, #tpu.memory_space<vmem>>
      %dma_wait3A_309 = tpu.memref_squeeze %dma_wait3A_308 : memref<1x125xi32, #tpu.memory_space<vmem>> -> memref<125xi32, #tpu.memory_space<vmem>>
      %dma_wait3A_310 = arith.constant 0 : i32
      %dma_wait3A_311 = arith.constant 0 : i32
      %dma_wait3A_312 = tpu.memref_slice %arg4[%dma_wait3A_310, %dma_wait3A_311] : memref<10000x128xf32, #tpu.memory_space<hbm>> -> memref<10000x128xf32, #tpu.memory_space<hbm>>
      %dma_wait3A_313 = tpu.memref_slice %arg10[%dma_wait3A_303] : memref<2x!tpu.dma_semaphore, #tpu.memory_space<semaphore_mem>> -> memref<1x!tpu.dma_semaphore, #tpu.memory_space<semaphore_mem>>
      %dma_wait3A_314 = tpu.memref_squeeze %dma_wait3A_313 : memref<1x!tpu.dma_semaphore, #tpu.memory_space<semaphore_mem>> -> memref<!tpu.dma_semaphore, #tpu.memory_space<semaphore_mem>>
      tpu.wait_indirect_dma semaphore(%dma_wait3A_314 : memref<!tpu.dma_semaphore, #tpu.memory_space<semaphore_mem>>) src(%dma_wait3A_312 : memref<10000x128xf32, #tpu.memory_space<hbm>>) dst(%dma_wait3A_306 : memref<125x128xf32, #tpu.memory_space<vmem>>)
      %mul3A_315 = arith.constant 2 : i32
      %mul3A_316 = arith.muli %scan3A_295, %mul3A_315 : i32
      %add3A_317 = arith.constant 0 : i32
      %add3A_318 = arith.addi %mul3A_316, %add3A_317 : i32
      %run_scoped3A = arith.constant 0 : i32
      "tpu.region"() ({
        %run_scoped3A_354 = tpu.sem_alloc : memref<!tpu.dma_semaphore, #tpu.memory_space<semaphore_mem>>
        %dma_start3A_355 = arith.constant 0 : i32
        %dma_start3A_356 = arith.constant 0 : i32
        %dma_start3A_357 = tpu.memref_slice %arg8[%dma_start3A_355, %dma_start3A_356] : memref<256x128xf32, #tpu.memory_space<vmem>> -> memref<125x128xf32, #tpu.memory_space<vmem>>
        %dma_start3A_358 = arith.constant 0 : i32
        %dma_start3A_359 = tpu.memref_slice %arg7[%run_scoped3A, %add3A_318, %dma_start3A_358] : memref<2x16x125xi32, #tpu.memory_space<vmem>> -> memref<1x1x125xi32, #tpu.memory_space<vmem>>
        %dma_start3A_360 = tpu.memref_squeeze %dma_start3A_359 : memref<1x1x125xi32, #tpu.memory_space<vmem>> -> memref<125xi32, #tpu.memory_space<vmem>>
        %dma_start3A_361 = arith.constant 0 : i32
        %dma_start3A_362 = arith.constant 0 : i32
        %dma_start3A_363 = tpu.memref_slice %arg9[%dma_start3A_361, %dma_start3A_362] : memref<10240x128xf32, #tpu.memory_space<vmem_shared>> -> memref<10240x128xf32, #tpu.memory_space<vmem_shared>>
        tpu.enqueue_indirect_dma source(%dma_start3A_357 : memref<125x128xf32, #tpu.memory_space<vmem>>) target(%dma_start3A_363 : memref<10240x128xf32, #tpu.memory_space<vmem_shared>>) offsets(%dma_start3A_360 : memref<125xi32, #tpu.memory_space<vmem>>) semaphore(%run_scoped3A_354 : memref<!tpu.dma_semaphore, #tpu.memory_space<semaphore_mem>>) {add = true}
        %dma_wait3A_364 = arith.constant 0 : i32
        %dma_wait3A_365 = arith.constant 0 : i32
        %dma_wait3A_366 = tpu.memref_slice %arg8[%dma_wait3A_364, %dma_wait3A_365] : memref<256x128xf32, #tpu.memory_space<vmem>> -> memref<125x128xf32, #tpu.memory_space<vmem>>
        %dma_wait3A_367 = arith.constant 0 : i32
        %dma_wait3A_368 = tpu.memref_slice %arg7[%run_scoped3A, %add3A_318, %dma_wait3A_367] : memref<2x16x125xi32, #tpu.memory_space<vmem>> -> memref<1x1x125xi32, #tpu.memory_space<vmem>>
        %dma_wait3A_369 = tpu.memref_squeeze %dma_wait3A_368 : memref<1x1x125xi32, #tpu.memory_space<vmem>> -> memref<125xi32, #tpu.memory_space<vmem>>
        %dma_wait3A_370 = arith.constant 0 : i32
        %dma_wait3A_371 = arith.constant 0 : i32
        %dma_wait3A_372 = tpu.memref_slice %arg9[%dma_wait3A_370, %dma_wait3A_371] : memref<10240x128xf32, #tpu.memory_space<vmem_shared>> -> memref<10240x128xf32, #tpu.memory_space<vmem_shared>>
        tpu.wait_indirect_dma semaphore(%run_scoped3A_354 : memref<!tpu.dma_semaphore, #tpu.memory_space<semaphore_mem>>) src(%dma_wait3A_366 : memref<125x128xf32, #tpu.memory_space<vmem>>) dst(%dma_wait3A_372 : memref<10240x128xf32, #tpu.memory_space<vmem_shared>>)
        tpu.yield
      }) : () -> ()
      %add3A_319 = arith.constant 2 : i32
      %add3A_320 = arith.addi %add3A_302, %add3A_319 : i32
      %lt3A = arith.constant 80 : i32
      %lt3A_321 = arith.cmpi slt, %add3A_320, %lt3A : i32
      %convert_element_type3A = arith.extui %lt3A_321 : i1 to i32
      %cond3A = arith.constant 0 : i32
      %cond3A_322 = arith.cmpi ne, %convert_element_type3A, %cond3A : i32
      scf.if %cond3A_322 {
        %add3A_354 = arith.constant 2 : i32
        %add3A_355 = arith.addi %add3A_302, %add3A_354 : i32
        %dma_start3A_356 = arith.constant 0 : i32
        %dma_start3A_357 = arith.constant 0 : i32
        %dma_start3A_358 = arith.constant 0 : i32
        %dma_start3A_359 = tpu.memref_slice %arg8[%dma_start3A_357, %dma_start3A_358] : memref<256x128xf32, #tpu.memory_space<vmem>> -> memref<125x128xf32, #tpu.memory_space<vmem>>
        %dma_start3A_360 = arith.constant 0 : i32
        %dma_start3A_361 = tpu.memref_slice %arg6[%add3A_355, %dma_start3A_360] : memref<80x125xi32, #tpu.memory_space<vmem>> -> memref<1x125xi32, #tpu.memory_space<vmem>>
        %dma_start3A_362 = tpu.memref_squeeze %dma_start3A_361 : memref<1x125xi32, #tpu.memory_space<vmem>> -> memref<125xi32, #tpu.memory_space<vmem>>
        %dma_start3A_363 = arith.constant 0 : i32
        %dma_start3A_364 = arith.constant 0 : i32
        %dma_start3A_365 = tpu.memref_slice %arg4[%dma_start3A_363, %dma_start3A_364] : memref<10000x128xf32, #tpu.memory_space<hbm>> -> memref<10000x128xf32, #tpu.memory_space<hbm>>
        %dma_start3A_366 = tpu.memref_slice %arg10[%dma_start3A_356] : memref<2x!tpu.dma_semaphore, #tpu.memory_space<semaphore_mem>> -> memref<1x!tpu.dma_semaphore, #tpu.memory_space<semaphore_mem>>
        %dma_start3A_367 = tpu.memref_squeeze %dma_start3A_366 : memref<1x!tpu.dma_semaphore, #tpu.memory_space<semaphore_mem>> -> memref<!tpu.dma_semaphore, #tpu.memory_space<semaphore_mem>>
        tpu.enqueue_indirect_dma source(%dma_start3A_365 : memref<10000x128xf32, #tpu.memory_space<hbm>>) target(%dma_start3A_359 : memref<125x128xf32, #tpu.memory_space<vmem>>) offsets(%dma_start3A_362 : memref<125xi32, #tpu.memory_space<vmem>>) semaphore(%dma_start3A_367 : memref<!tpu.dma_semaphore, #tpu.memory_space<semaphore_mem>>)
      } else {
      }
      %mul3A_323 = arith.constant 2 : i32
      %mul3A_324 = arith.muli %scan3A_295, %mul3A_323 : i32
      %add3A_325 = arith.constant 0 : i32
      %add3A_326 = arith.addi %add3A_325, %mul3A_324 : i32
      %add3A_327 = arith.constant 1 : i32
      %add3A_328 = arith.addi %add3A_326, %add3A_327 : i32
      %dma_wait3A_329 = arith.constant 1 : i32
      %dma_wait3A_330 = arith.constant 128 : i32
      %dma_wait3A_331 = arith.constant 0 : i32
      %dma_wait3A_332 = tpu.memref_slice %arg8[%dma_wait3A_330, %dma_wait3A_331] : memref<256x128xf32, #tpu.memory_space<vmem>> -> memref<125x128xf32, #tpu.memory_space<vmem>>
      %dma_wait3A_333 = arith.constant 0 : i32
      %dma_wait3A_334 = tpu.memref_slice %arg6[%add3A_328, %dma_wait3A_333] : memref<80x125xi32, #tpu.memory_space<vmem>> -> memref<1x125xi32, #tpu.memory_space<vmem>>
      %dma_wait3A_335 = tpu.memref_squeeze %dma_wait3A_334 : memref<1x125xi32, #tpu.memory_space<vmem>> -> memref<125xi32, #tpu.memory_space<vmem>>
      %dma_wait3A_336 = arith.constant 0 : i32
      %dma_wait3A_337 = arith.constant 0 : i32
      %dma_wait3A_338 = tpu.memref_slice %arg4[%dma_wait3A_336, %dma_wait3A_337] : memref<10000x128xf32, #tpu.memory_space<hbm>> -> memref<10000x128xf32, #tpu.memory_space<hbm>>
      %dma_wait3A_339 = tpu.memref_slice %arg10[%dma_wait3A_329] : memref<2x!tpu.dma_semaphore, #tpu.memory_space<semaphore_mem>> -> memref<1x!tpu.dma_semaphore, #tpu.memory_space<semaphore_mem>>
      %dma_wait3A_340 = tpu.memref_squeeze %dma_wait3A_339 : memref<1x!tpu.dma_semaphore, #tpu.memory_space<semaphore_mem>> -> memref<!tpu.dma_semaphore, #tpu.memory_space<semaphore_mem>>
      tpu.wait_indirect_dma semaphore(%dma_wait3A_340 : memref<!tpu.dma_semaphore, #tpu.memory_space<semaphore_mem>>) src(%dma_wait3A_338 : memref<10000x128xf32, #tpu.memory_space<hbm>>) dst(%dma_wait3A_332 : memref<125x128xf32, #tpu.memory_space<vmem>>)
      %mul3A_341 = arith.constant 2 : i32
      %mul3A_342 = arith.muli %scan3A_295, %mul3A_341 : i32
      %add3A_343 = arith.constant 1 : i32
      %add3A_344 = arith.addi %mul3A_342, %add3A_343 : i32
      %run_scoped3A_345 = arith.constant 0 : i32
      "tpu.region"() ({
        %run_scoped3A_354 = tpu.sem_alloc : memref<!tpu.dma_semaphore, #tpu.memory_space<semaphore_mem>>
        %dma_start3A_355 = arith.constant 128 : i32
        %dma_start3A_356 = arith.constant 0 : i32
        %dma_start3A_357 = tpu.memref_slice %arg8[%dma_start3A_355, %dma_start3A_356] : memref<256x128xf32, #tpu.memory_space<vmem>> -> memref<125x128xf32, #tpu.memory_space<vmem>>
        %dma_start3A_358 = arith.constant 0 : i32
        %dma_start3A_359 = tpu.memref_slice %arg7[%run_scoped3A_345, %add3A_344, %dma_start3A_358] : memref<2x16x125xi32, #tpu.memory_space<vmem>> -> memref<1x1x125xi32, #tpu.memory_space<vmem>>
        %dma_start3A_360 = tpu.memref_squeeze %dma_start3A_359 : memref<1x1x125xi32, #tpu.memory_space<vmem>> -> memref<125xi32, #tpu.memory_space<vmem>>
        %dma_start3A_361 = arith.constant 0 : i32
        %dma_start3A_362 = arith.constant 0 : i32
        %dma_start3A_363 = tpu.memref_slice %arg9[%dma_start3A_361, %dma_start3A_362] : memref<10240x128xf32, #tpu.memory_space<vmem_shared>> -> memref<10240x128xf32, #tpu.memory_space<vmem_shared>>
        tpu.enqueue_indirect_dma source(%dma_start3A_357 : memref<125x128xf32, #tpu.memory_space<vmem>>) target(%dma_start3A_363 : memref<10240x128xf32, #tpu.memory_space<vmem_shared>>) offsets(%dma_start3A_360 : memref<125xi32, #tpu.memory_space<vmem>>) semaphore(%run_scoped3A_354 : memref<!tpu.dma_semaphore, #tpu.memory_space<semaphore_mem>>) {add = true}
        %dma_wait3A_364 = arith.constant 128 : i32
        %dma_wait3A_365 = arith.constant 0 : i32
        %dma_wait3A_366 = tpu.memref_slice %arg8[%dma_wait3A_364, %dma_wait3A_365] : memref<256x128xf32, #tpu.memory_space<vmem>> -> memref<125x128xf32, #tpu.memory_space<vmem>>
        %dma_wait3A_367 = arith.constant 0 : i32
        %dma_wait3A_368 = tpu.memref_slice %arg7[%run_scoped3A_345, %add3A_344, %dma_wait3A_367] : memref<2x16x125xi32, #tpu.memory_space<vmem>> -> memref<1x1x125xi32, #tpu.memory_space<vmem>>
        %dma_wait3A_369 = tpu.memref_squeeze %dma_wait3A_368 : memref<1x1x125xi32, #tpu.memory_space<vmem>> -> memref<125xi32, #tpu.memory_space<vmem>>
        %dma_wait3A_370 = arith.constant 0 : i32
        %dma_wait3A_371 = arith.constant 0 : i32
        %dma_wait3A_372 = tpu.memref_slice %arg9[%dma_wait3A_370, %dma_wait3A_371] : memref<10240x128xf32, #tpu.memory_space<vmem_shared>> -> memref<10240x128xf32, #tpu.memory_space<vmem_shared>>
        tpu.wait_indirect_dma semaphore(%run_scoped3A_354 : memref<!tpu.dma_semaphore, #tpu.memory_space<semaphore_mem>>) src(%dma_wait3A_366 : memref<125x128xf32, #tpu.memory_space<vmem>>) dst(%dma_wait3A_372 : memref<10240x128xf32, #tpu.memory_space<vmem_shared>>)
        tpu.yield
      }) : () -> ()
      %add3A_346 = arith.constant 2 : i32
      %add3A_347 = arith.addi %add3A_328, %add3A_346 : i32
      %lt3A_348 = arith.constant 80 : i32
      %lt3A_349 = arith.cmpi slt, %add3A_347, %lt3A_348 : i32
      %convert_element_type3A_350 = arith.extui %lt3A_349 : i1 to i32
      %cond3A_351 = arith.constant 0 : i32
      %cond3A_352 = arith.cmpi ne, %convert_element_type3A_350, %cond3A_351 : i32
      scf.if %cond3A_352 {
        %add3A_354 = arith.constant 2 : i32
        %add3A_355 = arith.addi %add3A_328, %add3A_354 : i32
        %dma_start3A_356 = arith.constant 1 : i32
        %dma_start3A_357 = arith.constant 128 : i32
        %dma_start3A_358 = arith.constant 0 : i32
        %dma_start3A_359 = tpu.memref_slice %arg8[%dma_start3A_357, %dma_start3A_358] : memref<256x128xf32, #tpu.memory_space<vmem>> -> memref<125x128xf32, #tpu.memory_space<vmem>>
        %dma_start3A_360 = arith.constant 0 : i32
        %dma_start3A_361 = tpu.memref_slice %arg6[%add3A_355, %dma_start3A_360] : memref<80x125xi32, #tpu.memory_space<vmem>> -> memref<1x125xi32, #tpu.memory_space<vmem>>
        %dma_start3A_362 = tpu.memref_squeeze %dma_start3A_361 : memref<1x125xi32, #tpu.memory_space<vmem>> -> memref<125xi32, #tpu.memory_space<vmem>>
        %dma_start3A_363 = arith.constant 0 : i32
        %dma_start3A_364 = arith.constant 0 : i32
        %dma_start3A_365 = tpu.memref_slice %arg4[%dma_start3A_363, %dma_start3A_364] : memref<10000x128xf32, #tpu.memory_space<hbm>> -> memref<10000x128xf32, #tpu.memory_space<hbm>>
        %dma_start3A_366 = tpu.memref_slice %arg10[%dma_start3A_356] : memref<2x!tpu.dma_semaphore, #tpu.memory_space<semaphore_mem>> -> memref<1x!tpu.dma_semaphore, #tpu.memory_space<semaphore_mem>>
        %dma_start3A_367 = tpu.memref_squeeze %dma_start3A_366 : memref<1x!tpu.dma_semaphore, #tpu.memory_space<semaphore_mem>> -> memref<!tpu.dma_semaphore, #tpu.memory_space<semaphore_mem>>
        tpu.enqueue_indirect_dma source(%dma_start3A_365 : memref<10000x128xf32, #tpu.memory_space<hbm>>) target(%dma_start3A_359 : memref<125x128xf32, #tpu.memory_space<vmem>>) offsets(%dma_start3A_362 : memref<125xi32, #tpu.memory_space<vmem>>) semaphore(%dma_start3A_367 : memref<!tpu.dma_semaphore, #tpu.memory_space<semaphore_mem>>)
      } else {
      }
      %scan3A_353 = arith.constant 0 : i32
      scf.yield %scan3A_353 : i32
    }
    %scan3A_111 = arith.constant 8 : i32
    %dma_wait3A_112 = arith.constant 1 : i32
    %dma_wait3A_113 = arith.constant 1 : i32
    %dma_wait3A_114 = arith.constant 0 : i32
    %dma_wait3A_115 = arith.constant 0 : i32
    %dma_wait3A_116 = tpu.memref_slice %arg7[%dma_wait3A_112, %dma_wait3A_114, %dma_wait3A_115] : memref<2x16x125xi32, #tpu.memory_space<vmem>> -> memref<1x16x125xi32, #tpu.memory_space<vmem>>
    %dma_wait3A_117 = tpu.memref_squeeze %dma_wait3A_116 : memref<1x16x125xi32, #tpu.memory_space<vmem>> -> memref<16x125xi32, #tpu.memory_space<vmem>>
    %dma_wait3A_118 = arith.constant 16 : i32
    %dma_wait3A_119 = arith.constant 0 : i32
    %dma_wait3A_120 = tpu.memref_slice %arg3[%add3A, %dma_wait3A_118, %dma_wait3A_119] : memref<32x80x125xi32, #tpu.memory_space<hbm>> -> memref<1x16x125xi32, #tpu.memory_space<hbm>>
    %dma_wait3A_121 = tpu.memref_squeeze %dma_wait3A_120 : memref<1x16x125xi32, #tpu.memory_space<hbm>> -> memref<16x125xi32, #tpu.memory_space<hbm>>
    %dma_wait3A_122 = tpu.memref_slice %arg11[%dma_wait3A_113] : memref<2x!tpu.dma_semaphore, #tpu.memory_space<semaphore_mem>> -> memref<1x!tpu.dma_semaphore, #tpu.memory_space<semaphore_mem>>
    %dma_wait3A_123 = tpu.memref_squeeze %dma_wait3A_122 : memref<1x!tpu.dma_semaphore, #tpu.memory_space<semaphore_mem>> -> memref<!tpu.dma_semaphore, #tpu.memory_space<semaphore_mem>>
    %dma_wait3A_124 = arith.constant 0 : i32
    %dma_wait3A_125 = arith.constant 0 : i32
    %dma_wait3A_126 = tpu.memref_slice %arg7[%dma_wait3A_112, %dma_wait3A_124, %dma_wait3A_125] : memref<2x16x125xi32, #tpu.memory_space<vmem>> -> memref<1x16x125xi32, #tpu.memory_space<vmem>>
    %dma_wait3A_127 = tpu.memref_squeeze %dma_wait3A_126 : memref<1x16x125xi32, #tpu.memory_space<vmem>> -> memref<16x125xi32, #tpu.memory_space<vmem>>
    %dma_wait3A_128 = arith.constant 16 : i32
    %dma_wait3A_129 = arith.constant 0 : i32
    %dma_wait3A_130 = tpu.memref_slice %arg3[%add3A, %dma_wait3A_128, %dma_wait3A_129] : memref<32x80x125xi32, #tpu.memory_space<hbm>> -> memref<1x16x125xi32, #tpu.memory_space<hbm>>
    %dma_wait3A_131 = tpu.memref_squeeze %dma_wait3A_130 : memref<1x16x125xi32, #tpu.memory_space<hbm>> -> memref<16x125xi32, #tpu.memory_space<hbm>>
    tpu.wait_dma2 semaphore(%dma_wait3A_123 : memref<!tpu.dma_semaphore, #tpu.memory_space<semaphore_mem>>) src(%dma_wait3A_131 : memref<16x125xi32, #tpu.memory_space<hbm>>) dst(%dma_wait3A_127 : memref<16x125xi32, #tpu.memory_space<vmem>>)
    %dma_start3A_132 = arith.constant 0 : i32
    %dma_start3A_133 = arith.constant 0 : i32
    %dma_start3A_134 = arith.constant 0 : i32
    %dma_start3A_135 = arith.constant 0 : i32
    %dma_start3A_136 = tpu.memref_slice %arg7[%dma_start3A_132, %dma_start3A_134, %dma_start3A_135] : memref<2x16x125xi32, #tpu.memory_space<vmem>> -> memref<1x16x125xi32, #tpu.memory_space<vmem>>
    %dma_start3A_137 = tpu.memref_squeeze %dma_start3A_136 : memref<1x16x125xi32, #tpu.memory_space<vmem>> -> memref<16x125xi32, #tpu.memory_space<vmem>>
    %dma_start3A_138 = arith.constant 32 : i32
    %dma_start3A_139 = arith.constant 0 : i32
    %dma_start3A_140 = tpu.memref_slice %arg3[%add3A, %dma_start3A_138, %dma_start3A_139] : memref<32x80x125xi32, #tpu.memory_space<hbm>> -> memref<1x16x125xi32, #tpu.memory_space<hbm>>
    %dma_start3A_141 = tpu.memref_squeeze %dma_start3A_140 : memref<1x16x125xi32, #tpu.memory_space<hbm>> -> memref<16x125xi32, #tpu.memory_space<hbm>>
    %dma_start3A_142 = tpu.memref_slice %arg11[%dma_start3A_133] : memref<2x!tpu.dma_semaphore, #tpu.memory_space<semaphore_mem>> -> memref<1x!tpu.dma_semaphore, #tpu.memory_space<semaphore_mem>>
    %dma_start3A_143 = tpu.memref_squeeze %dma_start3A_142 : memref<1x!tpu.dma_semaphore, #tpu.memory_space<semaphore_mem>> -> memref<!tpu.dma_semaphore, #tpu.memory_space<semaphore_mem>>
    %dma_start3A_144 = arith.constant 0 : i32
    %dma_start3A_145 = arith.constant 0 : i32
    %dma_start3A_146 = tpu.memref_slice %arg7[%dma_start3A_132, %dma_start3A_144, %dma_start3A_145] : memref<2x16x125xi32, #tpu.memory_space<vmem>> -> memref<1x16x125xi32, #tpu.memory_space<vmem>>
    %dma_start3A_147 = tpu.memref_squeeze %dma_start3A_146 : memref<1x16x125xi32, #tpu.memory_space<vmem>> -> memref<16x125xi32, #tpu.memory_space<vmem>>
    %dma_start3A_148 = arith.constant 32 : i32
    %dma_start3A_149 = arith.constant 0 : i32
    %dma_start3A_150 = tpu.memref_slice %arg3[%add3A, %dma_start3A_148, %dma_start3A_149] : memref<32x80x125xi32, #tpu.memory_space<hbm>> -> memref<1x16x125xi32, #tpu.memory_space<hbm>>
    %dma_start3A_151 = tpu.memref_squeeze %dma_start3A_150 : memref<1x16x125xi32, #tpu.memory_space<hbm>> -> memref<16x125xi32, #tpu.memory_space<hbm>>
    tpu.enqueue_dma source(%dma_start3A_151 : memref<16x125xi32, #tpu.memory_space<hbm>>) target(%dma_start3A_147 : memref<16x125xi32, #tpu.memory_space<vmem>>) target_semaphore(%dma_start3A_143 : memref<!tpu.dma_semaphore, #tpu.memory_space<semaphore_mem>>)
    %scan3A_152 = arith.constant 0 : i32
    %scan3A_153 = arith.constant 0 : i32
    %scan3A_154 = arith.constant 8 : i32
    %scan3A_155 = arith.addi %scan3A_153, %scan3A_154 : i32
    %scan3A_156 = arith.constant 1 : i32
    %scan3A_157 = scf.for %scan3A_295 = %scan3A_153 to %scan3A_155 step %scan3A_156 iter_args(%scan3A_296 = %scan3A_152) -> (i32)  : i32 {
      %mul3A_297 = arith.constant 2 : i32
      %mul3A_298 = arith.muli %scan3A_295, %mul3A_297 : i32
      %add3A_299 = arith.constant 16 : i32
      %add3A_300 = arith.addi %add3A_299, %mul3A_298 : i32
      %add3A_301 = arith.constant 0 : i32
      %add3A_302 = arith.addi %add3A_300, %add3A_301 : i32
      %dma_wait3A_303 = arith.constant 0 : i32
      %dma_wait3A_304 = arith.constant 0 : i32
      %dma_wait3A_305 = arith.constant 0 : i32
      %dma_wait3A_306 = tpu.memref_slice %arg8[%dma_wait3A_304, %dma_wait3A_305] : memref<256x128xf32, #tpu.memory_space<vmem>> -> memref<125x128xf32, #tpu.memory_space<vmem>>
      %dma_wait3A_307 = arith.constant 0 : i32
      %dma_wait3A_308 = tpu.memref_slice %arg6[%add3A_302, %dma_wait3A_307] : memref<80x125xi32, #tpu.memory_space<vmem>> -> memref<1x125xi32, #tpu.memory_space<vmem>>
      %dma_wait3A_309 = tpu.memref_squeeze %dma_wait3A_308 : memref<1x125xi32, #tpu.memory_space<vmem>> -> memref<125xi32, #tpu.memory_space<vmem>>
      %dma_wait3A_310 = arith.constant 0 : i32
      %dma_wait3A_311 = arith.constant 0 : i32
      %dma_wait3A_312 = tpu.memref_slice %arg4[%dma_wait3A_310, %dma_wait3A_311] : memref<10000x128xf32, #tpu.memory_space<hbm>> -> memref<10000x128xf32, #tpu.memory_space<hbm>>
      %dma_wait3A_313 = tpu.memref_slice %arg10[%dma_wait3A_303] : memref<2x!tpu.dma_semaphore, #tpu.memory_space<semaphore_mem>> -> memref<1x!tpu.dma_semaphore, #tpu.memory_space<semaphore_mem>>
      %dma_wait3A_314 = tpu.memref_squeeze %dma_wait3A_313 : memref<1x!tpu.dma_semaphore, #tpu.memory_space<semaphore_mem>> -> memref<!tpu.dma_semaphore, #tpu.memory_space<semaphore_mem>>
      tpu.wait_indirect_dma semaphore(%dma_wait3A_314 : memref<!tpu.dma_semaphore, #tpu.memory_space<semaphore_mem>>) src(%dma_wait3A_312 : memref<10000x128xf32, #tpu.memory_space<hbm>>) dst(%dma_wait3A_306 : memref<125x128xf32, #tpu.memory_space<vmem>>)
      %mul3A_315 = arith.constant 2 : i32
      %mul3A_316 = arith.muli %scan3A_295, %mul3A_315 : i32
      %add3A_317 = arith.constant 0 : i32
      %add3A_318 = arith.addi %mul3A_316, %add3A_317 : i32
      %run_scoped3A = arith.constant 1 : i32
      "tpu.region"() ({
        %run_scoped3A_354 = tpu.sem_alloc : memref<!tpu.dma_semaphore, #tpu.memory_space<semaphore_mem>>
        %dma_start3A_355 = arith.constant 0 : i32
        %dma_start3A_356 = arith.constant 0 : i32
        %dma_start3A_357 = tpu.memref_slice %arg8[%dma_start3A_355, %dma_start3A_356] : memref<256x128xf32, #tpu.memory_space<vmem>> -> memref<125x128xf32, #tpu.memory_space<vmem>>
        %dma_start3A_358 = arith.constant 0 : i32
        %dma_start3A_359 = tpu.memref_slice %arg7[%run_scoped3A, %add3A_318, %dma_start3A_358] : memref<2x16x125xi32, #tpu.memory_space<vmem>> -> memref<1x1x125xi32, #tpu.memory_space<vmem>>
        %dma_start3A_360 = tpu.memref_squeeze %dma_start3A_359 : memref<1x1x125xi32, #tpu.memory_space<vmem>> -> memref<125xi32, #tpu.memory_space<vmem>>
        %dma_start3A_361 = arith.constant 0 : i32
        %dma_start3A_362 = arith.constant 0 : i32
        %dma_start3A_363 = tpu.memref_slice %arg9[%dma_start3A_361, %dma_start3A_362] : memref<10240x128xf32, #tpu.memory_space<vmem_shared>> -> memref<10240x128xf32, #tpu.memory_space<vmem_shared>>
        tpu.enqueue_indirect_dma source(%dma_start3A_357 : memref<125x128xf32, #tpu.memory_space<vmem>>) target(%dma_start3A_363 : memref<10240x128xf32, #tpu.memory_space<vmem_shared>>) offsets(%dma_start3A_360 : memref<125xi32, #tpu.memory_space<vmem>>) semaphore(%run_scoped3A_354 : memref<!tpu.dma_semaphore, #tpu.memory_space<semaphore_mem>>) {add = true}
        %dma_wait3A_364 = arith.constant 0 : i32
        %dma_wait3A_365 = arith.constant 0 : i32
        %dma_wait3A_366 = tpu.memref_slice %arg8[%dma_wait3A_364, %dma_wait3A_365] : memref<256x128xf32, #tpu.memory_space<vmem>> -> memref<125x128xf32, #tpu.memory_space<vmem>>
        %dma_wait3A_367 = arith.constant 0 : i32
        %dma_wait3A_368 = tpu.memref_slice %arg7[%run_scoped3A, %add3A_318, %dma_wait3A_367] : memref<2x16x125xi32, #tpu.memory_space<vmem>> -> memref<1x1x125xi32, #tpu.memory_space<vmem>>
        %dma_wait3A_369 = tpu.memref_squeeze %dma_wait3A_368 : memref<1x1x125xi32, #tpu.memory_space<vmem>> -> memref<125xi32, #tpu.memory_space<vmem>>
        %dma_wait3A_370 = arith.constant 0 : i32
        %dma_wait3A_371 = arith.constant 0 : i32
        %dma_wait3A_372 = tpu.memref_slice %arg9[%dma_wait3A_370, %dma_wait3A_371] : memref<10240x128xf32, #tpu.memory_space<vmem_shared>> -> memref<10240x128xf32, #tpu.memory_space<vmem_shared>>
        tpu.wait_indirect_dma semaphore(%run_scoped3A_354 : memref<!tpu.dma_semaphore, #tpu.memory_space<semaphore_mem>>) src(%dma_wait3A_366 : memref<125x128xf32, #tpu.memory_space<vmem>>) dst(%dma_wait3A_372 : memref<10240x128xf32, #tpu.memory_space<vmem_shared>>)
        tpu.yield
      }) : () -> ()
      %add3A_319 = arith.constant 2 : i32
      %add3A_320 = arith.addi %add3A_302, %add3A_319 : i32
      %lt3A = arith.constant 80 : i32
      %lt3A_321 = arith.cmpi slt, %add3A_320, %lt3A : i32
      %convert_element_type3A = arith.extui %lt3A_321 : i1 to i32
      %cond3A = arith.constant 0 : i32
      %cond3A_322 = arith.cmpi ne, %convert_element_type3A, %cond3A : i32
      scf.if %cond3A_322 {
        %add3A_354 = arith.constant 2 : i32
        %add3A_355 = arith.addi %add3A_302, %add3A_354 : i32
        %dma_start3A_356 = arith.constant 0 : i32
        %dma_start3A_357 = arith.constant 0 : i32
        %dma_start3A_358 = arith.constant 0 : i32
        %dma_start3A_359 = tpu.memref_slice %arg8[%dma_start3A_357, %dma_start3A_358] : memref<256x128xf32, #tpu.memory_space<vmem>> -> memref<125x128xf32, #tpu.memory_space<vmem>>
        %dma_start3A_360 = arith.constant 0 : i32
        %dma_start3A_361 = tpu.memref_slice %arg6[%add3A_355, %dma_start3A_360] : memref<80x125xi32, #tpu.memory_space<vmem>> -> memref<1x125xi32, #tpu.memory_space<vmem>>
        %dma_start3A_362 = tpu.memref_squeeze %dma_start3A_361 : memref<1x125xi32, #tpu.memory_space<vmem>> -> memref<125xi32, #tpu.memory_space<vmem>>
        %dma_start3A_363 = arith.constant 0 : i32
        %dma_start3A_364 = arith.constant 0 : i32
        %dma_start3A_365 = tpu.memref_slice %arg4[%dma_start3A_363, %dma_start3A_364] : memref<10000x128xf32, #tpu.memory_space<hbm>> -> memref<10000x128xf32, #tpu.memory_space<hbm>>
        %dma_start3A_366 = tpu.memref_slice %arg10[%dma_start3A_356] : memref<2x!tpu.dma_semaphore, #tpu.memory_space<semaphore_mem>> -> memref<1x!tpu.dma_semaphore, #tpu.memory_space<semaphore_mem>>
        %dma_start3A_367 = tpu.memref_squeeze %dma_start3A_366 : memref<1x!tpu.dma_semaphore, #tpu.memory_space<semaphore_mem>> -> memref<!tpu.dma_semaphore, #tpu.memory_space<semaphore_mem>>
        tpu.enqueue_indirect_dma source(%dma_start3A_365 : memref<10000x128xf32, #tpu.memory_space<hbm>>) target(%dma_start3A_359 : memref<125x128xf32, #tpu.memory_space<vmem>>) offsets(%dma_start3A_362 : memref<125xi32, #tpu.memory_space<vmem>>) semaphore(%dma_start3A_367 : memref<!tpu.dma_semaphore, #tpu.memory_space<semaphore_mem>>)
      } else {
      }
      %mul3A_323 = arith.constant 2 : i32
      %mul3A_324 = arith.muli %scan3A_295, %mul3A_323 : i32
      %add3A_325 = arith.constant 16 : i32
      %add3A_326 = arith.addi %add3A_325, %mul3A_324 : i32
      %add3A_327 = arith.constant 1 : i32
      %add3A_328 = arith.addi %add3A_326, %add3A_327 : i32
      %dma_wait3A_329 = arith.constant 1 : i32
      %dma_wait3A_330 = arith.constant 128 : i32
      %dma_wait3A_331 = arith.constant 0 : i32
      %dma_wait3A_332 = tpu.memref_slice %arg8[%dma_wait3A_330, %dma_wait3A_331] : memref<256x128xf32, #tpu.memory_space<vmem>> -> memref<125x128xf32, #tpu.memory_space<vmem>>
      %dma_wait3A_333 = arith.constant 0 : i32
      %dma_wait3A_334 = tpu.memref_slice %arg6[%add3A_328, %dma_wait3A_333] : memref<80x125xi32, #tpu.memory_space<vmem>> -> memref<1x125xi32, #tpu.memory_space<vmem>>
      %dma_wait3A_335 = tpu.memref_squeeze %dma_wait3A_334 : memref<1x125xi32, #tpu.memory_space<vmem>> -> memref<125xi32, #tpu.memory_space<vmem>>
      %dma_wait3A_336 = arith.constant 0 : i32
      %dma_wait3A_337 = arith.constant 0 : i32
      %dma_wait3A_338 = tpu.memref_slice %arg4[%dma_wait3A_336, %dma_wait3A_337] : memref<10000x128xf32, #tpu.memory_space<hbm>> -> memref<10000x128xf32, #tpu.memory_space<hbm>>
      %dma_wait3A_339 = tpu.memref_slice %arg10[%dma_wait3A_329] : memref<2x!tpu.dma_semaphore, #tpu.memory_space<semaphore_mem>> -> memref<1x!tpu.dma_semaphore, #tpu.memory_space<semaphore_mem>>
      %dma_wait3A_340 = tpu.memref_squeeze %dma_wait3A_339 : memref<1x!tpu.dma_semaphore, #tpu.memory_space<semaphore_mem>> -> memref<!tpu.dma_semaphore, #tpu.memory_space<semaphore_mem>>
      tpu.wait_indirect_dma semaphore(%dma_wait3A_340 : memref<!tpu.dma_semaphore, #tpu.memory_space<semaphore_mem>>) src(%dma_wait3A_338 : memref<10000x128xf32, #tpu.memory_space<hbm>>) dst(%dma_wait3A_332 : memref<125x128xf32, #tpu.memory_space<vmem>>)
      %mul3A_341 = arith.constant 2 : i32
      %mul3A_342 = arith.muli %scan3A_295, %mul3A_341 : i32
      %add3A_343 = arith.constant 1 : i32
      %add3A_344 = arith.addi %mul3A_342, %add3A_343 : i32
      %run_scoped3A_345 = arith.constant 1 : i32
      "tpu.region"() ({
        %run_scoped3A_354 = tpu.sem_alloc : memref<!tpu.dma_semaphore, #tpu.memory_space<semaphore_mem>>
        %dma_start3A_355 = arith.constant 128 : i32
        %dma_start3A_356 = arith.constant 0 : i32
        %dma_start3A_357 = tpu.memref_slice %arg8[%dma_start3A_355, %dma_start3A_356] : memref<256x128xf32, #tpu.memory_space<vmem>> -> memref<125x128xf32, #tpu.memory_space<vmem>>
        %dma_start3A_358 = arith.constant 0 : i32
        %dma_start3A_359 = tpu.memref_slice %arg7[%run_scoped3A_345, %add3A_344, %dma_start3A_358] : memref<2x16x125xi32, #tpu.memory_space<vmem>> -> memref<1x1x125xi32, #tpu.memory_space<vmem>>
        %dma_start3A_360 = tpu.memref_squeeze %dma_start3A_359 : memref<1x1x125xi32, #tpu.memory_space<vmem>> -> memref<125xi32, #tpu.memory_space<vmem>>
        %dma_start3A_361 = arith.constant 0 : i32
        %dma_start3A_362 = arith.constant 0 : i32
        %dma_start3A_363 = tpu.memref_slice %arg9[%dma_start3A_361, %dma_start3A_362] : memref<10240x128xf32, #tpu.memory_space<vmem_shared>> -> memref<10240x128xf32, #tpu.memory_space<vmem_shared>>
        tpu.enqueue_indirect_dma source(%dma_start3A_357 : memref<125x128xf32, #tpu.memory_space<vmem>>) target(%dma_start3A_363 : memref<10240x128xf32, #tpu.memory_space<vmem_shared>>) offsets(%dma_start3A_360 : memref<125xi32, #tpu.memory_space<vmem>>) semaphore(%run_scoped3A_354 : memref<!tpu.dma_semaphore, #tpu.memory_space<semaphore_mem>>) {add = true}
        %dma_wait3A_364 = arith.constant 128 : i32
        %dma_wait3A_365 = arith.constant 0 : i32
        %dma_wait3A_366 = tpu.memref_slice %arg8[%dma_wait3A_364, %dma_wait3A_365] : memref<256x128xf32, #tpu.memory_space<vmem>> -> memref<125x128xf32, #tpu.memory_space<vmem>>
        %dma_wait3A_367 = arith.constant 0 : i32
        %dma_wait3A_368 = tpu.memref_slice %arg7[%run_scoped3A_345, %add3A_344, %dma_wait3A_367] : memref<2x16x125xi32, #tpu.memory_space<vmem>> -> memref<1x1x125xi32, #tpu.memory_space<vmem>>
        %dma_wait3A_369 = tpu.memref_squeeze %dma_wait3A_368 : memref<1x1x125xi32, #tpu.memory_space<vmem>> -> memref<125xi32, #tpu.memory_space<vmem>>
        %dma_wait3A_370 = arith.constant 0 : i32
        %dma_wait3A_371 = arith.constant 0 : i32
        %dma_wait3A_372 = tpu.memref_slice %arg9[%dma_wait3A_370, %dma_wait3A_371] : memref<10240x128xf32, #tpu.memory_space<vmem_shared>> -> memref<10240x128xf32, #tpu.memory_space<vmem_shared>>
        tpu.wait_indirect_dma semaphore(%run_scoped3A_354 : memref<!tpu.dma_semaphore, #tpu.memory_space<semaphore_mem>>) src(%dma_wait3A_366 : memref<125x128xf32, #tpu.memory_space<vmem>>) dst(%dma_wait3A_372 : memref<10240x128xf32, #tpu.memory_space<vmem_shared>>)
        tpu.yield
      }) : () -> ()
      %add3A_346 = arith.constant 2 : i32
      %add3A_347 = arith.addi %add3A_328, %add3A_346 : i32
      %lt3A_348 = arith.constant 80 : i32
      %lt3A_349 = arith.cmpi slt, %add3A_347, %lt3A_348 : i32
      %convert_element_type3A_350 = arith.extui %lt3A_349 : i1 to i32
      %cond3A_351 = arith.constant 0 : i32
      %cond3A_352 = arith.cmpi ne, %convert_element_type3A_350, %cond3A_351 : i32
      scf.if %cond3A_352 {
        %add3A_354 = arith.constant 2 : i32
        %add3A_355 = arith.addi %add3A_328, %add3A_354 : i32
        %dma_start3A_356 = arith.constant 1 : i32
        %dma_start3A_357 = arith.constant 128 : i32
        %dma_start3A_358 = arith.constant 0 : i32
        %dma_start3A_359 = tpu.memref_slice %arg8[%dma_start3A_357, %dma_start3A_358] : memref<256x128xf32, #tpu.memory_space<vmem>> -> memref<125x128xf32, #tpu.memory_space<vmem>>
        %dma_start3A_360 = arith.constant 0 : i32
        %dma_start3A_361 = tpu.memref_slice %arg6[%add3A_355, %dma_start3A_360] : memref<80x125xi32, #tpu.memory_space<vmem>> -> memref<1x125xi32, #tpu.memory_space<vmem>>
        %dma_start3A_362 = tpu.memref_squeeze %dma_start3A_361 : memref<1x125xi32, #tpu.memory_space<vmem>> -> memref<125xi32, #tpu.memory_space<vmem>>
        %dma_start3A_363 = arith.constant 0 : i32
        %dma_start3A_364 = arith.constant 0 : i32
        %dma_start3A_365 = tpu.memref_slice %arg4[%dma_start3A_363, %dma_start3A_364] : memref<10000x128xf32, #tpu.memory_space<hbm>> -> memref<10000x128xf32, #tpu.memory_space<hbm>>
        %dma_start3A_366 = tpu.memref_slice %arg10[%dma_start3A_356] : memref<2x!tpu.dma_semaphore, #tpu.memory_space<semaphore_mem>> -> memref<1x!tpu.dma_semaphore, #tpu.memory_space<semaphore_mem>>
        %dma_start3A_367 = tpu.memref_squeeze %dma_start3A_366 : memref<1x!tpu.dma_semaphore, #tpu.memory_space<semaphore_mem>> -> memref<!tpu.dma_semaphore, #tpu.memory_space<semaphore_mem>>
        tpu.enqueue_indirect_dma source(%dma_start3A_365 : memref<10000x128xf32, #tpu.memory_space<hbm>>) target(%dma_start3A_359 : memref<125x128xf32, #tpu.memory_space<vmem>>) offsets(%dma_start3A_362 : memref<125xi32, #tpu.memory_space<vmem>>) semaphore(%dma_start3A_367 : memref<!tpu.dma_semaphore, #tpu.memory_space<semaphore_mem>>)
      } else {
      }
      %scan3A_353 = arith.constant 0 : i32
      scf.yield %scan3A_353 : i32
    }
    %scan3A_158 = arith.constant 8 : i32
    %dma_wait3A_159 = arith.constant 0 : i32
    %dma_wait3A_160 = arith.constant 0 : i32
    %dma_wait3A_161 = arith.constant 0 : i32
    %dma_wait3A_162 = arith.constant 0 : i32
    %dma_wait3A_163 = tpu.memref_slice %arg7[%dma_wait3A_159, %dma_wait3A_161, %dma_wait3A_162] : memref<2x16x125xi32, #tpu.memory_space<vmem>> -> memref<1x16x125xi32, #tpu.memory_space<vmem>>
    %dma_wait3A_164 = tpu.memref_squeeze %dma_wait3A_163 : memref<1x16x125xi32, #tpu.memory_space<vmem>> -> memref<16x125xi32, #tpu.memory_space<vmem>>
    %dma_wait3A_165 = arith.constant 32 : i32
    %dma_wait3A_166 = arith.constant 0 : i32
    %dma_wait3A_167 = tpu.memref_slice %arg3[%add3A, %dma_wait3A_165, %dma_wait3A_166] : memref<32x80x125xi32, #tpu.memory_space<hbm>> -> memref<1x16x125xi32, #tpu.memory_space<hbm>>
    %dma_wait3A_168 = tpu.memref_squeeze %dma_wait3A_167 : memref<1x16x125xi32, #tpu.memory_space<hbm>> -> memref<16x125xi32, #tpu.memory_space<hbm>>
    %dma_wait3A_169 = tpu.memref_slice %arg11[%dma_wait3A_160] : memref<2x!tpu.dma_semaphore, #tpu.memory_space<semaphore_mem>> -> memref<1x!tpu.dma_semaphore, #tpu.memory_space<semaphore_mem>>
    %dma_wait3A_170 = tpu.memref_squeeze %dma_wait3A_169 : memref<1x!tpu.dma_semaphore, #tpu.memory_space<semaphore_mem>> -> memref<!tpu.dma_semaphore, #tpu.memory_space<semaphore_mem>>
    %dma_wait3A_171 = arith.constant 0 : i32
    %dma_wait3A_172 = arith.constant 0 : i32
    %dma_wait3A_173 = tpu.memref_slice %arg7[%dma_wait3A_159, %dma_wait3A_171, %dma_wait3A_172] : memref<2x16x125xi32, #tpu.memory_space<vmem>> -> memref<1x16x125xi32, #tpu.memory_space<vmem>>
    %dma_wait3A_174 = tpu.memref_squeeze %dma_wait3A_173 : memref<1x16x125xi32, #tpu.memory_space<vmem>> -> memref<16x125xi32, #tpu.memory_space<vmem>>
    %dma_wait3A_175 = arith.constant 32 : i32
    %dma_wait3A_176 = arith.constant 0 : i32
    %dma_wait3A_177 = tpu.memref_slice %arg3[%add3A, %dma_wait3A_175, %dma_wait3A_176] : memref<32x80x125xi32, #tpu.memory_space<hbm>> -> memref<1x16x125xi32, #tpu.memory_space<hbm>>
    %dma_wait3A_178 = tpu.memref_squeeze %dma_wait3A_177 : memref<1x16x125xi32, #tpu.memory_space<hbm>> -> memref<16x125xi32, #tpu.memory_space<hbm>>
    tpu.wait_dma2 semaphore(%dma_wait3A_170 : memref<!tpu.dma_semaphore, #tpu.memory_space<semaphore_mem>>) src(%dma_wait3A_178 : memref<16x125xi32, #tpu.memory_space<hbm>>) dst(%dma_wait3A_174 : memref<16x125xi32, #tpu.memory_space<vmem>>)
    %dma_start3A_179 = arith.constant 1 : i32
    %dma_start3A_180 = arith.constant 1 : i32
    %dma_start3A_181 = arith.constant 0 : i32
    %dma_start3A_182 = arith.constant 0 : i32
    %dma_start3A_183 = tpu.memref_slice %arg7[%dma_start3A_179, %dma_start3A_181, %dma_start3A_182] : memref<2x16x125xi32, #tpu.memory_space<vmem>> -> memref<1x16x125xi32, #tpu.memory_space<vmem>>
    %dma_start3A_184 = tpu.memref_squeeze %dma_start3A_183 : memref<1x16x125xi32, #tpu.memory_space<vmem>> -> memref<16x125xi32, #tpu.memory_space<vmem>>
    %dma_start3A_185 = arith.constant 48 : i32
    %dma_start3A_186 = arith.constant 0 : i32
    %dma_start3A_187 = tpu.memref_slice %arg3[%add3A, %dma_start3A_185, %dma_start3A_186] : memref<32x80x125xi32, #tpu.memory_space<hbm>> -> memref<1x16x125xi32, #tpu.memory_space<hbm>>
    %dma_start3A_188 = tpu.memref_squeeze %dma_start3A_187 : memref<1x16x125xi32, #tpu.memory_space<hbm>> -> memref<16x125xi32, #tpu.memory_space<hbm>>
    %dma_start3A_189 = tpu.memref_slice %arg11[%dma_start3A_180] : memref<2x!tpu.dma_semaphore, #tpu.memory_space<semaphore_mem>> -> memref<1x!tpu.dma_semaphore, #tpu.memory_space<semaphore_mem>>
    %dma_start3A_190 = tpu.memref_squeeze %dma_start3A_189 : memref<1x!tpu.dma_semaphore, #tpu.memory_space<semaphore_mem>> -> memref<!tpu.dma_semaphore, #tpu.memory_space<semaphore_mem>>
    %dma_start3A_191 = arith.constant 0 : i32
    %dma_start3A_192 = arith.constant 0 : i32
    %dma_start3A_193 = tpu.memref_slice %arg7[%dma_start3A_179, %dma_start3A_191, %dma_start3A_192] : memref<2x16x125xi32, #tpu.memory_space<vmem>> -> memref<1x16x125xi32, #tpu.memory_space<vmem>>
    %dma_start3A_194 = tpu.memref_squeeze %dma_start3A_193 : memref<1x16x125xi32, #tpu.memory_space<vmem>> -> memref<16x125xi32, #tpu.memory_space<vmem>>
    %dma_start3A_195 = arith.constant 48 : i32
    %dma_start3A_196 = arith.constant 0 : i32
    %dma_start3A_197 = tpu.memref_slice %arg3[%add3A, %dma_start3A_195, %dma_start3A_196] : memref<32x80x125xi32, #tpu.memory_space<hbm>> -> memref<1x16x125xi32, #tpu.memory_space<hbm>>
    %dma_start3A_198 = tpu.memref_squeeze %dma_start3A_197 : memref<1x16x125xi32, #tpu.memory_space<hbm>> -> memref<16x125xi32, #tpu.memory_space<hbm>>
    tpu.enqueue_dma source(%dma_start3A_198 : memref<16x125xi32, #tpu.memory_space<hbm>>) target(%dma_start3A_194 : memref<16x125xi32, #tpu.memory_space<vmem>>) target_semaphore(%dma_start3A_190 : memref<!tpu.dma_semaphore, #tpu.memory_space<semaphore_mem>>)
    %scan3A_199 = arith.constant 0 : i32
    %scan3A_200 = arith.constant 0 : i32
    %scan3A_201 = arith.constant 8 : i32
    %scan3A_202 = arith.addi %scan3A_200, %scan3A_201 : i32
    %scan3A_203 = arith.constant 1 : i32
    %scan3A_204 = scf.for %scan3A_295 = %scan3A_200 to %scan3A_202 step %scan3A_203 iter_args(%scan3A_296 = %scan3A_199) -> (i32)  : i32 {
      %mul3A_297 = arith.constant 2 : i32
      %mul3A_298 = arith.muli %scan3A_295, %mul3A_297 : i32
      %add3A_299 = arith.constant 32 : i32
      %add3A_300 = arith.addi %add3A_299, %mul3A_298 : i32
      %add3A_301 = arith.constant 0 : i32
      %add3A_302 = arith.addi %add3A_300, %add3A_301 : i32
      %dma_wait3A_303 = arith.constant 0 : i32
      %dma_wait3A_304 = arith.constant 0 : i32
      %dma_wait3A_305 = arith.constant 0 : i32
      %dma_wait3A_306 = tpu.memref_slice %arg8[%dma_wait3A_304, %dma_wait3A_305] : memref<256x128xf32, #tpu.memory_space<vmem>> -> memref<125x128xf32, #tpu.memory_space<vmem>>
      %dma_wait3A_307 = arith.constant 0 : i32
      %dma_wait3A_308 = tpu.memref_slice %arg6[%add3A_302, %dma_wait3A_307] : memref<80x125xi32, #tpu.memory_space<vmem>> -> memref<1x125xi32, #tpu.memory_space<vmem>>
      %dma_wait3A_309 = tpu.memref_squeeze %dma_wait3A_308 : memref<1x125xi32, #tpu.memory_space<vmem>> -> memref<125xi32, #tpu.memory_space<vmem>>
      %dma_wait3A_310 = arith.constant 0 : i32
      %dma_wait3A_311 = arith.constant 0 : i32
      %dma_wait3A_312 = tpu.memref_slice %arg4[%dma_wait3A_310, %dma_wait3A_311] : memref<10000x128xf32, #tpu.memory_space<hbm>> -> memref<10000x128xf32, #tpu.memory_space<hbm>>
      %dma_wait3A_313 = tpu.memref_slice %arg10[%dma_wait3A_303] : memref<2x!tpu.dma_semaphore, #tpu.memory_space<semaphore_mem>> -> memref<1x!tpu.dma_semaphore, #tpu.memory_space<semaphore_mem>>
      %dma_wait3A_314 = tpu.memref_squeeze %dma_wait3A_313 : memref<1x!tpu.dma_semaphore, #tpu.memory_space<semaphore_mem>> -> memref<!tpu.dma_semaphore, #tpu.memory_space<semaphore_mem>>
      tpu.wait_indirect_dma semaphore(%dma_wait3A_314 : memref<!tpu.dma_semaphore, #tpu.memory_space<semaphore_mem>>) src(%dma_wait3A_312 : memref<10000x128xf32, #tpu.memory_space<hbm>>) dst(%dma_wait3A_306 : memref<125x128xf32, #tpu.memory_space<vmem>>)
      %mul3A_315 = arith.constant 2 : i32
      %mul3A_316 = arith.muli %scan3A_295, %mul3A_315 : i32
      %add3A_317 = arith.constant 0 : i32
      %add3A_318 = arith.addi %mul3A_316, %add3A_317 : i32
      %run_scoped3A = arith.constant 0 : i32
      "tpu.region"() ({
        %run_scoped3A_354 = tpu.sem_alloc : memref<!tpu.dma_semaphore, #tpu.memory_space<semaphore_mem>>
        %dma_start3A_355 = arith.constant 0 : i32
        %dma_start3A_356 = arith.constant 0 : i32
        %dma_start3A_357 = tpu.memref_slice %arg8[%dma_start3A_355, %dma_start3A_356] : memref<256x128xf32, #tpu.memory_space<vmem>> -> memref<125x128xf32, #tpu.memory_space<vmem>>
        %dma_start3A_358 = arith.constant 0 : i32
        %dma_start3A_359 = tpu.memref_slice %arg7[%run_scoped3A, %add3A_318, %dma_start3A_358] : memref<2x16x125xi32, #tpu.memory_space<vmem>> -> memref<1x1x125xi32, #tpu.memory_space<vmem>>
        %dma_start3A_360 = tpu.memref_squeeze %dma_start3A_359 : memref<1x1x125xi32, #tpu.memory_space<vmem>> -> memref<125xi32, #tpu.memory_space<vmem>>
        %dma_start3A_361 = arith.constant 0 : i32
        %dma_start3A_362 = arith.constant 0 : i32
        %dma_start3A_363 = tpu.memref_slice %arg9[%dma_start3A_361, %dma_start3A_362] : memref<10240x128xf32, #tpu.memory_space<vmem_shared>> -> memref<10240x128xf32, #tpu.memory_space<vmem_shared>>
        tpu.enqueue_indirect_dma source(%dma_start3A_357 : memref<125x128xf32, #tpu.memory_space<vmem>>) target(%dma_start3A_363 : memref<10240x128xf32, #tpu.memory_space<vmem_shared>>) offsets(%dma_start3A_360 : memref<125xi32, #tpu.memory_space<vmem>>) semaphore(%run_scoped3A_354 : memref<!tpu.dma_semaphore, #tpu.memory_space<semaphore_mem>>) {add = true}
        %dma_wait3A_364 = arith.constant 0 : i32
        %dma_wait3A_365 = arith.constant 0 : i32
        %dma_wait3A_366 = tpu.memref_slice %arg8[%dma_wait3A_364, %dma_wait3A_365] : memref<256x128xf32, #tpu.memory_space<vmem>> -> memref<125x128xf32, #tpu.memory_space<vmem>>
        %dma_wait3A_367 = arith.constant 0 : i32
        %dma_wait3A_368 = tpu.memref_slice %arg7[%run_scoped3A, %add3A_318, %dma_wait3A_367] : memref<2x16x125xi32, #tpu.memory_space<vmem>> -> memref<1x1x125xi32, #tpu.memory_space<vmem>>
        %dma_wait3A_369 = tpu.memref_squeeze %dma_wait3A_368 : memref<1x1x125xi32, #tpu.memory_space<vmem>> -> memref<125xi32, #tpu.memory_space<vmem>>
        %dma_wait3A_370 = arith.constant 0 : i32
        %dma_wait3A_371 = arith.constant 0 : i32
        %dma_wait3A_372 = tpu.memref_slice %arg9[%dma_wait3A_370, %dma_wait3A_371] : memref<10240x128xf32, #tpu.memory_space<vmem_shared>> -> memref<10240x128xf32, #tpu.memory_space<vmem_shared>>
        tpu.wait_indirect_dma semaphore(%run_scoped3A_354 : memref<!tpu.dma_semaphore, #tpu.memory_space<semaphore_mem>>) src(%dma_wait3A_366 : memref<125x128xf32, #tpu.memory_space<vmem>>) dst(%dma_wait3A_372 : memref<10240x128xf32, #tpu.memory_space<vmem_shared>>)
        tpu.yield
      }) : () -> ()
      %add3A_319 = arith.constant 2 : i32
      %add3A_320 = arith.addi %add3A_302, %add3A_319 : i32
      %lt3A = arith.constant 80 : i32
      %lt3A_321 = arith.cmpi slt, %add3A_320, %lt3A : i32
      %convert_element_type3A = arith.extui %lt3A_321 : i1 to i32
      %cond3A = arith.constant 0 : i32
      %cond3A_322 = arith.cmpi ne, %convert_element_type3A, %cond3A : i32
      scf.if %cond3A_322 {
        %add3A_354 = arith.constant 2 : i32
        %add3A_355 = arith.addi %add3A_302, %add3A_354 : i32
        %dma_start3A_356 = arith.constant 0 : i32
        %dma_start3A_357 = arith.constant 0 : i32
        %dma_start3A_358 = arith.constant 0 : i32
        %dma_start3A_359 = tpu.memref_slice %arg8[%dma_start3A_357, %dma_start3A_358] : memref<256x128xf32, #tpu.memory_space<vmem>> -> memref<125x128xf32, #tpu.memory_space<vmem>>
        %dma_start3A_360 = arith.constant 0 : i32
        %dma_start3A_361 = tpu.memref_slice %arg6[%add3A_355, %dma_start3A_360] : memref<80x125xi32, #tpu.memory_space<vmem>> -> memref<1x125xi32, #tpu.memory_space<vmem>>
        %dma_start3A_362 = tpu.memref_squeeze %dma_start3A_361 : memref<1x125xi32, #tpu.memory_space<vmem>> -> memref<125xi32, #tpu.memory_space<vmem>>
        %dma_start3A_363 = arith.constant 0 : i32
        %dma_start3A_364 = arith.constant 0 : i32
        %dma_start3A_365 = tpu.memref_slice %arg4[%dma_start3A_363, %dma_start3A_364] : memref<10000x128xf32, #tpu.memory_space<hbm>> -> memref<10000x128xf32, #tpu.memory_space<hbm>>
        %dma_start3A_366 = tpu.memref_slice %arg10[%dma_start3A_356] : memref<2x!tpu.dma_semaphore, #tpu.memory_space<semaphore_mem>> -> memref<1x!tpu.dma_semaphore, #tpu.memory_space<semaphore_mem>>
        %dma_start3A_367 = tpu.memref_squeeze %dma_start3A_366 : memref<1x!tpu.dma_semaphore, #tpu.memory_space<semaphore_mem>> -> memref<!tpu.dma_semaphore, #tpu.memory_space<semaphore_mem>>
        tpu.enqueue_indirect_dma source(%dma_start3A_365 : memref<10000x128xf32, #tpu.memory_space<hbm>>) target(%dma_start3A_359 : memref<125x128xf32, #tpu.memory_space<vmem>>) offsets(%dma_start3A_362 : memref<125xi32, #tpu.memory_space<vmem>>) semaphore(%dma_start3A_367 : memref<!tpu.dma_semaphore, #tpu.memory_space<semaphore_mem>>)
      } else {
      }
      %mul3A_323 = arith.constant 2 : i32
      %mul3A_324 = arith.muli %scan3A_295, %mul3A_323 : i32
      %add3A_325 = arith.constant 32 : i32
      %add3A_326 = arith.addi %add3A_325, %mul3A_324 : i32
      %add3A_327 = arith.constant 1 : i32
      %add3A_328 = arith.addi %add3A_326, %add3A_327 : i32
      %dma_wait3A_329 = arith.constant 1 : i32
      %dma_wait3A_330 = arith.constant 128 : i32
      %dma_wait3A_331 = arith.constant 0 : i32
      %dma_wait3A_332 = tpu.memref_slice %arg8[%dma_wait3A_330, %dma_wait3A_331] : memref<256x128xf32, #tpu.memory_space<vmem>> -> memref<125x128xf32, #tpu.memory_space<vmem>>
      %dma_wait3A_333 = arith.constant 0 : i32
      %dma_wait3A_334 = tpu.memref_slice %arg6[%add3A_328, %dma_wait3A_333] : memref<80x125xi32, #tpu.memory_space<vmem>> -> memref<1x125xi32, #tpu.memory_space<vmem>>
      %dma_wait3A_335 = tpu.memref_squeeze %dma_wait3A_334 : memref<1x125xi32, #tpu.memory_space<vmem>> -> memref<125xi32, #tpu.memory_space<vmem>>
      %dma_wait3A_336 = arith.constant 0 : i32
      %dma_wait3A_337 = arith.constant 0 : i32
      %dma_wait3A_338 = tpu.memref_slice %arg4[%dma_wait3A_336, %dma_wait3A_337] : memref<10000x128xf32, #tpu.memory_space<hbm>> -> memref<10000x128xf32, #tpu.memory_space<hbm>>
      %dma_wait3A_339 = tpu.memref_slice %arg10[%dma_wait3A_329] : memref<2x!tpu.dma_semaphore, #tpu.memory_space<semaphore_mem>> -> memref<1x!tpu.dma_semaphore, #tpu.memory_space<semaphore_mem>>
      %dma_wait3A_340 = tpu.memref_squeeze %dma_wait3A_339 : memref<1x!tpu.dma_semaphore, #tpu.memory_space<semaphore_mem>> -> memref<!tpu.dma_semaphore, #tpu.memory_space<semaphore_mem>>
      tpu.wait_indirect_dma semaphore(%dma_wait3A_340 : memref<!tpu.dma_semaphore, #tpu.memory_space<semaphore_mem>>) src(%dma_wait3A_338 : memref<10000x128xf32, #tpu.memory_space<hbm>>) dst(%dma_wait3A_332 : memref<125x128xf32, #tpu.memory_space<vmem>>)
      %mul3A_341 = arith.constant 2 : i32
      %mul3A_342 = arith.muli %scan3A_295, %mul3A_341 : i32
      %add3A_343 = arith.constant 1 : i32
      %add3A_344 = arith.addi %mul3A_342, %add3A_343 : i32
      %run_scoped3A_345 = arith.constant 0 : i32
      "tpu.region"() ({
        %run_scoped3A_354 = tpu.sem_alloc : memref<!tpu.dma_semaphore, #tpu.memory_space<semaphore_mem>>
        %dma_start3A_355 = arith.constant 128 : i32
        %dma_start3A_356 = arith.constant 0 : i32
        %dma_start3A_357 = tpu.memref_slice %arg8[%dma_start3A_355, %dma_start3A_356] : memref<256x128xf32, #tpu.memory_space<vmem>> -> memref<125x128xf32, #tpu.memory_space<vmem>>
        %dma_start3A_358 = arith.constant 0 : i32
        %dma_start3A_359 = tpu.memref_slice %arg7[%run_scoped3A_345, %add3A_344, %dma_start3A_358] : memref<2x16x125xi32, #tpu.memory_space<vmem>> -> memref<1x1x125xi32, #tpu.memory_space<vmem>>
        %dma_start3A_360 = tpu.memref_squeeze %dma_start3A_359 : memref<1x1x125xi32, #tpu.memory_space<vmem>> -> memref<125xi32, #tpu.memory_space<vmem>>
        %dma_start3A_361 = arith.constant 0 : i32
        %dma_start3A_362 = arith.constant 0 : i32
        %dma_start3A_363 = tpu.memref_slice %arg9[%dma_start3A_361, %dma_start3A_362] : memref<10240x128xf32, #tpu.memory_space<vmem_shared>> -> memref<10240x128xf32, #tpu.memory_space<vmem_shared>>
        tpu.enqueue_indirect_dma source(%dma_start3A_357 : memref<125x128xf32, #tpu.memory_space<vmem>>) target(%dma_start3A_363 : memref<10240x128xf32, #tpu.memory_space<vmem_shared>>) offsets(%dma_start3A_360 : memref<125xi32, #tpu.memory_space<vmem>>) semaphore(%run_scoped3A_354 : memref<!tpu.dma_semaphore, #tpu.memory_space<semaphore_mem>>) {add = true}
        %dma_wait3A_364 = arith.constant 128 : i32
        %dma_wait3A_365 = arith.constant 0 : i32
        %dma_wait3A_366 = tpu.memref_slice %arg8[%dma_wait3A_364, %dma_wait3A_365] : memref<256x128xf32, #tpu.memory_space<vmem>> -> memref<125x128xf32, #tpu.memory_space<vmem>>
        %dma_wait3A_367 = arith.constant 0 : i32
        %dma_wait3A_368 = tpu.memref_slice %arg7[%run_scoped3A_345, %add3A_344, %dma_wait3A_367] : memref<2x16x125xi32, #tpu.memory_space<vmem>> -> memref<1x1x125xi32, #tpu.memory_space<vmem>>
        %dma_wait3A_369 = tpu.memref_squeeze %dma_wait3A_368 : memref<1x1x125xi32, #tpu.memory_space<vmem>> -> memref<125xi32, #tpu.memory_space<vmem>>
        %dma_wait3A_370 = arith.constant 0 : i32
        %dma_wait3A_371 = arith.constant 0 : i32
        %dma_wait3A_372 = tpu.memref_slice %arg9[%dma_wait3A_370, %dma_wait3A_371] : memref<10240x128xf32, #tpu.memory_space<vmem_shared>> -> memref<10240x128xf32, #tpu.memory_space<vmem_shared>>
        tpu.wait_indirect_dma semaphore(%run_scoped3A_354 : memref<!tpu.dma_semaphore, #tpu.memory_space<semaphore_mem>>) src(%dma_wait3A_366 : memref<125x128xf32, #tpu.memory_space<vmem>>) dst(%dma_wait3A_372 : memref<10240x128xf32, #tpu.memory_space<vmem_shared>>)
        tpu.yield
      }) : () -> ()
      %add3A_346 = arith.constant 2 : i32
      %add3A_347 = arith.addi %add3A_328, %add3A_346 : i32
      %lt3A_348 = arith.constant 80 : i32
      %lt3A_349 = arith.cmpi slt, %add3A_347, %lt3A_348 : i32
      %convert_element_type3A_350 = arith.extui %lt3A_349 : i1 to i32
      %cond3A_351 = arith.constant 0 : i32
      %cond3A_352 = arith.cmpi ne, %convert_element_type3A_350, %cond3A_351 : i32
      scf.if %cond3A_352 {
        %add3A_354 = arith.constant 2 : i32
        %add3A_355 = arith.addi %add3A_328, %add3A_354 : i32
        %dma_start3A_356 = arith.constant 1 : i32
        %dma_start3A_357 = arith.constant 128 : i32
        %dma_start3A_358 = arith.constant 0 : i32
        %dma_start3A_359 = tpu.memref_slice %arg8[%dma_start3A_357, %dma_start3A_358] : memref<256x128xf32, #tpu.memory_space<vmem>> -> memref<125x128xf32, #tpu.memory_space<vmem>>
        %dma_start3A_360 = arith.constant 0 : i32
        %dma_start3A_361 = tpu.memref_slice %arg6[%add3A_355, %dma_start3A_360] : memref<80x125xi32, #tpu.memory_space<vmem>> -> memref<1x125xi32, #tpu.memory_space<vmem>>
        %dma_start3A_362 = tpu.memref_squeeze %dma_start3A_361 : memref<1x125xi32, #tpu.memory_space<vmem>> -> memref<125xi32, #tpu.memory_space<vmem>>
        %dma_start3A_363 = arith.constant 0 : i32
        %dma_start3A_364 = arith.constant 0 : i32
        %dma_start3A_365 = tpu.memref_slice %arg4[%dma_start3A_363, %dma_start3A_364] : memref<10000x128xf32, #tpu.memory_space<hbm>> -> memref<10000x128xf32, #tpu.memory_space<hbm>>
        %dma_start3A_366 = tpu.memref_slice %arg10[%dma_start3A_356] : memref<2x!tpu.dma_semaphore, #tpu.memory_space<semaphore_mem>> -> memref<1x!tpu.dma_semaphore, #tpu.memory_space<semaphore_mem>>
        %dma_start3A_367 = tpu.memref_squeeze %dma_start3A_366 : memref<1x!tpu.dma_semaphore, #tpu.memory_space<semaphore_mem>> -> memref<!tpu.dma_semaphore, #tpu.memory_space<semaphore_mem>>
        tpu.enqueue_indirect_dma source(%dma_start3A_365 : memref<10000x128xf32, #tpu.memory_space<hbm>>) target(%dma_start3A_359 : memref<125x128xf32, #tpu.memory_space<vmem>>) offsets(%dma_start3A_362 : memref<125xi32, #tpu.memory_space<vmem>>) semaphore(%dma_start3A_367 : memref<!tpu.dma_semaphore, #tpu.memory_space<semaphore_mem>>)
      } else {
      }
      %scan3A_353 = arith.constant 0 : i32
      scf.yield %scan3A_353 : i32
    }
    %scan3A_205 = arith.constant 8 : i32
    %dma_wait3A_206 = arith.constant 1 : i32
    %dma_wait3A_207 = arith.constant 1 : i32
    %dma_wait3A_208 = arith.constant 0 : i32
    %dma_wait3A_209 = arith.constant 0 : i32
    %dma_wait3A_210 = tpu.memref_slice %arg7[%dma_wait3A_206, %dma_wait3A_208, %dma_wait3A_209] : memref<2x16x125xi32, #tpu.memory_space<vmem>> -> memref<1x16x125xi32, #tpu.memory_space<vmem>>
    %dma_wait3A_211 = tpu.memref_squeeze %dma_wait3A_210 : memref<1x16x125xi32, #tpu.memory_space<vmem>> -> memref<16x125xi32, #tpu.memory_space<vmem>>
    %dma_wait3A_212 = arith.constant 48 : i32
    %dma_wait3A_213 = arith.constant 0 : i32
    %dma_wait3A_214 = tpu.memref_slice %arg3[%add3A, %dma_wait3A_212, %dma_wait3A_213] : memref<32x80x125xi32, #tpu.memory_space<hbm>> -> memref<1x16x125xi32, #tpu.memory_space<hbm>>
    %dma_wait3A_215 = tpu.memref_squeeze %dma_wait3A_214 : memref<1x16x125xi32, #tpu.memory_space<hbm>> -> memref<16x125xi32, #tpu.memory_space<hbm>>
    %dma_wait3A_216 = tpu.memref_slice %arg11[%dma_wait3A_207] : memref<2x!tpu.dma_semaphore, #tpu.memory_space<semaphore_mem>> -> memref<1x!tpu.dma_semaphore, #tpu.memory_space<semaphore_mem>>
    %dma_wait3A_217 = tpu.memref_squeeze %dma_wait3A_216 : memref<1x!tpu.dma_semaphore, #tpu.memory_space<semaphore_mem>> -> memref<!tpu.dma_semaphore, #tpu.memory_space<semaphore_mem>>
    %dma_wait3A_218 = arith.constant 0 : i32
    %dma_wait3A_219 = arith.constant 0 : i32
    %dma_wait3A_220 = tpu.memref_slice %arg7[%dma_wait3A_206, %dma_wait3A_218, %dma_wait3A_219] : memref<2x16x125xi32, #tpu.memory_space<vmem>> -> memref<1x16x125xi32, #tpu.memory_space<vmem>>
    %dma_wait3A_221 = tpu.memref_squeeze %dma_wait3A_220 : memref<1x16x125xi32, #tpu.memory_space<vmem>> -> memref<16x125xi32, #tpu.memory_space<vmem>>
    %dma_wait3A_222 = arith.constant 48 : i32
    %dma_wait3A_223 = arith.constant 0 : i32
    %dma_wait3A_224 = tpu.memref_slice %arg3[%add3A, %dma_wait3A_222, %dma_wait3A_223] : memref<32x80x125xi32, #tpu.memory_space<hbm>> -> memref<1x16x125xi32, #tpu.memory_space<hbm>>
    %dma_wait3A_225 = tpu.memref_squeeze %dma_wait3A_224 : memref<1x16x125xi32, #tpu.memory_space<hbm>> -> memref<16x125xi32, #tpu.memory_space<hbm>>
    tpu.wait_dma2 semaphore(%dma_wait3A_217 : memref<!tpu.dma_semaphore, #tpu.memory_space<semaphore_mem>>) src(%dma_wait3A_225 : memref<16x125xi32, #tpu.memory_space<hbm>>) dst(%dma_wait3A_221 : memref<16x125xi32, #tpu.memory_space<vmem>>)
    %dma_start3A_226 = arith.constant 0 : i32
    %dma_start3A_227 = arith.constant 0 : i32
    %dma_start3A_228 = arith.constant 0 : i32
    %dma_start3A_229 = arith.constant 0 : i32
    %dma_start3A_230 = tpu.memref_slice %arg7[%dma_start3A_226, %dma_start3A_228, %dma_start3A_229] : memref<2x16x125xi32, #tpu.memory_space<vmem>> -> memref<1x16x125xi32, #tpu.memory_space<vmem>>
    %dma_start3A_231 = tpu.memref_squeeze %dma_start3A_230 : memref<1x16x125xi32, #tpu.memory_space<vmem>> -> memref<16x125xi32, #tpu.memory_space<vmem>>
    %dma_start3A_232 = arith.constant 64 : i32
    %dma_start3A_233 = arith.constant 0 : i32
    %dma_start3A_234 = tpu.memref_slice %arg3[%add3A, %dma_start3A_232, %dma_start3A_233] : memref<32x80x125xi32, #tpu.memory_space<hbm>> -> memref<1x16x125xi32, #tpu.memory_space<hbm>>
    %dma_start3A_235 = tpu.memref_squeeze %dma_start3A_234 : memref<1x16x125xi32, #tpu.memory_space<hbm>> -> memref<16x125xi32, #tpu.memory_space<hbm>>
    %dma_start3A_236 = tpu.memref_slice %arg11[%dma_start3A_227] : memref<2x!tpu.dma_semaphore, #tpu.memory_space<semaphore_mem>> -> memref<1x!tpu.dma_semaphore, #tpu.memory_space<semaphore_mem>>
    %dma_start3A_237 = tpu.memref_squeeze %dma_start3A_236 : memref<1x!tpu.dma_semaphore, #tpu.memory_space<semaphore_mem>> -> memref<!tpu.dma_semaphore, #tpu.memory_space<semaphore_mem>>
    %dma_start3A_238 = arith.constant 0 : i32
    %dma_start3A_239 = arith.constant 0 : i32
    %dma_start3A_240 = tpu.memref_slice %arg7[%dma_start3A_226, %dma_start3A_238, %dma_start3A_239] : memref<2x16x125xi32, #tpu.memory_space<vmem>> -> memref<1x16x125xi32, #tpu.memory_space<vmem>>
    %dma_start3A_241 = tpu.memref_squeeze %dma_start3A_240 : memref<1x16x125xi32, #tpu.memory_space<vmem>> -> memref<16x125xi32, #tpu.memory_space<vmem>>
    %dma_start3A_242 = arith.constant 64 : i32
    %dma_start3A_243 = arith.constant 0 : i32
    %dma_start3A_244 = tpu.memref_slice %arg3[%add3A, %dma_start3A_242, %dma_start3A_243] : memref<32x80x125xi32, #tpu.memory_space<hbm>> -> memref<1x16x125xi32, #tpu.memory_space<hbm>>
    %dma_start3A_245 = tpu.memref_squeeze %dma_start3A_244 : memref<1x16x125xi32, #tpu.memory_space<hbm>> -> memref<16x125xi32, #tpu.memory_space<hbm>>
    tpu.enqueue_dma source(%dma_start3A_245 : memref<16x125xi32, #tpu.memory_space<hbm>>) target(%dma_start3A_241 : memref<16x125xi32, #tpu.memory_space<vmem>>) target_semaphore(%dma_start3A_237 : memref<!tpu.dma_semaphore, #tpu.memory_space<semaphore_mem>>)
    %scan3A_246 = arith.constant 0 : i32
    %scan3A_247 = arith.constant 0 : i32
    %scan3A_248 = arith.constant 8 : i32
    %scan3A_249 = arith.addi %scan3A_247, %scan3A_248 : i32
    %scan3A_250 = arith.constant 1 : i32
    %scan3A_251 = scf.for %scan3A_295 = %scan3A_247 to %scan3A_249 step %scan3A_250 iter_args(%scan3A_296 = %scan3A_246) -> (i32)  : i32 {
      %mul3A_297 = arith.constant 2 : i32
      %mul3A_298 = arith.muli %scan3A_295, %mul3A_297 : i32
      %add3A_299 = arith.constant 48 : i32
      %add3A_300 = arith.addi %add3A_299, %mul3A_298 : i32
      %add3A_301 = arith.constant 0 : i32
      %add3A_302 = arith.addi %add3A_300, %add3A_301 : i32
      %dma_wait3A_303 = arith.constant 0 : i32
      %dma_wait3A_304 = arith.constant 0 : i32
      %dma_wait3A_305 = arith.constant 0 : i32
      %dma_wait3A_306 = tpu.memref_slice %arg8[%dma_wait3A_304, %dma_wait3A_305] : memref<256x128xf32, #tpu.memory_space<vmem>> -> memref<125x128xf32, #tpu.memory_space<vmem>>
      %dma_wait3A_307 = arith.constant 0 : i32
      %dma_wait3A_308 = tpu.memref_slice %arg6[%add3A_302, %dma_wait3A_307] : memref<80x125xi32, #tpu.memory_space<vmem>> -> memref<1x125xi32, #tpu.memory_space<vmem>>
      %dma_wait3A_309 = tpu.memref_squeeze %dma_wait3A_308 : memref<1x125xi32, #tpu.memory_space<vmem>> -> memref<125xi32, #tpu.memory_space<vmem>>
      %dma_wait3A_310 = arith.constant 0 : i32
      %dma_wait3A_311 = arith.constant 0 : i32
      %dma_wait3A_312 = tpu.memref_slice %arg4[%dma_wait3A_310, %dma_wait3A_311] : memref<10000x128xf32, #tpu.memory_space<hbm>> -> memref<10000x128xf32, #tpu.memory_space<hbm>>
      %dma_wait3A_313 = tpu.memref_slice %arg10[%dma_wait3A_303] : memref<2x!tpu.dma_semaphore, #tpu.memory_space<semaphore_mem>> -> memref<1x!tpu.dma_semaphore, #tpu.memory_space<semaphore_mem>>
      %dma_wait3A_314 = tpu.memref_squeeze %dma_wait3A_313 : memref<1x!tpu.dma_semaphore, #tpu.memory_space<semaphore_mem>> -> memref<!tpu.dma_semaphore, #tpu.memory_space<semaphore_mem>>
      tpu.wait_indirect_dma semaphore(%dma_wait3A_314 : memref<!tpu.dma_semaphore, #tpu.memory_space<semaphore_mem>>) src(%dma_wait3A_312 : memref<10000x128xf32, #tpu.memory_space<hbm>>) dst(%dma_wait3A_306 : memref<125x128xf32, #tpu.memory_space<vmem>>)
      %mul3A_315 = arith.constant 2 : i32
      %mul3A_316 = arith.muli %scan3A_295, %mul3A_315 : i32
      %add3A_317 = arith.constant 0 : i32
      %add3A_318 = arith.addi %mul3A_316, %add3A_317 : i32
      %run_scoped3A = arith.constant 1 : i32
      "tpu.region"() ({
        %run_scoped3A_354 = tpu.sem_alloc : memref<!tpu.dma_semaphore, #tpu.memory_space<semaphore_mem>>
        %dma_start3A_355 = arith.constant 0 : i32
        %dma_start3A_356 = arith.constant 0 : i32
        %dma_start3A_357 = tpu.memref_slice %arg8[%dma_start3A_355, %dma_start3A_356] : memref<256x128xf32, #tpu.memory_space<vmem>> -> memref<125x128xf32, #tpu.memory_space<vmem>>
        %dma_start3A_358 = arith.constant 0 : i32
        %dma_start3A_359 = tpu.memref_slice %arg7[%run_scoped3A, %add3A_318, %dma_start3A_358] : memref<2x16x125xi32, #tpu.memory_space<vmem>> -> memref<1x1x125xi32, #tpu.memory_space<vmem>>
        %dma_start3A_360 = tpu.memref_squeeze %dma_start3A_359 : memref<1x1x125xi32, #tpu.memory_space<vmem>> -> memref<125xi32, #tpu.memory_space<vmem>>
        %dma_start3A_361 = arith.constant 0 : i32
        %dma_start3A_362 = arith.constant 0 : i32
        %dma_start3A_363 = tpu.memref_slice %arg9[%dma_start3A_361, %dma_start3A_362] : memref<10240x128xf32, #tpu.memory_space<vmem_shared>> -> memref<10240x128xf32, #tpu.memory_space<vmem_shared>>
        tpu.enqueue_indirect_dma source(%dma_start3A_357 : memref<125x128xf32, #tpu.memory_space<vmem>>) target(%dma_start3A_363 : memref<10240x128xf32, #tpu.memory_space<vmem_shared>>) offsets(%dma_start3A_360 : memref<125xi32, #tpu.memory_space<vmem>>) semaphore(%run_scoped3A_354 : memref<!tpu.dma_semaphore, #tpu.memory_space<semaphore_mem>>) {add = true}
        %dma_wait3A_364 = arith.constant 0 : i32
        %dma_wait3A_365 = arith.constant 0 : i32
        %dma_wait3A_366 = tpu.memref_slice %arg8[%dma_wait3A_364, %dma_wait3A_365] : memref<256x128xf32, #tpu.memory_space<vmem>> -> memref<125x128xf32, #tpu.memory_space<vmem>>
        %dma_wait3A_367 = arith.constant 0 : i32
        %dma_wait3A_368 = tpu.memref_slice %arg7[%run_scoped3A, %add3A_318, %dma_wait3A_367] : memref<2x16x125xi32, #tpu.memory_space<vmem>> -> memref<1x1x125xi32, #tpu.memory_space<vmem>>
        %dma_wait3A_369 = tpu.memref_squeeze %dma_wait3A_368 : memref<1x1x125xi32, #tpu.memory_space<vmem>> -> memref<125xi32, #tpu.memory_space<vmem>>
        %dma_wait3A_370 = arith.constant 0 : i32
        %dma_wait3A_371 = arith.constant 0 : i32
        %dma_wait3A_372 = tpu.memref_slice %arg9[%dma_wait3A_370, %dma_wait3A_371] : memref<10240x128xf32, #tpu.memory_space<vmem_shared>> -> memref<10240x128xf32, #tpu.memory_space<vmem_shared>>
        tpu.wait_indirect_dma semaphore(%run_scoped3A_354 : memref<!tpu.dma_semaphore, #tpu.memory_space<semaphore_mem>>) src(%dma_wait3A_366 : memref<125x128xf32, #tpu.memory_space<vmem>>) dst(%dma_wait3A_372 : memref<10240x128xf32, #tpu.memory_space<vmem_shared>>)
        tpu.yield
      }) : () -> ()
      %add3A_319 = arith.constant 2 : i32
      %add3A_320 = arith.addi %add3A_302, %add3A_319 : i32
      %lt3A = arith.constant 80 : i32
      %lt3A_321 = arith.cmpi slt, %add3A_320, %lt3A : i32
      %convert_element_type3A = arith.extui %lt3A_321 : i1 to i32
      %cond3A = arith.constant 0 : i32
      %cond3A_322 = arith.cmpi ne, %convert_element_type3A, %cond3A : i32
      scf.if %cond3A_322 {
        %add3A_354 = arith.constant 2 : i32
        %add3A_355 = arith.addi %add3A_302, %add3A_354 : i32
        %dma_start3A_356 = arith.constant 0 : i32
        %dma_start3A_357 = arith.constant 0 : i32
        %dma_start3A_358 = arith.constant 0 : i32
        %dma_start3A_359 = tpu.memref_slice %arg8[%dma_start3A_357, %dma_start3A_358] : memref<256x128xf32, #tpu.memory_space<vmem>> -> memref<125x128xf32, #tpu.memory_space<vmem>>
        %dma_start3A_360 = arith.constant 0 : i32
        %dma_start3A_361 = tpu.memref_slice %arg6[%add3A_355, %dma_start3A_360] : memref<80x125xi32, #tpu.memory_space<vmem>> -> memref<1x125xi32, #tpu.memory_space<vmem>>
        %dma_start3A_362 = tpu.memref_squeeze %dma_start3A_361 : memref<1x125xi32, #tpu.memory_space<vmem>> -> memref<125xi32, #tpu.memory_space<vmem>>
        %dma_start3A_363 = arith.constant 0 : i32
        %dma_start3A_364 = arith.constant 0 : i32
        %dma_start3A_365 = tpu.memref_slice %arg4[%dma_start3A_363, %dma_start3A_364] : memref<10000x128xf32, #tpu.memory_space<hbm>> -> memref<10000x128xf32, #tpu.memory_space<hbm>>
        %dma_start3A_366 = tpu.memref_slice %arg10[%dma_start3A_356] : memref<2x!tpu.dma_semaphore, #tpu.memory_space<semaphore_mem>> -> memref<1x!tpu.dma_semaphore, #tpu.memory_space<semaphore_mem>>
        %dma_start3A_367 = tpu.memref_squeeze %dma_start3A_366 : memref<1x!tpu.dma_semaphore, #tpu.memory_space<semaphore_mem>> -> memref<!tpu.dma_semaphore, #tpu.memory_space<semaphore_mem>>
        tpu.enqueue_indirect_dma source(%dma_start3A_365 : memref<10000x128xf32, #tpu.memory_space<hbm>>) target(%dma_start3A_359 : memref<125x128xf32, #tpu.memory_space<vmem>>) offsets(%dma_start3A_362 : memref<125xi32, #tpu.memory_space<vmem>>) semaphore(%dma_start3A_367 : memref<!tpu.dma_semaphore, #tpu.memory_space<semaphore_mem>>)
      } else {
      }
      %mul3A_323 = arith.constant 2 : i32
      %mul3A_324 = arith.muli %scan3A_295, %mul3A_323 : i32
      %add3A_325 = arith.constant 48 : i32
      %add3A_326 = arith.addi %add3A_325, %mul3A_324 : i32
      %add3A_327 = arith.constant 1 : i32
      %add3A_328 = arith.addi %add3A_326, %add3A_327 : i32
      %dma_wait3A_329 = arith.constant 1 : i32
      %dma_wait3A_330 = arith.constant 128 : i32
      %dma_wait3A_331 = arith.constant 0 : i32
      %dma_wait3A_332 = tpu.memref_slice %arg8[%dma_wait3A_330, %dma_wait3A_331] : memref<256x128xf32, #tpu.memory_space<vmem>> -> memref<125x128xf32, #tpu.memory_space<vmem>>
      %dma_wait3A_333 = arith.constant 0 : i32
      %dma_wait3A_334 = tpu.memref_slice %arg6[%add3A_328, %dma_wait3A_333] : memref<80x125xi32, #tpu.memory_space<vmem>> -> memref<1x125xi32, #tpu.memory_space<vmem>>
      %dma_wait3A_335 = tpu.memref_squeeze %dma_wait3A_334 : memref<1x125xi32, #tpu.memory_space<vmem>> -> memref<125xi32, #tpu.memory_space<vmem>>
      %dma_wait3A_336 = arith.constant 0 : i32
      %dma_wait3A_337 = arith.constant 0 : i32
      %dma_wait3A_338 = tpu.memref_slice %arg4[%dma_wait3A_336, %dma_wait3A_337] : memref<10000x128xf32, #tpu.memory_space<hbm>> -> memref<10000x128xf32, #tpu.memory_space<hbm>>
      %dma_wait3A_339 = tpu.memref_slice %arg10[%dma_wait3A_329] : memref<2x!tpu.dma_semaphore, #tpu.memory_space<semaphore_mem>> -> memref<1x!tpu.dma_semaphore, #tpu.memory_space<semaphore_mem>>
      %dma_wait3A_340 = tpu.memref_squeeze %dma_wait3A_339 : memref<1x!tpu.dma_semaphore, #tpu.memory_space<semaphore_mem>> -> memref<!tpu.dma_semaphore, #tpu.memory_space<semaphore_mem>>
      tpu.wait_indirect_dma semaphore(%dma_wait3A_340 : memref<!tpu.dma_semaphore, #tpu.memory_space<semaphore_mem>>) src(%dma_wait3A_338 : memref<10000x128xf32, #tpu.memory_space<hbm>>) dst(%dma_wait3A_332 : memref<125x128xf32, #tpu.memory_space<vmem>>)
      %mul3A_341 = arith.constant 2 : i32
      %mul3A_342 = arith.muli %scan3A_295, %mul3A_341 : i32
      %add3A_343 = arith.constant 1 : i32
      %add3A_344 = arith.addi %mul3A_342, %add3A_343 : i32
      %run_scoped3A_345 = arith.constant 1 : i32
      "tpu.region"() ({
        %run_scoped3A_354 = tpu.sem_alloc : memref<!tpu.dma_semaphore, #tpu.memory_space<semaphore_mem>>
        %dma_start3A_355 = arith.constant 128 : i32
        %dma_start3A_356 = arith.constant 0 : i32
        %dma_start3A_357 = tpu.memref_slice %arg8[%dma_start3A_355, %dma_start3A_356] : memref<256x128xf32, #tpu.memory_space<vmem>> -> memref<125x128xf32, #tpu.memory_space<vmem>>
        %dma_start3A_358 = arith.constant 0 : i32
        %dma_start3A_359 = tpu.memref_slice %arg7[%run_scoped3A_345, %add3A_344, %dma_start3A_358] : memref<2x16x125xi32, #tpu.memory_space<vmem>> -> memref<1x1x125xi32, #tpu.memory_space<vmem>>
        %dma_start3A_360 = tpu.memref_squeeze %dma_start3A_359 : memref<1x1x125xi32, #tpu.memory_space<vmem>> -> memref<125xi32, #tpu.memory_space<vmem>>
        %dma_start3A_361 = arith.constant 0 : i32
        %dma_start3A_362 = arith.constant 0 : i32
        %dma_start3A_363 = tpu.memref_slice %arg9[%dma_start3A_361, %dma_start3A_362] : memref<10240x128xf32, #tpu.memory_space<vmem_shared>> -> memref<10240x128xf32, #tpu.memory_space<vmem_shared>>
        tpu.enqueue_indirect_dma source(%dma_start3A_357 : memref<125x128xf32, #tpu.memory_space<vmem>>) target(%dma_start3A_363 : memref<10240x128xf32, #tpu.memory_space<vmem_shared>>) offsets(%dma_start3A_360 : memref<125xi32, #tpu.memory_space<vmem>>) semaphore(%run_scoped3A_354 : memref<!tpu.dma_semaphore, #tpu.memory_space<semaphore_mem>>) {add = true}
        %dma_wait3A_364 = arith.constant 128 : i32
        %dma_wait3A_365 = arith.constant 0 : i32
        %dma_wait3A_366 = tpu.memref_slice %arg8[%dma_wait3A_364, %dma_wait3A_365] : memref<256x128xf32, #tpu.memory_space<vmem>> -> memref<125x128xf32, #tpu.memory_space<vmem>>
        %dma_wait3A_367 = arith.constant 0 : i32
        %dma_wait3A_368 = tpu.memref_slice %arg7[%run_scoped3A_345, %add3A_344, %dma_wait3A_367] : memref<2x16x125xi32, #tpu.memory_space<vmem>> -> memref<1x1x125xi32, #tpu.memory_space<vmem>>
        %dma_wait3A_369 = tpu.memref_squeeze %dma_wait3A_368 : memref<1x1x125xi32, #tpu.memory_space<vmem>> -> memref<125xi32, #tpu.memory_space<vmem>>
        %dma_wait3A_370 = arith.constant 0 : i32
        %dma_wait3A_371 = arith.constant 0 : i32
        %dma_wait3A_372 = tpu.memref_slice %arg9[%dma_wait3A_370, %dma_wait3A_371] : memref<10240x128xf32, #tpu.memory_space<vmem_shared>> -> memref<10240x128xf32, #tpu.memory_space<vmem_shared>>
        tpu.wait_indirect_dma semaphore(%run_scoped3A_354 : memref<!tpu.dma_semaphore, #tpu.memory_space<semaphore_mem>>) src(%dma_wait3A_366 : memref<125x128xf32, #tpu.memory_space<vmem>>) dst(%dma_wait3A_372 : memref<10240x128xf32, #tpu.memory_space<vmem_shared>>)
        tpu.yield
      }) : () -> ()
      %add3A_346 = arith.constant 2 : i32
      %add3A_347 = arith.addi %add3A_328, %add3A_346 : i32
      %lt3A_348 = arith.constant 80 : i32
      %lt3A_349 = arith.cmpi slt, %add3A_347, %lt3A_348 : i32
      %convert_element_type3A_350 = arith.extui %lt3A_349 : i1 to i32
      %cond3A_351 = arith.constant 0 : i32
      %cond3A_352 = arith.cmpi ne, %convert_element_type3A_350, %cond3A_351 : i32
      scf.if %cond3A_352 {
        %add3A_354 = arith.constant 2 : i32
        %add3A_355 = arith.addi %add3A_328, %add3A_354 : i32
        %dma_start3A_356 = arith.constant 1 : i32
        %dma_start3A_357 = arith.constant 128 : i32
        %dma_start3A_358 = arith.constant 0 : i32
        %dma_start3A_359 = tpu.memref_slice %arg8[%dma_start3A_357, %dma_start3A_358] : memref<256x128xf32, #tpu.memory_space<vmem>> -> memref<125x128xf32, #tpu.memory_space<vmem>>
        %dma_start3A_360 = arith.constant 0 : i32
        %dma_start3A_361 = tpu.memref_slice %arg6[%add3A_355, %dma_start3A_360] : memref<80x125xi32, #tpu.memory_space<vmem>> -> memref<1x125xi32, #tpu.memory_space<vmem>>
        %dma_start3A_362 = tpu.memref_squeeze %dma_start3A_361 : memref<1x125xi32, #tpu.memory_space<vmem>> -> memref<125xi32, #tpu.memory_space<vmem>>
        %dma_start3A_363 = arith.constant 0 : i32
        %dma_start3A_364 = arith.constant 0 : i32
        %dma_start3A_365 = tpu.memref_slice %arg4[%dma_start3A_363, %dma_start3A_364] : memref<10000x128xf32, #tpu.memory_space<hbm>> -> memref<10000x128xf32, #tpu.memory_space<hbm>>
        %dma_start3A_366 = tpu.memref_slice %arg10[%dma_start3A_356] : memref<2x!tpu.dma_semaphore, #tpu.memory_space<semaphore_mem>> -> memref<1x!tpu.dma_semaphore, #tpu.memory_space<semaphore_mem>>
        %dma_start3A_367 = tpu.memref_squeeze %dma_start3A_366 : memref<1x!tpu.dma_semaphore, #tpu.memory_space<semaphore_mem>> -> memref<!tpu.dma_semaphore, #tpu.memory_space<semaphore_mem>>
        tpu.enqueue_indirect_dma source(%dma_start3A_365 : memref<10000x128xf32, #tpu.memory_space<hbm>>) target(%dma_start3A_359 : memref<125x128xf32, #tpu.memory_space<vmem>>) offsets(%dma_start3A_362 : memref<125xi32, #tpu.memory_space<vmem>>) semaphore(%dma_start3A_367 : memref<!tpu.dma_semaphore, #tpu.memory_space<semaphore_mem>>)
      } else {
      }
      %scan3A_353 = arith.constant 0 : i32
      scf.yield %scan3A_353 : i32
    }
    %scan3A_252 = arith.constant 8 : i32
    %dma_wait3A_253 = arith.constant 0 : i32
    %dma_wait3A_254 = arith.constant 0 : i32
    %dma_wait3A_255 = arith.constant 0 : i32
    %dma_wait3A_256 = arith.constant 0 : i32
    %dma_wait3A_257 = tpu.memref_slice %arg7[%dma_wait3A_253, %dma_wait3A_255, %dma_wait3A_256] : memref<2x16x125xi32, #tpu.memory_space<vmem>> -> memref<1x16x125xi32, #tpu.memory_space<vmem>>
    %dma_wait3A_258 = tpu.memref_squeeze %dma_wait3A_257 : memref<1x16x125xi32, #tpu.memory_space<vmem>> -> memref<16x125xi32, #tpu.memory_space<vmem>>
    %dma_wait3A_259 = arith.constant 64 : i32
    %dma_wait3A_260 = arith.constant 0 : i32
    %dma_wait3A_261 = tpu.memref_slice %arg3[%add3A, %dma_wait3A_259, %dma_wait3A_260] : memref<32x80x125xi32, #tpu.memory_space<hbm>> -> memref<1x16x125xi32, #tpu.memory_space<hbm>>
    %dma_wait3A_262 = tpu.memref_squeeze %dma_wait3A_261 : memref<1x16x125xi32, #tpu.memory_space<hbm>> -> memref<16x125xi32, #tpu.memory_space<hbm>>
    %dma_wait3A_263 = tpu.memref_slice %arg11[%dma_wait3A_254] : memref<2x!tpu.dma_semaphore, #tpu.memory_space<semaphore_mem>> -> memref<1x!tpu.dma_semaphore, #tpu.memory_space<semaphore_mem>>
    %dma_wait3A_264 = tpu.memref_squeeze %dma_wait3A_263 : memref<1x!tpu.dma_semaphore, #tpu.memory_space<semaphore_mem>> -> memref<!tpu.dma_semaphore, #tpu.memory_space<semaphore_mem>>
    %dma_wait3A_265 = arith.constant 0 : i32
    %dma_wait3A_266 = arith.constant 0 : i32
    %dma_wait3A_267 = tpu.memref_slice %arg7[%dma_wait3A_253, %dma_wait3A_265, %dma_wait3A_266] : memref<2x16x125xi32, #tpu.memory_space<vmem>> -> memref<1x16x125xi32, #tpu.memory_space<vmem>>
    %dma_wait3A_268 = tpu.memref_squeeze %dma_wait3A_267 : memref<1x16x125xi32, #tpu.memory_space<vmem>> -> memref<16x125xi32, #tpu.memory_space<vmem>>
    %dma_wait3A_269 = arith.constant 64 : i32
    %dma_wait3A_270 = arith.constant 0 : i32
    %dma_wait3A_271 = tpu.memref_slice %arg3[%add3A, %dma_wait3A_269, %dma_wait3A_270] : memref<32x80x125xi32, #tpu.memory_space<hbm>> -> memref<1x16x125xi32, #tpu.memory_space<hbm>>
    %dma_wait3A_272 = tpu.memref_squeeze %dma_wait3A_271 : memref<1x16x125xi32, #tpu.memory_space<hbm>> -> memref<16x125xi32, #tpu.memory_space<hbm>>
    tpu.wait_dma2 semaphore(%dma_wait3A_264 : memref<!tpu.dma_semaphore, #tpu.memory_space<semaphore_mem>>) src(%dma_wait3A_272 : memref<16x125xi32, #tpu.memory_space<hbm>>) dst(%dma_wait3A_268 : memref<16x125xi32, #tpu.memory_space<vmem>>)
    %scan3A_273 = arith.constant 0 : i32
    %scan3A_274 = arith.constant 0 : i32
    %scan3A_275 = arith.constant 8 : i32
    %scan3A_276 = arith.addi %scan3A_274, %scan3A_275 : i32
    %scan3A_277 = arith.constant 1 : i32
    %scan3A_278 = scf.for %scan3A_295 = %scan3A_274 to %scan3A_276 step %scan3A_277 iter_args(%scan3A_296 = %scan3A_273) -> (i32)  : i32 {
      %mul3A_297 = arith.constant 2 : i32
      %mul3A_298 = arith.muli %scan3A_295, %mul3A_297 : i32
      %add3A_299 = arith.constant 64 : i32
      %add3A_300 = arith.addi %add3A_299, %mul3A_298 : i32
      %add3A_301 = arith.constant 0 : i32
      %add3A_302 = arith.addi %add3A_300, %add3A_301 : i32
      %dma_wait3A_303 = arith.constant 0 : i32
      %dma_wait3A_304 = arith.constant 0 : i32
      %dma_wait3A_305 = arith.constant 0 : i32
      %dma_wait3A_306 = tpu.memref_slice %arg8[%dma_wait3A_304, %dma_wait3A_305] : memref<256x128xf32, #tpu.memory_space<vmem>> -> memref<125x128xf32, #tpu.memory_space<vmem>>
      %dma_wait3A_307 = arith.constant 0 : i32
      %dma_wait3A_308 = tpu.memref_slice %arg6[%add3A_302, %dma_wait3A_307] : memref<80x125xi32, #tpu.memory_space<vmem>> -> memref<1x125xi32, #tpu.memory_space<vmem>>
      %dma_wait3A_309 = tpu.memref_squeeze %dma_wait3A_308 : memref<1x125xi32, #tpu.memory_space<vmem>> -> memref<125xi32, #tpu.memory_space<vmem>>
      %dma_wait3A_310 = arith.constant 0 : i32
      %dma_wait3A_311 = arith.constant 0 : i32
      %dma_wait3A_312 = tpu.memref_slice %arg4[%dma_wait3A_310, %dma_wait3A_311] : memref<10000x128xf32, #tpu.memory_space<hbm>> -> memref<10000x128xf32, #tpu.memory_space<hbm>>
      %dma_wait3A_313 = tpu.memref_slice %arg10[%dma_wait3A_303] : memref<2x!tpu.dma_semaphore, #tpu.memory_space<semaphore_mem>> -> memref<1x!tpu.dma_semaphore, #tpu.memory_space<semaphore_mem>>
      %dma_wait3A_314 = tpu.memref_squeeze %dma_wait3A_313 : memref<1x!tpu.dma_semaphore, #tpu.memory_space<semaphore_mem>> -> memref<!tpu.dma_semaphore, #tpu.memory_space<semaphore_mem>>
      tpu.wait_indirect_dma semaphore(%dma_wait3A_314 : memref<!tpu.dma_semaphore, #tpu.memory_space<semaphore_mem>>) src(%dma_wait3A_312 : memref<10000x128xf32, #tpu.memory_space<hbm>>) dst(%dma_wait3A_306 : memref<125x128xf32, #tpu.memory_space<vmem>>)
      %mul3A_315 = arith.constant 2 : i32
      %mul3A_316 = arith.muli %scan3A_295, %mul3A_315 : i32
      %add3A_317 = arith.constant 0 : i32
      %add3A_318 = arith.addi %mul3A_316, %add3A_317 : i32
      %run_scoped3A = arith.constant 0 : i32
      "tpu.region"() ({
        %run_scoped3A_354 = tpu.sem_alloc : memref<!tpu.dma_semaphore, #tpu.memory_space<semaphore_mem>>
        %dma_start3A_355 = arith.constant 0 : i32
        %dma_start3A_356 = arith.constant 0 : i32
        %dma_start3A_357 = tpu.memref_slice %arg8[%dma_start3A_355, %dma_start3A_356] : memref<256x128xf32, #tpu.memory_space<vmem>> -> memref<125x128xf32, #tpu.memory_space<vmem>>
        %dma_start3A_358 = arith.constant 0 : i32
        %dma_start3A_359 = tpu.memref_slice %arg7[%run_scoped3A, %add3A_318, %dma_start3A_358] : memref<2x16x125xi32, #tpu.memory_space<vmem>> -> memref<1x1x125xi32, #tpu.memory_space<vmem>>
        %dma_start3A_360 = tpu.memref_squeeze %dma_start3A_359 : memref<1x1x125xi32, #tpu.memory_space<vmem>> -> memref<125xi32, #tpu.memory_space<vmem>>
        %dma_start3A_361 = arith.constant 0 : i32
        %dma_start3A_362 = arith.constant 0 : i32
        %dma_start3A_363 = tpu.memref_slice %arg9[%dma_start3A_361, %dma_start3A_362] : memref<10240x128xf32, #tpu.memory_space<vmem_shared>> -> memref<10240x128xf32, #tpu.memory_space<vmem_shared>>
        tpu.enqueue_indirect_dma source(%dma_start3A_357 : memref<125x128xf32, #tpu.memory_space<vmem>>) target(%dma_start3A_363 : memref<10240x128xf32, #tpu.memory_space<vmem_shared>>) offsets(%dma_start3A_360 : memref<125xi32, #tpu.memory_space<vmem>>) semaphore(%run_scoped3A_354 : memref<!tpu.dma_semaphore, #tpu.memory_space<semaphore_mem>>) {add = true}
        %dma_wait3A_364 = arith.constant 0 : i32
        %dma_wait3A_365 = arith.constant 0 : i32
        %dma_wait3A_366 = tpu.memref_slice %arg8[%dma_wait3A_364, %dma_wait3A_365] : memref<256x128xf32, #tpu.memory_space<vmem>> -> memref<125x128xf32, #tpu.memory_space<vmem>>
        %dma_wait3A_367 = arith.constant 0 : i32
        %dma_wait3A_368 = tpu.memref_slice %arg7[%run_scoped3A, %add3A_318, %dma_wait3A_367] : memref<2x16x125xi32, #tpu.memory_space<vmem>> -> memref<1x1x125xi32, #tpu.memory_space<vmem>>
        %dma_wait3A_369 = tpu.memref_squeeze %dma_wait3A_368 : memref<1x1x125xi32, #tpu.memory_space<vmem>> -> memref<125xi32, #tpu.memory_space<vmem>>
        %dma_wait3A_370 = arith.constant 0 : i32
        %dma_wait3A_371 = arith.constant 0 : i32
        %dma_wait3A_372 = tpu.memref_slice %arg9[%dma_wait3A_370, %dma_wait3A_371] : memref<10240x128xf32, #tpu.memory_space<vmem_shared>> -> memref<10240x128xf32, #tpu.memory_space<vmem_shared>>
        tpu.wait_indirect_dma semaphore(%run_scoped3A_354 : memref<!tpu.dma_semaphore, #tpu.memory_space<semaphore_mem>>) src(%dma_wait3A_366 : memref<125x128xf32, #tpu.memory_space<vmem>>) dst(%dma_wait3A_372 : memref<10240x128xf32, #tpu.memory_space<vmem_shared>>)
        tpu.yield
      }) : () -> ()
      %add3A_319 = arith.constant 2 : i32
      %add3A_320 = arith.addi %add3A_302, %add3A_319 : i32
      %lt3A = arith.constant 80 : i32
      %lt3A_321 = arith.cmpi slt, %add3A_320, %lt3A : i32
      %convert_element_type3A = arith.extui %lt3A_321 : i1 to i32
      %cond3A = arith.constant 0 : i32
      %cond3A_322 = arith.cmpi ne, %convert_element_type3A, %cond3A : i32
      scf.if %cond3A_322 {
        %add3A_354 = arith.constant 2 : i32
        %add3A_355 = arith.addi %add3A_302, %add3A_354 : i32
        %dma_start3A_356 = arith.constant 0 : i32
        %dma_start3A_357 = arith.constant 0 : i32
        %dma_start3A_358 = arith.constant 0 : i32
        %dma_start3A_359 = tpu.memref_slice %arg8[%dma_start3A_357, %dma_start3A_358] : memref<256x128xf32, #tpu.memory_space<vmem>> -> memref<125x128xf32, #tpu.memory_space<vmem>>
        %dma_start3A_360 = arith.constant 0 : i32
        %dma_start3A_361 = tpu.memref_slice %arg6[%add3A_355, %dma_start3A_360] : memref<80x125xi32, #tpu.memory_space<vmem>> -> memref<1x125xi32, #tpu.memory_space<vmem>>
        %dma_start3A_362 = tpu.memref_squeeze %dma_start3A_361 : memref<1x125xi32, #tpu.memory_space<vmem>> -> memref<125xi32, #tpu.memory_space<vmem>>
        %dma_start3A_363 = arith.constant 0 : i32
        %dma_start3A_364 = arith.constant 0 : i32
        %dma_start3A_365 = tpu.memref_slice %arg4[%dma_start3A_363, %dma_start3A_364] : memref<10000x128xf32, #tpu.memory_space<hbm>> -> memref<10000x128xf32, #tpu.memory_space<hbm>>
        %dma_start3A_366 = tpu.memref_slice %arg10[%dma_start3A_356] : memref<2x!tpu.dma_semaphore, #tpu.memory_space<semaphore_mem>> -> memref<1x!tpu.dma_semaphore, #tpu.memory_space<semaphore_mem>>
        %dma_start3A_367 = tpu.memref_squeeze %dma_start3A_366 : memref<1x!tpu.dma_semaphore, #tpu.memory_space<semaphore_mem>> -> memref<!tpu.dma_semaphore, #tpu.memory_space<semaphore_mem>>
        tpu.enqueue_indirect_dma source(%dma_start3A_365 : memref<10000x128xf32, #tpu.memory_space<hbm>>) target(%dma_start3A_359 : memref<125x128xf32, #tpu.memory_space<vmem>>) offsets(%dma_start3A_362 : memref<125xi32, #tpu.memory_space<vmem>>) semaphore(%dma_start3A_367 : memref<!tpu.dma_semaphore, #tpu.memory_space<semaphore_mem>>)
      } else {
      }
      %mul3A_323 = arith.constant 2 : i32
      %mul3A_324 = arith.muli %scan3A_295, %mul3A_323 : i32
      %add3A_325 = arith.constant 64 : i32
      %add3A_326 = arith.addi %add3A_325, %mul3A_324 : i32
      %add3A_327 = arith.constant 1 : i32
      %add3A_328 = arith.addi %add3A_326, %add3A_327 : i32
      %dma_wait3A_329 = arith.constant 1 : i32
      %dma_wait3A_330 = arith.constant 128 : i32
      %dma_wait3A_331 = arith.constant 0 : i32
      %dma_wait3A_332 = tpu.memref_slice %arg8[%dma_wait3A_330, %dma_wait3A_331] : memref<256x128xf32, #tpu.memory_space<vmem>> -> memref<125x128xf32, #tpu.memory_space<vmem>>
      %dma_wait3A_333 = arith.constant 0 : i32
      %dma_wait3A_334 = tpu.memref_slice %arg6[%add3A_328, %dma_wait3A_333] : memref<80x125xi32, #tpu.memory_space<vmem>> -> memref<1x125xi32, #tpu.memory_space<vmem>>
      %dma_wait3A_335 = tpu.memref_squeeze %dma_wait3A_334 : memref<1x125xi32, #tpu.memory_space<vmem>> -> memref<125xi32, #tpu.memory_space<vmem>>
      %dma_wait3A_336 = arith.constant 0 : i32
      %dma_wait3A_337 = arith.constant 0 : i32
      %dma_wait3A_338 = tpu.memref_slice %arg4[%dma_wait3A_336, %dma_wait3A_337] : memref<10000x128xf32, #tpu.memory_space<hbm>> -> memref<10000x128xf32, #tpu.memory_space<hbm>>
      %dma_wait3A_339 = tpu.memref_slice %arg10[%dma_wait3A_329] : memref<2x!tpu.dma_semaphore, #tpu.memory_space<semaphore_mem>> -> memref<1x!tpu.dma_semaphore, #tpu.memory_space<semaphore_mem>>
      %dma_wait3A_340 = tpu.memref_squeeze %dma_wait3A_339 : memref<1x!tpu.dma_semaphore, #tpu.memory_space<semaphore_mem>> -> memref<!tpu.dma_semaphore, #tpu.memory_space<semaphore_mem>>
      tpu.wait_indirect_dma semaphore(%dma_wait3A_340 : memref<!tpu.dma_semaphore, #tpu.memory_space<semaphore_mem>>) src(%dma_wait3A_338 : memref<10000x128xf32, #tpu.memory_space<hbm>>) dst(%dma_wait3A_332 : memref<125x128xf32, #tpu.memory_space<vmem>>)
      %mul3A_341 = arith.constant 2 : i32
      %mul3A_342 = arith.muli %scan3A_295, %mul3A_341 : i32
      %add3A_343 = arith.constant 1 : i32
      %add3A_344 = arith.addi %mul3A_342, %add3A_343 : i32
      %run_scoped3A_345 = arith.constant 0 : i32
      "tpu.region"() ({
        %run_scoped3A_354 = tpu.sem_alloc : memref<!tpu.dma_semaphore, #tpu.memory_space<semaphore_mem>>
        %dma_start3A_355 = arith.constant 128 : i32
        %dma_start3A_356 = arith.constant 0 : i32
        %dma_start3A_357 = tpu.memref_slice %arg8[%dma_start3A_355, %dma_start3A_356] : memref<256x128xf32, #tpu.memory_space<vmem>> -> memref<125x128xf32, #tpu.memory_space<vmem>>
        %dma_start3A_358 = arith.constant 0 : i32
        %dma_start3A_359 = tpu.memref_slice %arg7[%run_scoped3A_345, %add3A_344, %dma_start3A_358] : memref<2x16x125xi32, #tpu.memory_space<vmem>> -> memref<1x1x125xi32, #tpu.memory_space<vmem>>
        %dma_start3A_360 = tpu.memref_squeeze %dma_start3A_359 : memref<1x1x125xi32, #tpu.memory_space<vmem>> -> memref<125xi32, #tpu.memory_space<vmem>>
        %dma_start3A_361 = arith.constant 0 : i32
        %dma_start3A_362 = arith.constant 0 : i32
        %dma_start3A_363 = tpu.memref_slice %arg9[%dma_start3A_361, %dma_start3A_362] : memref<10240x128xf32, #tpu.memory_space<vmem_shared>> -> memref<10240x128xf32, #tpu.memory_space<vmem_shared>>
        tpu.enqueue_indirect_dma source(%dma_start3A_357 : memref<125x128xf32, #tpu.memory_space<vmem>>) target(%dma_start3A_363 : memref<10240x128xf32, #tpu.memory_space<vmem_shared>>) offsets(%dma_start3A_360 : memref<125xi32, #tpu.memory_space<vmem>>) semaphore(%run_scoped3A_354 : memref<!tpu.dma_semaphore, #tpu.memory_space<semaphore_mem>>) {add = true}
        %dma_wait3A_364 = arith.constant 128 : i32
        %dma_wait3A_365 = arith.constant 0 : i32
        %dma_wait3A_366 = tpu.memref_slice %arg8[%dma_wait3A_364, %dma_wait3A_365] : memref<256x128xf32, #tpu.memory_space<vmem>> -> memref<125x128xf32, #tpu.memory_space<vmem>>
        %dma_wait3A_367 = arith.constant 0 : i32
        %dma_wait3A_368 = tpu.memref_slice %arg7[%run_scoped3A_345, %add3A_344, %dma_wait3A_367] : memref<2x16x125xi32, #tpu.memory_space<vmem>> -> memref<1x1x125xi32, #tpu.memory_space<vmem>>
        %dma_wait3A_369 = tpu.memref_squeeze %dma_wait3A_368 : memref<1x1x125xi32, #tpu.memory_space<vmem>> -> memref<125xi32, #tpu.memory_space<vmem>>
        %dma_wait3A_370 = arith.constant 0 : i32
        %dma_wait3A_371 = arith.constant 0 : i32
        %dma_wait3A_372 = tpu.memref_slice %arg9[%dma_wait3A_370, %dma_wait3A_371] : memref<10240x128xf32, #tpu.memory_space<vmem_shared>> -> memref<10240x128xf32, #tpu.memory_space<vmem_shared>>
        tpu.wait_indirect_dma semaphore(%run_scoped3A_354 : memref<!tpu.dma_semaphore, #tpu.memory_space<semaphore_mem>>) src(%dma_wait3A_366 : memref<125x128xf32, #tpu.memory_space<vmem>>) dst(%dma_wait3A_372 : memref<10240x128xf32, #tpu.memory_space<vmem_shared>>)
        tpu.yield
      }) : () -> ()
      %add3A_346 = arith.constant 2 : i32
      %add3A_347 = arith.addi %add3A_328, %add3A_346 : i32
      %lt3A_348 = arith.constant 80 : i32
      %lt3A_349 = arith.cmpi slt, %add3A_347, %lt3A_348 : i32
      %convert_element_type3A_350 = arith.extui %lt3A_349 : i1 to i32
      %cond3A_351 = arith.constant 0 : i32
      %cond3A_352 = arith.cmpi ne, %convert_element_type3A_350, %cond3A_351 : i32
      scf.if %cond3A_352 {
        %add3A_354 = arith.constant 2 : i32
        %add3A_355 = arith.addi %add3A_328, %add3A_354 : i32
        %dma_start3A_356 = arith.constant 1 : i32
        %dma_start3A_357 = arith.constant 128 : i32
        %dma_start3A_358 = arith.constant 0 : i32
        %dma_start3A_359 = tpu.memref_slice %arg8[%dma_start3A_357, %dma_start3A_358] : memref<256x128xf32, #tpu.memory_space<vmem>> -> memref<125x128xf32, #tpu.memory_space<vmem>>
        %dma_start3A_360 = arith.constant 0 : i32
        %dma_start3A_361 = tpu.memref_slice %arg6[%add3A_355, %dma_start3A_360] : memref<80x125xi32, #tpu.memory_space<vmem>> -> memref<1x125xi32, #tpu.memory_space<vmem>>
        %dma_start3A_362 = tpu.memref_squeeze %dma_start3A_361 : memref<1x125xi32, #tpu.memory_space<vmem>> -> memref<125xi32, #tpu.memory_space<vmem>>
        %dma_start3A_363 = arith.constant 0 : i32
        %dma_start3A_364 = arith.constant 0 : i32
        %dma_start3A_365 = tpu.memref_slice %arg4[%dma_start3A_363, %dma_start3A_364] : memref<10000x128xf32, #tpu.memory_space<hbm>> -> memref<10000x128xf32, #tpu.memory_space<hbm>>
        %dma_start3A_366 = tpu.memref_slice %arg10[%dma_start3A_356] : memref<2x!tpu.dma_semaphore, #tpu.memory_space<semaphore_mem>> -> memref<1x!tpu.dma_semaphore, #tpu.memory_space<semaphore_mem>>
        %dma_start3A_367 = tpu.memref_squeeze %dma_start3A_366 : memref<1x!tpu.dma_semaphore, #tpu.memory_space<semaphore_mem>> -> memref<!tpu.dma_semaphore, #tpu.memory_space<semaphore_mem>>
        tpu.enqueue_indirect_dma source(%dma_start3A_365 : memref<10000x128xf32, #tpu.memory_space<hbm>>) target(%dma_start3A_359 : memref<125x128xf32, #tpu.memory_space<vmem>>) offsets(%dma_start3A_362 : memref<125xi32, #tpu.memory_space<vmem>>) semaphore(%dma_start3A_367 : memref<!tpu.dma_semaphore, #tpu.memory_space<semaphore_mem>>)
      } else {
      }
      %scan3A_353 = arith.constant 0 : i32
      scf.yield %scan3A_353 : i32
    }
    %scan3A_279 = arith.constant 8 : i32
    %barrier3A_280 = arith.constant 0 : index
    tpu.barrier barrier_id(%barrier3A_280)
    %scan3A_281 = arith.constant 0 : i32
    %scan3A_282 = arith.constant 0 : i32
    %scan3A_283 = arith.constant 5 : i32
    %scan3A_284 = arith.addi %scan3A_282, %scan3A_283 : i32
    %scan3A_285 = arith.constant 1 : i32
    %scan3A_286 = scf.for %scan3A_295 = %scan3A_282 to %scan3A_284 step %scan3A_285 iter_args(%scan3A_296 = %scan3A_281) -> (i32)  : i32 {
      %mul3A_297 = arith.constant 640 : i32
      %mul3A_298 = arith.muli %arg1, %mul3A_297 : i32
      %mul3A_299 = arith.constant 128 : i32
      %mul3A_300 = arith.muli %scan3A_295, %mul3A_299 : i32
      %add3A_301 = arith.addi %mul3A_298, %mul3A_300 : i32
      %dma_start3A_302 = arith.constant 0 : i32
      %dma_start3A_303 = tpu.memref_slice %arg11[%dma_start3A_302] : memref<2x!tpu.dma_semaphore, #tpu.memory_space<semaphore_mem>> -> memref<1x!tpu.dma_semaphore, #tpu.memory_space<semaphore_mem>>
      %dma_start3A_304 = tpu.memref_squeeze %dma_start3A_303 : memref<1x!tpu.dma_semaphore, #tpu.memory_space<semaphore_mem>> -> memref<!tpu.dma_semaphore, #tpu.memory_space<semaphore_mem>>
      %dma_start3A_305 = arith.constant 0 : i32
      %dma_start3A_306 = tpu.memref_slice %arg5[%arg0, %add3A_301, %dma_start3A_305] : memref<2x10240x128xf32, #tpu.memory_space<hbm>> -> memref<1x128x128xf32, #tpu.memory_space<hbm>>
      %dma_start3A_307 = tpu.memref_squeeze %dma_start3A_306 : memref<1x128x128xf32, #tpu.memory_space<hbm>> -> memref<128x128xf32, #tpu.memory_space<hbm>>
      %dma_start3A_308 = arith.constant 0 : i32
      %dma_start3A_309 = tpu.memref_slice %arg9[%add3A_301, %dma_start3A_308] : memref<10240x128xf32, #tpu.memory_space<vmem_shared>> -> memref<128x128xf32, #tpu.memory_space<vmem_shared>>
      tpu.enqueue_dma source(%dma_start3A_309 : memref<128x128xf32, #tpu.memory_space<vmem_shared>>) target(%dma_start3A_307 : memref<128x128xf32, #tpu.memory_space<hbm>>) target_semaphore(%dma_start3A_304 : memref<!tpu.dma_semaphore, #tpu.memory_space<semaphore_mem>>)
      %scan3A_310 = arith.constant 0 : i32
      scf.yield %scan3A_310 : i32
    }
    %scan3A_287 = arith.constant 5 : i32
    %scan3A_288 = arith.constant 0 : i32
    %scan3A_289 = arith.constant 0 : i32
    %scan3A_290 = arith.constant 5 : i32
    %scan3A_291 = arith.addi %scan3A_289, %scan3A_290 : i32
    %scan3A_292 = arith.constant 1 : i32
    %scan3A_293 = scf.for %scan3A_295 = %scan3A_289 to %scan3A_291 step %scan3A_292 iter_args(%scan3A_296 = %scan3A_288) -> (i32)  : i32 {
      %mul3A_297 = arith.constant 640 : i32
      %mul3A_298 = arith.muli %arg1, %mul3A_297 : i32
      %dma_wait3A_299 = arith.constant 0 : i32
      %dma_wait3A_300 = tpu.memref_slice %arg11[%dma_wait3A_299] : memref<2x!tpu.dma_semaphore, #tpu.memory_space<semaphore_mem>> -> memref<1x!tpu.dma_semaphore, #tpu.memory_space<semaphore_mem>>
      %dma_wait3A_301 = tpu.memref_squeeze %dma_wait3A_300 : memref<1x!tpu.dma_semaphore, #tpu.memory_space<semaphore_mem>> -> memref<!tpu.dma_semaphore, #tpu.memory_space<semaphore_mem>>
      %dma_wait3A_302 = arith.constant 0 : i32
      %dma_wait3A_303 = tpu.memref_slice %arg5[%arg0, %mul3A_298, %dma_wait3A_302] : memref<2x10240x128xf32, #tpu.memory_space<hbm>> -> memref<1x128x128xf32, #tpu.memory_space<hbm>>
      %dma_wait3A_304 = tpu.memref_squeeze %dma_wait3A_303 : memref<1x128x128xf32, #tpu.memory_space<hbm>> -> memref<128x128xf32, #tpu.memory_space<hbm>>
      %dma_wait3A_305 = arith.constant 0 : i32
      %dma_wait3A_306 = tpu.memref_slice %arg9[%mul3A_298, %dma_wait3A_305] : memref<10240x128xf32, #tpu.memory_space<vmem_shared>> -> memref<128x128xf32, #tpu.memory_space<vmem_shared>>
      tpu.wait_dma2 semaphore(%dma_wait3A_301 : memref<!tpu.dma_semaphore, #tpu.memory_space<semaphore_mem>>) src(%dma_wait3A_306 : memref<128x128xf32, #tpu.memory_space<vmem_shared>>) dst(%dma_wait3A_304 : memref<128x128xf32, #tpu.memory_space<hbm>>)
      %scan3A_307 = arith.constant 0 : i32
      scf.yield %scan3A_307 : i32
    }
    %scan3A_294 = arith.constant 5 : i32
    return
  }
}

#map = affine_map<(d0, d1) -> (0, 0, 0)>
#map1 = affine_map<(d0, d1) -> (0, 0)>
module attributes {stable_mosaic.version = 14 : i64} {
  func.func @_deg_body(%arg0: i32, %arg1: i32, %arg2: memref<32x80x125xi32, #tpu.memory_space<hbm>>, %arg3: memref<2x10240xf32, #tpu.memory_space<hbm>>, %arg4: memref<80x125xi32, #tpu.memory_space<vmem>>, %arg5: memref<128xf32, #tpu.memory_space<vmem>>, %arg6: memref<640xf32, #tpu.memory_space<vmem>>, %arg7: memref<10240xf32, #tpu.memory_space<vmem_shared>>, %arg8: memref<!tpu.dma_semaphore, #tpu.memory_space<semaphore_mem>>) attributes {dimension_semantics = [#tpu.dimension_semantics<core_parallel>, #tpu.dimension_semantics<subcore_parallel>], iteration_bounds = array<i64: 2, 16>, scalar_prefetch = 0 : i64, scratch_operands = 5 : i64, tpu.core_type = #tpu.core_type<sc_vector_subcore>, window_params = [{transform_indices = #map}, {transform_indices = #map1}]} {
    %scan3A = arith.constant 0 : i32
    %scan3A_0 = arith.constant 0 : i32
    %scan3A_1 = arith.constant 40 : i32
    %scan3A_2 = arith.addi %scan3A_0, %scan3A_1 : i32
    %scan3A_3 = arith.constant 1 : i32
    %scan3A_4 = scf.for %scan3A_35 = %scan3A_0 to %scan3A_2 step %scan3A_3 iter_args(%scan3A_36 = %scan3A) -> (i32)  : i32 {
      %broadcast_in_dim3A = arith.constant 0.000000e+00 : f32
      %broadcast_in_dim3A_37 = vector.broadcast %broadcast_in_dim3A : f32 to vector<16xf32>
      %mul3A_38 = arith.constant 16 : i32
      %mul3A_39 = arith.muli %scan3A_35, %mul3A_38 : i32
      %swap3A = arith.index_cast %mul3A_39 : i32 to index
      %swap3A_40 = tpu.vector_load %arg6[%swap3A] {strides = array<i32>} : memref<640xf32, #tpu.memory_space<vmem>>, vector<16xf32>,
      %swap3A_41 = vector.shape_cast %swap3A_40 : vector<16xf32> to vector<16xf32>
      %swap3A_42 = vector.shape_cast %broadcast_in_dim3A_37 : vector<16xf32> to vector<16xf32>
      tpu.vector_store %arg6[%swap3A], %swap3A_42 {strides = array<i32>} : memref<640xf32, #tpu.memory_space<vmem>>, vector<16xf32>,
      %scan3A_43 = arith.constant 0 : i32
      scf.yield %scan3A_43 : i32
    }
    %scan3A_5 = arith.constant 40 : i32
    %scan3A_6 = arith.constant 0 : i32
    %scan3A_7 = arith.constant 0 : i32
    %scan3A_8 = arith.constant 8 : i32
    %scan3A_9 = arith.addi %scan3A_7, %scan3A_8 : i32
    %scan3A_10 = arith.constant 1 : i32
    %scan3A_11 = scf.for %scan3A_35 = %scan3A_7 to %scan3A_9 step %scan3A_10 iter_args(%scan3A_36 = %scan3A_6) -> (i32)  : i32 {
      %broadcast_in_dim3A = arith.constant 1.000000e+00 : f32
      %broadcast_in_dim3A_37 = vector.broadcast %broadcast_in_dim3A : f32 to vector<16xf32>
      %mul3A_38 = arith.constant 16 : i32
      %mul3A_39 = arith.muli %scan3A_35, %mul3A_38 : i32
      %swap3A = arith.index_cast %mul3A_39 : i32 to index
      %swap3A_40 = tpu.vector_load %arg5[%swap3A] {strides = array<i32>} : memref<128xf32, #tpu.memory_space<vmem>>, vector<16xf32>,
      %swap3A_41 = vector.shape_cast %swap3A_40 : vector<16xf32> to vector<16xf32>
      %swap3A_42 = vector.shape_cast %broadcast_in_dim3A_37 : vector<16xf32> to vector<16xf32>
      tpu.vector_store %arg5[%swap3A], %swap3A_42 {strides = array<i32>} : memref<128xf32, #tpu.memory_space<vmem>>, vector<16xf32>,
      %scan3A_43 = arith.constant 0 : i32
      scf.yield %scan3A_43 : i32
    }
    %scan3A_12 = arith.constant 8 : i32
    %mul3A = arith.constant 640 : i32
    %mul3A_13 = arith.muli %arg1, %mul3A : i32
    "tpu.region"() ({
      %run_scoped3A = tpu.sem_alloc : memref<!tpu.dma_semaphore, #tpu.memory_space<semaphore_mem>>
      %dma_start3A = tpu.memref_slice %arg7[%mul3A_13] : memref<10240xf32, #tpu.memory_space<vmem_shared>> -> memref<640xf32, #tpu.memory_space<vmem_shared>>
      %dma_start3A_35 = tpu.memref_slice %arg7[%mul3A_13] : memref<10240xf32, #tpu.memory_space<vmem_shared>> -> memref<640xf32, #tpu.memory_space<vmem_shared>>
      tpu.enqueue_dma source(%arg6 : memref<640xf32, #tpu.memory_space<vmem>>) target(%dma_start3A_35 : memref<640xf32, #tpu.memory_space<vmem_shared>>) target_semaphore(%run_scoped3A : memref<!tpu.dma_semaphore, #tpu.memory_space<semaphore_mem>>)
      %dma_wait3A = tpu.memref_slice %arg7[%mul3A_13] : memref<10240xf32, #tpu.memory_space<vmem_shared>> -> memref<640xf32, #tpu.memory_space<vmem_shared>>
      %dma_wait3A_36 = tpu.memref_slice %arg7[%mul3A_13] : memref<10240xf32, #tpu.memory_space<vmem_shared>> -> memref<640xf32, #tpu.memory_space<vmem_shared>>
      tpu.wait_dma2 semaphore(%run_scoped3A : memref<!tpu.dma_semaphore, #tpu.memory_space<semaphore_mem>>) src(%arg6 : memref<640xf32, #tpu.memory_space<vmem>>) dst(%dma_wait3A_36 : memref<640xf32, #tpu.memory_space<vmem_shared>>)
      tpu.yield
    }) : () -> ()
    %barrier3A = arith.constant 0 : index
    tpu.barrier barrier_id(%barrier3A)
    %mul3A_14 = arith.constant 16 : i32
    %mul3A_15 = arith.muli %arg0, %mul3A_14 : i32
    %add3A = arith.addi %mul3A_15, %arg1 : i32
    "tpu.region"() ({
      %run_scoped3A = tpu.sem_alloc : memref<!tpu.dma_semaphore, #tpu.memory_space<semaphore_mem>>
      %dma_start3A = arith.constant 0 : i32
      %dma_start3A_35 = arith.constant 0 : i32
      %dma_start3A_36 = tpu.memref_slice %arg2[%add3A, %dma_start3A, %dma_start3A_35] : memref<32x80x125xi32, #tpu.memory_space<hbm>> -> memref<1x80x125xi32, #tpu.memory_space<hbm>>
      %dma_start3A_37 = tpu.memref_squeeze %dma_start3A_36 : memref<1x80x125xi32, #tpu.memory_space<hbm>> -> memref<80x125xi32, #tpu.memory_space<hbm>>
      %dma_start3A_38 = arith.constant 0 : i32
      %dma_start3A_39 = arith.constant 0 : i32
      %dma_start3A_40 = tpu.memref_slice %arg2[%add3A, %dma_start3A_38, %dma_start3A_39] : memref<32x80x125xi32, #tpu.memory_space<hbm>> -> memref<1x80x125xi32, #tpu.memory_space<hbm>>
      %dma_start3A_41 = tpu.memref_squeeze %dma_start3A_40 : memref<1x80x125xi32, #tpu.memory_space<hbm>> -> memref<80x125xi32, #tpu.memory_space<hbm>>
      tpu.enqueue_dma source(%dma_start3A_41 : memref<80x125xi32, #tpu.memory_space<hbm>>) target(%arg4 : memref<80x125xi32, #tpu.memory_space<vmem>>) target_semaphore(%run_scoped3A : memref<!tpu.dma_semaphore, #tpu.memory_space<semaphore_mem>>)
      %dma_wait3A = arith.constant 0 : i32
      %dma_wait3A_42 = arith.constant 0 : i32
      %dma_wait3A_43 = tpu.memref_slice %arg2[%add3A, %dma_wait3A, %dma_wait3A_42] : memref<32x80x125xi32, #tpu.memory_space<hbm>> -> memref<1x80x125xi32, #tpu.memory_space<hbm>>
      %dma_wait3A_44 = tpu.memref_squeeze %dma_wait3A_43 : memref<1x80x125xi32, #tpu.memory_space<hbm>> -> memref<80x125xi32, #tpu.memory_space<hbm>>
      %dma_wait3A_45 = arith.constant 0 : i32
      %dma_wait3A_46 = arith.constant 0 : i32
      %dma_wait3A_47 = tpu.memref_slice %arg2[%add3A, %dma_wait3A_45, %dma_wait3A_46] : memref<32x80x125xi32, #tpu.memory_space<hbm>> -> memref<1x80x125xi32, #tpu.memory_space<hbm>>
      %dma_wait3A_48 = tpu.memref_squeeze %dma_wait3A_47 : memref<1x80x125xi32, #tpu.memory_space<hbm>> -> memref<80x125xi32, #tpu.memory_space<hbm>>
      tpu.wait_dma2 semaphore(%run_scoped3A : memref<!tpu.dma_semaphore, #tpu.memory_space<semaphore_mem>>) src(%dma_wait3A_48 : memref<80x125xi32, #tpu.memory_space<hbm>>) dst(%arg4 : memref<80x125xi32, #tpu.memory_space<vmem>>)
      tpu.yield
    }) : () -> ()
    %scan3A_16 = arith.constant 0 : i32
    %scan3A_17 = arith.constant 0 : i32
    %scan3A_18 = arith.constant 80 : i32
    %scan3A_19 = arith.addi %scan3A_17, %scan3A_18 : i32
    %scan3A_20 = arith.constant 1 : i32
    %scan3A_21 = scf.for %scan3A_35 = %scan3A_17 to %scan3A_19 step %scan3A_20 iter_args(%scan3A_36 = %scan3A_16) -> (i32)  : i32 {
      %dma_start3A = arith.constant 0 : i32
      %dma_start3A_37 = tpu.memref_slice %arg5[%dma_start3A] : memref<128xf32, #tpu.memory_space<vmem>> -> memref<125xf32, #tpu.memory_space<vmem>>
      %dma_start3A_38 = arith.constant 0 : i32
      %dma_start3A_39 = tpu.memref_slice %arg4[%scan3A_35, %dma_start3A_38] : memref<80x125xi32, #tpu.memory_space<vmem>> -> memref<1x125xi32, #tpu.memory_space<vmem>>
      %dma_start3A_40 = tpu.memref_squeeze %dma_start3A_39 : memref<1x125xi32, #tpu.memory_space<vmem>> -> memref<125xi32, #tpu.memory_space<vmem>>
      %dma_start3A_41 = arith.constant 0 : i32
      %dma_start3A_42 = tpu.memref_slice %arg7[%dma_start3A_41] : memref<10240xf32, #tpu.memory_space<vmem_shared>> -> memref<10240xf32, #tpu.memory_space<vmem_shared>>
      tpu.enqueue_indirect_dma source(%dma_start3A_37 : memref<125xf32, #tpu.memory_space<vmem>>) target(%dma_start3A_42 : memref<10240xf32, #tpu.memory_space<vmem_shared>>) offsets(%dma_start3A_40 : memref<125xi32, #tpu.memory_space<vmem>>) semaphore(%arg8 : memref<!tpu.dma_semaphore, #tpu.memory_space<semaphore_mem>>) {add = true}
      %scan3A_43 = arith.constant 0 : i32
      scf.yield %scan3A_43 : i32
    }
    %scan3A_22 = arith.constant 80 : i32
    %scan3A_23 = arith.constant 0 : i32
    %scan3A_24 = arith.constant 0 : i32
    %scan3A_25 = arith.constant 80 : i32
    %scan3A_26 = arith.addi %scan3A_24, %scan3A_25 : i32
    %scan3A_27 = arith.constant 1 : i32
    %scan3A_28 = scf.for %scan3A_35 = %scan3A_24 to %scan3A_26 step %scan3A_27 iter_args(%scan3A_36 = %scan3A_23) -> (i32)  : i32 {
      %dma_wait3A = arith.constant 0 : i32
      %dma_wait3A_37 = arith.constant 0 : i32
      %dma_wait3A_38 = tpu.memref_slice %arg5[%dma_wait3A_37] : memref<128xf32, #tpu.memory_space<vmem>> -> memref<125xf32, #tpu.memory_space<vmem>>
      %dma_wait3A_39 = arith.constant 0 : i32
      %dma_wait3A_40 = tpu.memref_slice %arg4[%dma_wait3A, %dma_wait3A_39] : memref<80x125xi32, #tpu.memory_space<vmem>> -> memref<1x125xi32, #tpu.memory_space<vmem>>
      %dma_wait3A_41 = tpu.memref_squeeze %dma_wait3A_40 : memref<1x125xi32, #tpu.memory_space<vmem>> -> memref<125xi32, #tpu.memory_space<vmem>>
      %dma_wait3A_42 = arith.constant 0 : i32
      %dma_wait3A_43 = tpu.memref_slice %arg7[%dma_wait3A_42] : memref<10240xf32, #tpu.memory_space<vmem_shared>> -> memref<10240xf32, #tpu.memory_space<vmem_shared>>
      tpu.wait_indirect_dma semaphore(%arg8 : memref<!tpu.dma_semaphore, #tpu.memory_space<semaphore_mem>>) src(%dma_wait3A_38 : memref<125xf32, #tpu.memory_space<vmem>>) dst(%dma_wait3A_43 : memref<10240xf32, #tpu.memory_space<vmem_shared>>)
      %scan3A_44 = arith.constant 0 : i32
      scf.yield %scan3A_44 : i32
    }
    %scan3A_29 = arith.constant 80 : i32
    %barrier3A_30 = arith.constant 0 : index
    tpu.barrier barrier_id(%barrier3A_30)
    %mul3A_31 = arith.constant 640 : i32
    %mul3A_32 = arith.muli %arg1, %mul3A_31 : i32
    %mul3A_33 = arith.constant 640 : i32
    %mul3A_34 = arith.muli %arg1, %mul3A_33 : i32
    "tpu.region"() ({
      %run_scoped3A = tpu.sem_alloc : memref<!tpu.dma_semaphore, #tpu.memory_space<semaphore_mem>>
      %dma_start3A = tpu.memref_slice %arg3[%arg0, %mul3A_34] : memref<2x10240xf32, #tpu.memory_space<hbm>> -> memref<1x640xf32, #tpu.memory_space<hbm>>
      %dma_start3A_35 = tpu.memref_squeeze %dma_start3A : memref<1x640xf32, #tpu.memory_space<hbm>> -> memref<640xf32, #tpu.memory_space<hbm>>
      %dma_start3A_36 = tpu.memref_slice %arg7[%mul3A_32] : memref<10240xf32, #tpu.memory_space<vmem_shared>> -> memref<640xf32, #tpu.memory_space<vmem_shared>>
      tpu.enqueue_dma source(%dma_start3A_36 : memref<640xf32, #tpu.memory_space<vmem_shared>>) target(%dma_start3A_35 : memref<640xf32, #tpu.memory_space<hbm>>) target_semaphore(%run_scoped3A : memref<!tpu.dma_semaphore, #tpu.memory_space<semaphore_mem>>)
      %dma_wait3A = tpu.memref_slice %arg3[%arg0, %mul3A_34] : memref<2x10240xf32, #tpu.memory_space<hbm>> -> memref<1x640xf32, #tpu.memory_space<hbm>>
      %dma_wait3A_37 = tpu.memref_squeeze %dma_wait3A : memref<1x640xf32, #tpu.memory_space<hbm>> -> memref<640xf32, #tpu.memory_space<hbm>>
      %dma_wait3A_38 = tpu.memref_slice %arg7[%mul3A_32] : memref<10240xf32, #tpu.memory_space<vmem_shared>> -> memref<640xf32, #tpu.memory_space<vmem_shared>>
      tpu.wait_dma2 semaphore(%run_scoped3A : memref<!tpu.dma_semaphore, #tpu.memory_space<semaphore_mem>>) src(%dma_wait3A_38 : memref<640xf32, #tpu.memory_space<vmem_shared>>) dst(%dma_wait3A_37 : memref<640xf32, #tpu.memory_space<hbm>>)
      tpu.yield
    }) : () -> ()
    return
  }
}

module attributes {stable_mosaic.version = 14 : i64} {
  func.func @_prescale_body(%arg0: i32, %arg1: memref<10000x128xf32, #tpu.memory_space<vmem>>, %arg2: memref<2x10000x1xf32, #tpu.memory_space<vmem>>, %arg3: memref<10000x128xf32, #tpu.memory_space<vmem>>, %arg4: memref<10000x1xf32, #tpu.memory_space<vmem>>) attributes {dimension_semantics = [#tpu.dimension_semantics<arbitrary>], iteration_bounds = array<i64: 1>, scalar_prefetch = 0 : i64, scratch_operands = 0 : i64, tpu.core_type = #tpu.core_type<tc>, window_params = [{pipeline_mode = #tpu.pipeline_mode<synchronous>, transform_indices = @transform_0, window_bounds = array<i64: 10000, 128>}, {transform_indices = @transform_1, window_bounds = array<i64: 2, 10000, 1>}, {pipeline_mode = #tpu.pipeline_mode<synchronous>, transform_indices = @transform_2, window_bounds = array<i64: 10000, 128>}, {pipeline_mode = #tpu.pipeline_mode<synchronous>, transform_indices = @transform_3, window_bounds = array<i64: 10000, 1>}]} {
    %get3A = arith.constant 0 : index
    %get3A_0 = arith.constant 0 : index
    %get3A_1 = arith.constant 0 : index
    %get3A_2 = vector.load %arg2[%get3A, %get3A_0, %get3A_1] : memref<2x10000x1xf32, #tpu.memory_space<vmem>>, vector<1x10000x1xf32>
    %get3A_3 = vector.shape_cast %get3A_2 : vector<1x10000x1xf32> to vector<10000x1xf32>
    %get3A_4 = arith.constant 1 : index
    %get3A_5 = arith.constant 0 : index
    %get3A_6 = arith.constant 0 : index
    %get3A_7 = vector.load %arg2[%get3A_4, %get3A_5, %get3A_6] : memref<2x10000x1xf32, #tpu.memory_space<vmem>>, vector<1x10000x1xf32>
    %get3A_8 = vector.shape_cast %get3A_7 : vector<1x10000x1xf32> to vector<10000x1xf32>
    %add3A = arith.addf %get3A_3, %get3A_8 : vector<10000x1xf32>
    %add3A_9 = arith.constant 1.000000e+00 : f32
    %add3A_10 = vector.broadcast %add3A_9 : f32 to vector<10000x1xf32>
    %add3A_11 = arith.addf %add3A, %add3A_10 : vector<10000x1xf32>
    %rsqrt3A = math.rsqrt %add3A_11 : vector<10000x1xf32>
    %swap3A = arith.constant 0 : index
    %swap3A_12 = arith.constant 0 : index
    %swap3A_13 = vector.load %arg4[%swap3A, %swap3A_12] : memref<10000x1xf32, #tpu.memory_space<vmem>>, vector<10000x1xf32>
    tpu.vector_store %arg4[%swap3A, %swap3A_12], %rsqrt3A {strides = array<i32>} : memref<10000x1xf32, #tpu.memory_space<vmem>>, vector<10000x1xf32>,
    %get3A_14 = arith.constant 0 : index
    %get3A_15 = arith.constant 0 : index
    %get3A_16 = vector.load %arg1[%get3A_14, %get3A_15] : memref<10000x128xf32, #tpu.memory_space<vmem>>, vector<10000x128xf32>
    %mul3A = vector.broadcast %rsqrt3A : vector<10000x1xf32> to vector<10000x128xf32>
    %mul3A_17 = arith.mulf %get3A_16, %mul3A : vector<10000x128xf32>
    %swap3A_18 = arith.constant 0 : index
    %swap3A_19 = arith.constant 0 : index
    %swap3A_20 = vector.load %arg3[%swap3A_18, %swap3A_19] : memref<10000x128xf32, #tpu.memory_space<vmem>>, vector<10000x128xf32>
    tpu.vector_store %arg3[%swap3A_18, %swap3A_19], %mul3A_17 {strides = array<i32>} : memref<10000x128xf32, #tpu.memory_space<vmem>>, vector<10000x128xf32>,
    return
  }
  func.func @transform_0(%arg0: i32) -> (i32, i32) {
    %c0_i32 = arith.constant 0 : i32
    %c0_i32_0 = arith.constant 0 : i32
    %c0_i32_1 = arith.constant 0 : i32
    return %c0_i32, %c0_i32_0 : i32, i32
  }
  func.func @transform_1(%arg0: i32) -> (i32, i32, i32) {
    %c0_i32 = arith.constant 0 : i32
    %c0_i32_0 = arith.constant 0 : i32
    %c0_i32_1 = arith.constant 0 : i32
    %c0_i32_2 = arith.constant 0 : i32
    return %c0_i32, %c0_i32_0, %c0_i32_1 : i32, i32, i32
  }
  func.func @transform_2(%arg0: i32) -> (i32, i32) {
    %c0_i32 = arith.constant 0 : i32
    %c0_i32_0 = arith.constant 0 : i32
    %c0_i32_1 = arith.constant 0 : i32
    return %c0_i32, %c0_i32_0 : i32, i32
  }
  func.func @transform_3(%arg0: i32) -> (i32, i32) {
    %c0_i32 = arith.constant 0 : i32
    %c0_i32_0 = arith.constant 0 : i32
    %c0_i32_1 = arith.constant 0 : i32
    return %c0_i32, %c0_i32_0 : i32, i32
  }
}

module attributes {stable_mosaic.version = 14 : i64} {
  func.func @_final_body(%arg0: i32, %arg1: memref<1x2000x128xf32, #tpu.memory_space<vmem>>, %arg2: memref<1x2000x128xf32, #tpu.memory_space<vmem>>, %arg3: memref<2000x128xf32, #tpu.memory_space<vmem>>, %arg4: memref<2000x1xf32, #tpu.memory_space<vmem>>, %arg5: memref<2000x1xi32, #tpu.memory_space<vmem>>, %arg6: memref<128x128xf32, #tpu.memory_space<vmem>>, %arg7: memref<1x128xf32, #tpu.memory_space<vmem>>, %arg8: memref<128x1xf32, #tpu.memory_space<vmem>>, %arg9: memref<1x1xf32, #tpu.memory_space<vmem>>, %arg10: memref<1x64xf32, #tpu.memory_space<vmem>>, %arg11: memref<1x64xf32, #tpu.memory_space<vmem>>, %arg12: memref<1x64xf32, #tpu.memory_space<vmem>>) attributes {dimension_semantics = [#tpu.dimension_semantics<arbitrary>], iteration_bounds = array<i64: 5>, scalar_prefetch = 0 : i64, scratch_operands = 2 : i64, tpu.core_type = #tpu.core_type<tc>, window_params = [{transform_indices = @transform_0, window_bounds = array<i64: 1, 2000, 128>}, {transform_indices = @transform_1, window_bounds = array<i64: 1, 2000, 128>}, {transform_indices = @transform_2, window_bounds = array<i64: 2000, 128>}, {transform_indices = @transform_3, window_bounds = array<i64: 2000, 1>}, {transform_indices = @transform_4, window_bounds = array<i64: 2000, 1>}, {pipeline_mode = #tpu.pipeline_mode<synchronous>, transform_indices = @transform_5, window_bounds = array<i64: 128, 128>}, {pipeline_mode = #tpu.pipeline_mode<synchronous>, transform_indices = @transform_6, window_bounds = array<i64: 1, 128>}, {pipeline_mode = #tpu.pipeline_mode<synchronous>, transform_indices = @transform_7, window_bounds = array<i64: 128, 1>}, {pipeline_mode = #tpu.pipeline_mode<synchronous>, transform_indices = @transform_8, window_bounds = array<i64: 1, 1>}, {pipeline_mode = #tpu.pipeline_mode<synchronous>, transform_indices = @transform_9, window_bounds = array<i64: 1, 64>}]} {
    %eq3A = arith.constant 0 : i32
    %eq3A_0 = arith.cmpi eq, %arg0, %eq3A : i32
    %convert_element_type3A = arith.extui %eq3A_0 : i1 to i32
    %cond3A = arith.constant 0 : i32
    %cond3A_1 = arith.cmpi ne, %convert_element_type3A, %cond3A : i32
    scf.if %cond3A_1 {
      %broadcast_in_dim3A_67 = arith.constant 0.000000e+00 : f32
      %broadcast_in_dim3A_68 = vector.broadcast %broadcast_in_dim3A_67 : f32 to vector<1x64xf32>
      %swap3A_69 = arith.constant 0 : index
      %swap3A_70 = arith.constant 0 : index
      %swap3A_71 = vector.load %arg11[%swap3A_69, %swap3A_70] : memref<1x64xf32, #tpu.memory_space<vmem>>, vector<1x64xf32>
      tpu.vector_store %arg11[%swap3A_69, %swap3A_70], %broadcast_in_dim3A_68 {strides = array<i32>} : memref<1x64xf32, #tpu.memory_space<vmem>>, vector<1x64xf32>,
      %broadcast_in_dim3A_72 = arith.constant 0.000000e+00 : f32
      %broadcast_in_dim3A_73 = vector.broadcast %broadcast_in_dim3A_72 : f32 to vector<1x64xf32>
      %swap3A_74 = arith.constant 0 : index
      %swap3A_75 = arith.constant 0 : index
      %swap3A_76 = vector.load %arg12[%swap3A_74, %swap3A_75] : memref<1x64xf32, #tpu.memory_space<vmem>>, vector<1x64xf32>
      tpu.vector_store %arg12[%swap3A_74, %swap3A_75], %broadcast_in_dim3A_73 {strides = array<i32>} : memref<1x64xf32, #tpu.memory_space<vmem>>, vector<1x64xf32>,
    } else {
    }
    %get3A = arith.constant 0 : index
    %get3A_2 = arith.constant 0 : index
    %get3A_3 = arith.constant 0 : index
    %get3A_4 = vector.load %arg1[%get3A, %get3A_2, %get3A_3] : memref<1x2000x128xf32, #tpu.memory_space<vmem>>, vector<1x2000x128xf32>
    %get3A_5 = vector.shape_cast %get3A_4 : vector<1x2000x128xf32> to vector<2000x128xf32>
    %get3A_6 = arith.constant 0 : index
    %get3A_7 = arith.constant 0 : index
    %get3A_8 = arith.constant 0 : index
    %get3A_9 = vector.load %arg2[%get3A_6, %get3A_7, %get3A_8] : memref<1x2000x128xf32, #tpu.memory_space<vmem>>, vector<1x2000x128xf32>
    %get3A_10 = vector.shape_cast %get3A_9 : vector<1x2000x128xf32> to vector<2000x128xf32>
    %add3A = arith.addf %get3A_5, %get3A_10 : vector<2000x128xf32>
    %get3A_11 = arith.constant 0 : index
    %get3A_12 = arith.constant 0 : index
    %get3A_13 = vector.load %arg3[%get3A_11, %get3A_12] : memref<2000x128xf32, #tpu.memory_space<vmem>>, vector<2000x128xf32>
    %add3A_14 = arith.addf %add3A, %get3A_13 : vector<2000x128xf32>
    %get3A_15 = arith.constant 0 : index
    %get3A_16 = arith.constant 0 : index
    %get3A_17 = vector.load %arg4[%get3A_15, %get3A_16] : memref<2000x1xf32, #tpu.memory_space<vmem>>, vector<2000x1xf32>
    %mul3A = vector.broadcast %get3A_17 : vector<2000x1xf32> to vector<2000x128xf32>
    %mul3A_18 = arith.mulf %add3A_14, %mul3A : vector<2000x128xf32>
    %get3A_19 = arith.constant 0 : index
    %get3A_20 = arith.constant 0 : index
    %get3A_21 = vector.load %arg6[%get3A_19, %get3A_20] : memref<128x128xf32, #tpu.memory_space<vmem>>, vector<128x128xf32>
    %dot_general3A = arith.constant dense<0.000000e+00> : vector<2000x128xf32>
    %dot_general3A_22 = tpu.matmul %mul3A_18, %get3A_21, %dot_general3A {dimension_numbers = #tpu.dot_dimension_numbers<[1], [0], [0], [1], [0, 0, 1, 1], [], []>, transpose_lhs_hint = false} : vector<2000x128xf32>, vector<128x128xf32>, vector<2000x128xf32> -> vector<2000x128xf32>
    %get3A_23 = arith.constant 0 : index
    %get3A_24 = arith.constant 0 : index
    %get3A_25 = vector.load %arg7[%get3A_23, %get3A_24] : memref<1x128xf32, #tpu.memory_space<vmem>>, vector<1x128xf32>
    %add3A_26 = vector.broadcast %get3A_25 : vector<1x128xf32> to vector<2000x128xf32>
    %add3A_27 = arith.addf %dot_general3A_22, %add3A_26 : vector<2000x128xf32>
    %max3A = arith.constant 0.000000e+00 : f32
    %max3A_28 = vector.broadcast %max3A : f32 to vector<2000x128xf32>
    %max3A_29 = arith.maximumf %add3A_27, %max3A_28 : vector<2000x128xf32>
    %get3A_30 = arith.constant 0 : index
    %get3A_31 = arith.constant 0 : index
    %get3A_32 = vector.load %arg8[%get3A_30, %get3A_31] : memref<128x1xf32, #tpu.memory_space<vmem>>, vector<128x1xf32>
    %dot_general3A_33 = arith.constant dense<0.000000e+00> : vector<2000x1xf32>
    %dot_general3A_34 = tpu.matmul %max3A_29, %get3A_32, %dot_general3A_33 {dimension_numbers = #tpu.dot_dimension_numbers<[1], [0], [0], [1], [0, 0, 1, 1], [], []>, transpose_lhs_hint = false} : vector<2000x128xf32>, vector<128x1xf32>, vector<2000x1xf32> -> vector<2000x1xf32>
    %iota3A = tpu.iota {dimensions = array<i32: 1>} : vector<1x64xi32>
    %get3A_35 = arith.constant 0 : index
    %get3A_36 = arith.constant 0 : index
    %get3A_37 = vector.load %arg5[%get3A_35, %get3A_36] : memref<2000x1xi32, #tpu.memory_space<vmem>>, vector<2000x1xi32>
    %eq3A_38 = vector.broadcast %get3A_37 : vector<2000x1xi32> to vector<2000x64xi32>
    %eq3A_39 = vector.broadcast %iota3A : vector<1x64xi32> to vector<2000x64xi32>
    %eq3A_40 = arith.cmpi eq, %eq3A_38, %eq3A_39 : vector<2000x64xi32>
    %convert_element_type3A_41 = arith.extui %eq3A_40 : vector<2000x64xi1> to vector<2000x64xi32>
    %convert_element_type3A_42 = arith.sitofp %convert_element_type3A_41 : vector<2000x64xi32> to vector<2000x64xf32>
    %get3A_43 = arith.constant 0 : index
    %get3A_44 = arith.constant 0 : index
    %get3A_45 = vector.load %arg11[%get3A_43, %get3A_44] : memref<1x64xf32, #tpu.memory_space<vmem>>, vector<1x64xf32>
    %mul3A_46 = vector.broadcast %dot_general3A_34 : vector<2000x1xf32> to vector<2000x64xf32>
    %mul3A_47 = arith.mulf %convert_element_type3A_42, %mul3A_46 : vector<2000x64xf32>
    %reduce_sum3A = arith.constant dense<0.000000e+00> : vector<64xf32>
    %reduce_sum3A_48 = vector.multi_reduction <add>, %mul3A_47, %reduce_sum3A [0] : vector<2000x64xf32> to vector<64xf32>
    %broadcast_in_dim3A = vector.shape_cast %reduce_sum3A_48 : vector<64xf32> to vector<1x64xf32>
    %add3A_49 = arith.addf %get3A_45, %broadcast_in_dim3A : vector<1x64xf32>
    %swap3A = arith.constant 0 : index
    %swap3A_50 = arith.constant 0 : index
    %swap3A_51 = vector.load %arg11[%swap3A, %swap3A_50] : memref<1x64xf32, #tpu.memory_space<vmem>>, vector<1x64xf32>
    tpu.vector_store %arg11[%swap3A, %swap3A_50], %add3A_49 {strides = array<i32>} : memref<1x64xf32, #tpu.memory_space<vmem>>, vector<1x64xf32>,
    %get3A_52 = arith.constant 0 : index
    %get3A_53 = arith.constant 0 : index
    %get3A_54 = vector.load %arg12[%get3A_52, %get3A_53] : memref<1x64xf32, #tpu.memory_space<vmem>>, vector<1x64xf32>
    %reduce_sum3A_55 = arith.constant dense<0.000000e+00> : vector<64xf32>
    %reduce_sum3A_56 = vector.multi_reduction <add>, %convert_element_type3A_42, %reduce_sum3A_55 [0] : vector<2000x64xf32> to vector<64xf32>
    %broadcast_in_dim3A_57 = vector.shape_cast %reduce_sum3A_56 : vector<64xf32> to vector<1x64xf32>
    %add3A_58 = arith.addf %get3A_54, %broadcast_in_dim3A_57 : vector<1x64xf32>
    %swap3A_59 = arith.constant 0 : index
    %swap3A_60 = arith.constant 0 : index
    %swap3A_61 = vector.load %arg12[%swap3A_59, %swap3A_60] : memref<1x64xf32, #tpu.memory_space<vmem>>, vector<1x64xf32>
    tpu.vector_store %arg12[%swap3A_59, %swap3A_60], %add3A_58 {strides = array<i32>} : memref<1x64xf32, #tpu.memory_space<vmem>>, vector<1x64xf32>,
    %eq3A_62 = arith.constant 4 : i32
    %eq3A_63 = arith.cmpi eq, %arg0, %eq3A_62 : i32
    %convert_element_type3A_64 = arith.extui %eq3A_63 : i1 to i32
    %cond3A_65 = arith.constant 0 : i32
    %cond3A_66 = arith.cmpi ne, %convert_element_type3A_64, %cond3A_65 : i32
    scf.if %cond3A_66 {
      %get3A_67 = arith.constant 0 : index
      %get3A_68 = arith.constant 0 : index
      %get3A_69 = vector.load %arg11[%get3A_67, %get3A_68] : memref<1x64xf32, #tpu.memory_space<vmem>>, vector<1x64xf32>
      %get3A_70 = arith.constant 0 : index
      %get3A_71 = arith.constant 0 : index
      %get3A_72 = vector.load %arg12[%get3A_70, %get3A_71] : memref<1x64xf32, #tpu.memory_space<vmem>>, vector<1x64xf32>
      %max3A_73 = arith.constant 1.000000e+00 : f32
      %max3A_74 = vector.broadcast %max3A_73 : f32 to vector<1x64xf32>
      %max3A_75 = arith.maximumf %get3A_72, %max3A_74 : vector<1x64xf32>
      %div3A = arith.divf %get3A_69, %max3A_75 : vector<1x64xf32>
      %get3A_76 = arith.constant 0 : index
      %get3A_77 = arith.constant 0 : index
      %get3A_78 = vector.load %arg9[%get3A_76, %get3A_77] : memref<1x1xf32, #tpu.memory_space<vmem>>, vector<1x1xf32>
      %add3A_79 = vector.broadcast %get3A_78 : vector<1x1xf32> to vector<1x64xf32>
      %add3A_80 = arith.addf %div3A, %add3A_79 : vector<1x64xf32>
      %logistic3A = arith.negf %add3A_80 : vector<1x64xf32>
      %logistic3A_81 = math.exp %logistic3A : vector<1x64xf32>
      %logistic3A_82 = arith.constant 1.000000e+00 : f32
      %logistic3A_83 = vector.broadcast %logistic3A_82 : f32 to vector<1x64xf32>
      %logistic3A_84 = arith.addf %logistic3A_83, %logistic3A_81 : vector<1x64xf32>
      %logistic3A_85 = arith.divf %logistic3A_83, %logistic3A_84 : vector<1x64xf32>
      %swap3A_86 = arith.constant 0 : index
      %swap3A_87 = arith.constant 0 : index
      %swap3A_88 = vector.load %arg10[%swap3A_86, %swap3A_87] : memref<1x64xf32, #tpu.memory_space<vmem>>, vector<1x64xf32>
      tpu.vector_store %arg10[%swap3A_86, %swap3A_87], %logistic3A_85 {strides = array<i32>} : memref<1x64xf32, #tpu.memory_space<vmem>>, vector<1x64xf32>,
    } else {
    }
    return
  }
  func.func @transform_0(%arg0: i32) -> (i32, i32, i32) {
    %c0_i32 = arith.constant 0 : i32
    %c0_i32_0 = arith.constant 0 : i32
    %c0_i32_1 = arith.constant 0 : i32
    return %c0_i32, %arg0, %c0_i32_0 : i32, i32, i32
  }
  func.func @transform_1(%arg0: i32) -> (i32, i32, i32) {
    %c1_i32 = arith.constant 1 : i32
    %c0_i32 = arith.constant 0 : i32
    %c0_i32_0 = arith.constant 0 : i32
    return %c1_i32, %arg0, %c0_i32 : i32, i32, i32
  }
  func.func @transform_2(%arg0: i32) -> (i32, i32) {
    %c0_i32 = arith.constant 0 : i32
    %c0_i32_0 = arith.constant 0 : i32
    return %arg0, %c0_i32 : i32, i32
  }
  func.func @transform_3(%arg0: i32) -> (i32, i32) {
    %c0_i32 = arith.constant 0 : i32
    %c0_i32_0 = arith.constant 0 : i32
    return %arg0, %c0_i32 : i32, i32
  }
  func.func @transform_4(%arg0: i32) -> (i32, i32) {
    %c0_i32 = arith.constant 0 : i32
    %c0_i32_0 = arith.constant 0 : i32
    return %arg0, %c0_i32 : i32, i32
  }
  func.func @transform_5(%arg0: i32) -> (i32, i32) {
    %c0_i32 = arith.constant 0 : i32
    %c0_i32_0 = arith.constant 0 : i32
    %c0_i32_1 = arith.constant 0 : i32
    return %c0_i32, %c0_i32_0 : i32, i32
  }
  func.func @transform_6(%arg0: i32) -> (i32, i32) {
    %c0_i32 = arith.constant 0 : i32
    %c0_i32_0 = arith.constant 0 : i32
    %c0_i32_1 = arith.constant 0 : i32
    return %c0_i32, %c0_i32_0 : i32, i32
  }
  func.func @transform_7(%arg0: i32) -> (i32, i32) {
    %c0_i32 = arith.constant 0 : i32
    %c0_i32_0 = arith.constant 0 : i32
    %c0_i32_1 = arith.constant 0 : i32
    return %c0_i32, %c0_i32_0 : i32, i32
  }
  func.func @transform_8(%arg0: i32) -> (i32, i32) {
    %c0_i32 = arith.constant 0 : i32
    %c0_i32_0 = arith.constant 0 : i32
    %c0_i32_1 = arith.constant 0 : i32
    return %c0_i32, %c0_i32_0 : i32, i32
  }
  func.func @transform_9(%arg0: i32) -> (i32, i32) {
    %c0_i32 = arith.constant 0 : i32
    %c0_i32_0 = arith.constant 0 : i32
    %c0_i32_1 = arith.constant 0 : i32
    return %c0_i32, %c0_i32_0 : i32, i32
  }
}

</mosaic_0001>

<sc_bundles>
// kernel: kernel.6.cloned.1.call-start
scs
__scs_entry_jumppad:
0x0: {  	(pc) =	sbr.rel $0x88, $3  }
0x1: {  	(tag) =	ssettag $0x0;
	lr =	simm.s32 $0x1  }
0x2: {  	[smem:$0x3F9A] =	sst lr;
	_ =	strace $0xD0000000  }
0x3: {  	_ = 	snop  }
0x4: {  	_ = 	snop  }
0x5: {  	_ = 	snop  }
0x6: {  	_ = 	snop  }
0x7: {  	_ = 	snop  }
__scs_overlays_trampoline_lowered:
0x8: {  	[smem:$0x3FA9] =	sst s0  }
0x9: {  	[smem:$0x3FAA] =	sst s1  }
0xa: {  	[smem:$0x3FAB] =	sst s2  }
0xb: {  	[smem:$0x3FAC] =	sst s3  }
0xc: {  	[smem:$0x3FAD] =	sst s4  }
0xd: {  	[smem:$0x3FAE] =	sst s5  }
0xe: {  	[smem:$0x3FAF] =	sst s6  }
0xf: {  	[smem:$0x3FB0] =	sst s7  }
0x10: {  	[smem:$0x3FB1] =	sst s8  }
0x11: {  	[smem:$0x3FB2] =	sst s9;
	s0 =	simm.s32 @!p0 $0x0  }
0x12: {  	s1 =	sld [smem:$0x3F98];
	s0 =	simm.s32 @p0 $0x1  }
0x13: {  	[smem:$0x3FB3] =	sst s0;
	s0 =	simm.s32 @!p1 $0x0  }
0x14: {  	s2 =	sld [smem:$0x3F97];
	s0 =	simm.s32 @p1 $0x1  }
0x15: {  	[smem:$0x3FB4] =	sst s0;
	s0 =	simm.s32 @!p2 $0x0  }
0x16: {  	s3 =	sld [smem:$0x3FDB];
	s0 =	simm.s32 @p2 $0x1  }
0x17: {  	s4 =	simm.s32 $0x1BF5;
	[smem:$0x3FB6] =	sst s0  }
0x18: {  	s0 =	sld [smem:$0x3F99];
	_ =	swait.ge [sflag:s4], $0x0  }
0x19: {  	s7 =	sld [smem:$0x3F9A]  }
0x1a: {  	s8 =	sadd.s32 $0xFFFFE003, lr  }
0x1b: {  	s9 =	sadd.s32 $0xFFFFFEF7, lr;
	s5 =	simm.s32 $0xFFFFFFFF;
	p2 =	slt.u32 s8, $0xFFFFF086  }
0x1c: {  	p1 =	slt.u32 s9, $0xF7A;
	s5 =	simm.s32 @!p2 $0x0  }
0x1d: {  	s5 =	simm.s32 @p1 $0x1;
	p0 =	seq.s32 s7, s2  }
0x1e: {  	s7 =	smul.u32 @!p0 $0xF7A, s2;
	p2 =	seq.s32 @!p0 s5, $0x0  }
0x1f: {  	s9 =	smul.u32 $0xF7A, s1;
	s8 =	simm.s32 @!p0 $0x1BF5;
	p2 =	por !p2, p0  }
0x20: {  	[sflag:s8] =	ssyncset.s32 @!p0 $0xFFFFF086;
	s6 =	sadd.s32 @!p0 s3, s7;
	s7 =	simm.s32 @!p0 $0x108  }
0x21: {  	s3 =	sadd.s32 s3, s9;
	s6 =	sadd.s32 @!p0 $0x88, s6;
	s7 =	simm.s32 @p2 $0x1082  }
0x22: {  	[simem:s7], [sflag:s8] =	dma.local @!p0 [hbm:s6], $0xF7A  }
0x23: {  	s9 =	sor.u32 $0xD0000000, s2;
	s6 =	simm.s32 $0x108;
	_ =	swait.ge @!p0 [sflag:s8], $0x0  }
0x24: {  	s3 =	sadd.s32 $0x88, s3;
	s6 =	simm.s32 @!p1 $0x1082;
	[sflag:s4] =	ssyncset.s32 $0xFFFFF086  }
0x25: {  	[simem:s6], [sflag:s4] =	dma.local [hbm:s3], $0xF7A  }
0x26: {  	[smem:$0x3F9A] =	sst s1;
	(tag) =	ssettag s2;
	_ =	strace s9  }
0x27: {  	s1 =	sld [smem:$0x3FAA]  }
0x28: {  	s2 =	sld [smem:$0x3FAB]  }
0x29: {  	s4 =	sld [smem:$0x3FAD]  }
0x2a: {  	p0 =	seq.s32 s5, $0x0;
	s5 =	sld [smem:$0x3FAE]  }
0x2b: {  	s6 =	sld [smem:$0x3FAF]  }
0x2c: {  	s7 =	sld [smem:$0x3FB0]  }
0x2d: {  	s3 =	simm.s32 $0x108;
	s8 =	sld [smem:$0x3FB1]  }
0x2e: {  	s3 =	simm.s32 @!p0 $0x1082;
	s9 =	sld [smem:$0x3FB2]  }
0x2f: {  	lr =	sadd.s32 s0, s3;
	s0 =	sld [smem:$0x3FA9]  }
0x30: {  	s3 =	sld [smem:$0x3FAC]  }
0x31: {  	[smem:$0x3FB5] =	sst s10  }
0x32: {  	s10 =	sld [smem:$0x3FB3];
	_ =	sdelay $0x3  }
0x33: {  	p0 =	seq.s32 s10, $0x1;
	s10 =	sld [smem:$0x3FB5];
	_ =	sdelay $0x3  }
0x34: {  	[smem:$0x3FB5] =	sst s10  }
0x35: {  	s10 =	sld [smem:$0x3FB4];
	_ =	sdelay $0x3  }
0x36: {  	p1 =	seq.s32 s10, $0x1;
	s10 =	sld [smem:$0x3FB5];
	_ =	sdelay $0x3  }
0x37: {  	[smem:$0x3FB5] =	sst s10  }
0x38: {  	s10 =	sld [smem:$0x3FB6]  }
0x39: {  	_ = 	snop;
	(pc) =	sbr.ind lr, $3  }
0x3a: {  	_ = 	snop  }
0x3b: {  	_ = 	snop  }
0x3c: {  	p2 =	seq.s32 s10, $0x1;
	s10 =	sld [smem:$0x3FB5]  }
0x3d: {  	_ =	shalt  }
0x3e: {  	_ =	shalt  }
0x3f: {  	_ =	shalt  }
0x40: {  	_ =	shalt  }
0x41: {  	_ =	shalt  }
0x42: {  	_ =	shalt  }
0x43: {  	_ =	shalt  }
0x44: {  	_ =	shalt  }
0x45: {  	_ =	shalt  }
0x46: {  	_ =	shalt  }
0x47: {  	_ =	shalt  }
0x48: {  	_ =	shalt  }
0x49: {  	_ =	shalt  }
0x4a: {  	_ =	shalt  }
0x4b: {  	_ =	shalt  }
0x4c: {  	_ =	shalt  }
0x4d: {  	_ =	shalt  }
0x4e: {  	_ =	shalt  }
0x4f: {  	_ =	shalt  }
0x50: {  	_ =	shalt  }
0x51: {  	_ =	shalt  }
0x52: {  	_ =	shalt  }
0x53: {  	_ =	shalt  }
0x54: {  	_ =	shalt  }
0x55: {  	_ =	shalt  }
0x56: {  	_ =	shalt  }
0x57: {  	_ =	shalt  }
0x58: {  	_ =	shalt  }
0x59: {  	_ =	shalt  }
0x5a: {  	_ =	shalt  }
0x5b: {  	_ =	shalt  }
0x5c: {  	_ =	shalt  }
0x5d: {  	_ =	shalt  }
0x5e: {  	_ =	shalt  }
0x5f: {  	_ =	shalt  }
0x60: {  	_ =	shalt  }
0x61: {  	_ =	shalt  }
0x62: {  	_ =	shalt  }
0x63: {  	_ =	shalt  }
0x64: {  	_ =	shalt  }
0x65: {  	_ =	shalt  }
0x66: {  	_ =	shalt  }
0x67: {  	_ =	shalt  }
0x68: {  	_ =	shalt  }
0x69: {  	_ =	shalt  }
0x6a: {  	_ =	shalt  }
0x6b: {  	_ =	shalt  }
0x6c: {  	_ =	shalt  }
0x6d: {  	_ =	shalt  }
0x6e: {  	_ =	shalt  }
0x6f: {  	_ =	shalt  }
0x70: {  	_ =	shalt  }
0x71: {  	_ =	shalt  }
0x72: {  	_ =	shalt  }
0x73: {  	_ =	shalt  }
0x74: {  	_ =	shalt  }
0x75: {  	_ =	shalt  }
0x76: {  	_ =	shalt  }
0x77: {  	_ =	shalt  }
0x78: {  	_ =	shalt  }
0x79: {  	_ =	shalt  }
0x7a: {  	_ =	shalt  }
0x7b: {  	_ =	shalt  }
0x7c: {  	_ =	shalt  }
0x7d: {  	_ =	shalt  }
0x7e: {  	_ =	shalt  }
0x7f: {  	_ =	shalt  }
0x80: {  	_ =	shalt  }
0x81: {  	_ =	shalt  }
0x82: {  	_ =	shalt  }
0x83: {  	_ =	shalt  }
0x84: {  	_ =	shalt  }
0x85: {  	_ =	shalt  }
0x86: {  	_ =	shalt  }
0x87: {  	_ =	shalt  }
.Lfunc_end0:
.L_simem_size_0:
called_computation_lowered:
.L_overlay_start_0:
0x88: {  	s2 =	sld [smem:$0x3FD9]  }
0x89: {  	s3 =	sld [smem:$0x3FFE];
	_ =	sdelay $0x1  }
0x8a: {  	s1 =	srdreg.scid  }
0x8b: {  	s0 =	sand.u32 $0x1, s1  }
0x8c: {  	s16 =	sshll.u32 s0, $0xA;
	s2 =	sadd.s32 s3, s2  }
0x8d: {  	s2 =	sadd.s32 s2, s16  }
0x8e: {  	[smem:$0x3FC1] =	sst s2  }
0x8f: {  	_ = 	snop  }
0x90: {  	(tm) =	ssettm $0x1  }
0x91: {  	s17 =	sld [smem:$0x3FFB];
	_ =	sdelay $0x3  }
0x92: {  	_ =	strace s17  }
0x93: {  	s2 =	sld [smem:$0x3FFC];
	_ =	sdelay $0x3  }
0x94: {  	_ =	strace s2  }
0x95: {  	s2 =	sld [smem:$0x3FFD];
	_ =	sdelay $0x3  }
0x96: {  	_ =	strace s2  }
0x97: {  	_ =	strace $0x8FFFFFFF  }
0x98: {  	s18 =	sld [smem:$0x3FDB];
	_ =	sdelay $0x1  }
0x99: {  	s19 =	simm.s32 $_scs_section_size  }
0x9a: {  	s4 =	simm.s32 $_size__tile_overlayer_lowered;
	s5 =	simm.s32 $_tile_overlayer_lowered  }
0x9b: {  	s22 =	simm.s32 $0x1BFF;
	s21 =	sshll.u32 s5, $0x1;
	s2 =	sadd.s32 s19, s18  }
0x9c: {  	s6 =	simm.s32 $0x0;
	s20 =	sshll.u32 s4, $0x1;
	s4 =	sadd.s32 s21, s2  }
0x9d: {  	[timem:s6], [sflag:s22] =	dma.local [hbm:s4], s20  }
0x9e: {  	_ =	swait.ge [sflag:s22], s20  }
0x9f: {  	s3 =	ssub.s32 $0x0, s20;
	[sflag:s22] =	ssyncset.done $0x0  }
0xa0: {  	[sflag:s22] =	ssyncadd.s32 s3;
	_ =	sdelay $0x1  }
0xa1: {  	s23 =	simm.s32 $0x1B8B  }
0xa2: {  	_ =	swait.ge [sflag:s23], $0x1  }
0xa3: {  	[sflag:s23] =	ssyncset.done $0x0  }
0xa4: {  	s25 =	simm.s32 $0x1B8E;
	s24 =	sld [smem:$0x3FFE];
	[sflag:s23] =	ssyncadd.s32 $0xFFFFFFFF  }
0xa5: {  	s26 =	simm.s32 $execute0_lowered;
	[smem:$0x3FD2] =	sst s25  }
0xa6: {  	s4 =	sshll.u32 s26, $0x1;
	_ =	strace $0x80000046;
	[dreg:$0x1] =	wrdreg $0xFFFFFFFF  }
0xa7: {  	s28 =	simm.s32 $_size_execute0_lowered;
	s2 =	sadd.s32 s2, s4;
	[dreg:$0x0] =	wrdreg $0x0  }
0xa8: {  	s4 =	sshll.u32 s28, $0x1;
	[dreg:$0x2] =	wrdreg s2  }
0xa9: {  	[dreg:$0x3] =	wrdreg s4  }
0xaa: {  	[dreg:$0x4] =	wrdreg $0xC0  }
0xab: {  	_ =	task [dreg:s6], $0x5FFFF  }
0xac: {  	[dreg:$0x1] =	wrdreg $0xFFFFFFFF  }
0xad: {  	[dreg:$0x0] =	wrdreg $0x60  }
0xae: {  	[dreg:$0x2] =	wrdreg s24  }
0xaf: {  	[dreg:$0x3] =	wrdreg $0x2B000  }
0xb0: {  	[dreg:$0x4] =	wrdreg $0x9  }
0xb1: {  	_ =	task.clear_ibuf [dreg:s6], $0x5FFFF;
	_ =	strace $0x90000046  }
0xb2: {  	s29 =	simm.s32 $0x9;
	_ =	strace $0x80000048  }
0xb3: {  	_ =	swait.ge [sflag:s29], $0x1  }
0xb4: {  	[sflag:s29] =	ssyncadd.s32 $0xFFFFFFFF  }
0xb5: {  	_ =	strace $0x90000048  }
0xb6: {  	_ =	sfence  }
0xb7: {  	s30 =	sld [smem:$0x0];
	_ =	sdelay $0x2  }
0xb8: {  	s31 =	sshll.u32 s1, $0xD;
	s1 =	sshrl.u32 s1, $0x2  }
0xb9: {  	s3 =	sand.u32 $0x4000, s31;
	s1 =	sadd.s32 s1, s30  }
0xba: {  	s0 =	sor.u32 s3, s0;
	s1 =	sshll.u32 s1, $0x11  }
0xbb: {  	s0 =	sor.u32 s1, s0  }
0xbc: {  	s0 =	sadd.s32 $0x8F2B, s0  }
0xbd: {  	[sflag:s0] =	ssyncadd.remote.s32 $0x1  }
0xbe: {  	_ =	sfence.sel $0xFFFF  }
0xbf: {  	[dreg:$0x0] =	wrdreg $0xFFFFFFFF;
	(pc) =	sbr.abs _section_cstart, $3  }
0xc0: {  	[dreg:$0x1] =	wrdreg $0xFFFFFFFF  }
0xc1: {  	_ =	task.clear_ibuf [dreg:s6], $0x2FFFF;
	_ =	strace $0x9FFFFFFF  }
0xc2: {  	(tm) =	ssettm $0x7FFFFFFF  }
0xc3: {  	_ =	shalt  }
tec
execute0_lowered:
.L_overlay_start_1:
0x0: {  	(tag) =	ssettag $0x1  }
0x1: {  	s4 =	rddreg [dreg:$0x0]  }
0x2: {  	s1 =	rddreg [dreg:$0x1]  }
0x3: {  	s2 =	srdreg.scid;
	s0 =	rddreg [dreg:$0x2];
	s3 =	simm.s32 $0x0  }
0x4: {  	s10 =	simm.s32 $0x7D;
	s11 =	simm.s32 $0x2800;
	s12 =	simm.s32 $0x1  }
0x5: {  	s15 =	simm.s32 $0x20;
	s16 =	simm.s32 $0x10;
	s17 =	simm.s32 $0x0  }
0x6: {  	s5 =	sand.u32 $0x1, s2;
	s2 =	stileid.u32;
	[smem:$0x7FF] =	sst s3  }
0x7: {  	s6 =	sshll.u32 s5, $0x4;
	s7 =	smul.u32 $0x500, s2;
	_ =	strace $0x80000047  }
0x8: {  	s8 =	sshll.u32 s5, $0x7;
	s5 =	ssub.s32 $0x2, s5;
	s30 =	smul.u32 $0xA00, s2  }
0x9: {  	s13 =	sshll.u32 s2, $0x6;
	s6 =	sor.u32 s2, s6;
	s9 =	sshrl.u32 s5, $0x1  }
0xa: {  	s13 =	sor.u32 $0x1C02, s13;
	s6 =	smul.u32 $0x500, s6;
	s7 =	sor.u32 s8, s7  }
0xb: {  	s9 =	ssub.s32 s5, s9;
	s31 =	sshrl.u32 s30, $0x2;
	s7 =	sshrl.u32 s7, $0x3  }
0xc: {  	s8 =	simm.s32 $0x2880;
	s6 =	sadd.s32 s6, s4;
	s7 =	sadd.s32 s7, s4  }
0xd: {  	s4 =	sadd.s32 s31, s1;
	s5 =	sadd.s32 $0x1C00, s6;
	s6 =	sadd.s32 $0xBC00, s7  }
0xe: {  	v0 =	vimm.f32 $0.0e+00;
	v1 =	vimm.f32 $1.000000000e+00;
	s7 =	smax.u32 s9, $0x1;
	s9 =	simm.s32 $0x2;
	s14 =	sshrl.u32 s4, $0x3  }
.LBB2_1:
0xf: {  	[tilespmem:$0x2880] =	vst v0  }
0x10: {  	[tilespmem:$0x2890] =	vst v0  }
0x11: {  	[tilespmem:$0x28A0] =	vst v0  }
0x12: {  	[tilespmem:$0x28B0] =	vst v0  }
0x13: {  	[tilespmem:$0x28C0] =	vst v0  }
0x14: {  	[tilespmem:$0x28D0] =	vst v0  }
0x15: {  	[tilespmem:$0x28E0] =	vst v0  }
0x16: {  	[tilespmem:$0x28F0] =	vst v0  }
0x17: {  	[tilespmem:$0x2900] =	vst v0  }
0x18: {  	[tilespmem:$0x2910] =	vst v0  }
0x19: {  	[tilespmem:$0x2920] =	vst v0  }
0x1a: {  	[tilespmem:$0x2930] =	vst v0  }
0x1b: {  	[tilespmem:$0x2940] =	vst v0  }
0x1c: {  	[tilespmem:$0x2950] =	vst v0  }
0x1d: {  	[tilespmem:$0x2960] =	vst v0  }
0x1e: {  	[tilespmem:$0x2970] =	vst v0  }
0x1f: {  	[tilespmem:$0x2980] =	vst v0  }
0x20: {  	[tilespmem:$0x2990] =	vst v0  }
0x21: {  	[tilespmem:$0x29A0] =	vst v0  }
0x22: {  	[tilespmem:$0x29B0] =	vst v0  }
0x23: {  	[tilespmem:$0x29C0] =	vst v0  }
0x24: {  	[tilespmem:$0x29D0] =	vst v0  }
0x25: {  	[tilespmem:$0x29E0] =	vst v0  }
0x26: {  	[tilespmem:$0x29F0] =	vst v0  }
0x27: {  	[tilespmem:$0x2A00] =	vst v0  }
0x28: {  	[tilespmem:$0x2A10] =	vst v0  }
0x29: {  	[tilespmem:$0x2A20] =	vst v0  }
0x2a: {  	[tilespmem:$0x2A30] =	vst v0  }
0x2b: {  	[tilespmem:$0x2A40] =	vst v0  }
0x2c: {  	[tilespmem:$0x2A50] =	vst v0  }
0x2d: {  	[tilespmem:$0x2A60] =	vst v0  }
0x2e: {  	[tilespmem:$0x2A70] =	vst v0  }
0x2f: {  	[tilespmem:$0x2A80] =	vst v0  }
0x30: {  	[tilespmem:$0x2A90] =	vst v0  }
0x31: {  	[tilespmem:$0x2AA0] =	vst v0  }
0x32: {  	[tilespmem:$0x2AB0] =	vst v0  }
0x33: {  	[tilespmem:$0x2AC0] =	vst v0  }
0x34: {  	[tilespmem:$0x2AD0] =	vst v0  }
0x35: {  	[tilespmem:$0x2AE0] =	vst v0  }
0x36: {  	[tilespmem:$0x2AF0] =	vst v0  }
0x37: {  	[tilespmem:$0x2800] =	vst v1  }
0x38: {  	[tilespmem:$0x2810] =	vst v1  }
0x39: {  	[tilespmem:$0x2820] =	vst v1  }
0x3a: {  	[tilespmem:$0x2830] =	vst v1  }
0x3b: {  	[tilespmem:$0x2840] =	vst v1  }
0x3c: {  	[tilespmem:$0x2850] =	vst v1  }
0x3d: {  	[tilespmem:$0x2860] =	vst v1  }
0x3e: {  	[tilespmem:$0x2870] =	vst v1  }
0x3f: {  	[spmem:s4] =	stream.linear.scatter [tilespmem:s8], [sflag:$0x2], $0x280, $0x38;
	[tilespmem:$0x2D80] =	vst v63  }
0x40: {  	_ =	swait.ge [sflag:s9], $0x280  }
0x41: {  	[sflag:s9] =	ssyncset.done $0x0  }
0x42: {  	[sflag:s9] =	ssyncadd.s32 $0xFFFFFD80  }
0x43: {  	[bflag:$0x0] =	sbarrier.arrive $0xFFFF  }
0x44: {  	[tilespmem:s3], [sflag:$0x2] =	stream.linear.gather [hbm4b:s5+s3], $0x2800, $0x38;
	[tilespmem:$0x2D80] =	vst v63  }
0x45: {  	_ =	swait.ge [sflag:s9], $0x2800  }
0x46: {  	[sflag:s9] =	ssyncset.done $0x0  }
0x47: {  	s18 =	simm.s32 $0x0;
	[sflag:s9] =	ssyncadd.s32 $0xFFFFD800  }
.LBB2_2:
0x48: {  	p0 =	sne.s32 s18, $0x9E00  }
.Ltmp0:
0x49: {  	_ = 	snop;
	(pc) =	sbr.rel @p0 .LBB2_2-.Ltmp0, $3  }
0x4a: {  	_ =	sdelay $0x1  }
0x4b: {  	s19 =	sshra.s32 s18, $0x2;
	s18 =	sadd.s32 $0x200, s18  }
0x4c: {  	[spmem:s1] =	stream.indirect.scatter.add.f32 [tilespmem:s11], [sflag:$0x1], $0x1, s19, s10, $0xb8;
	[tilespmem:$0x2D80] =	vst v63  }
0x4d: {  	_ =	swait.ge [sflag:s12], $0x7D  }
0x4e: {  	s18 =	simm.s32 $0x4F;
	[sflag:s12] =	ssyncset.done $0x0  }
.LBB2_4:
0x4f: {  	p0 =	sne.s32 s18, $0x1;
	s18 =	sadd.s32 $0xFFFFFFFF, s18;
	[sflag:s12] =	ssyncadd.s32 $0xFFFFFF83  }
.Ltmp1:
0x50: {  	(pc) =	sbr.rel @p0 .LBB2_4-.Ltmp1, $3  }
0x51: {  	_ =	sdelay $0x1  }
0x52: {  	_ =	swait.ge [sflag:s12], $0x7D  }
0x53: {  	[sflag:s12] =	ssyncset.done $0x0  }
0x54: {  	s17 =	sadd.s32 $0x1, s17  }
0x55: {  	[sflag:s12] =	ssyncadd.s32 $0xFFFFFF83;
	p0 =	sne.s32 s17, s7  }
.Ltmp2:
0x56: {  	[bflag:$0x0] =	sbarrier.arrive $0xFFFF;
	(pc) =	sbr.rel @p0 .LBB2_1-.Ltmp2, $4  }
0x57: {  	[hbm:s6@s15], [sflag:s13] =	dma.strided [spmem:s14@s16], $0x50, s12, $0x10   }
0x58: {  	_ =	swait.ge [sflag:s9], $0x50  }
0x59: {  	[sflag:s9] =	ssyncset.done $0x0  }
0x5a: {  	[sflag:s9] =	ssyncadd.s32 $0xFFFFFFB0  }
0x5b: {  	_ =	sfence.sel $0x180000  }
0x5c: {  	[bflag:$0x0] =	sbarrier.arrive $0xFFFF  }
0x5d: {  	p0 =	sne.s32 s2, $0x0;
	_ =	strace $0x90000047  }
0x5e: {  	s0 =	sadd.s32 @!p0 $0x100000, s0;
	[bflag:$0x2] =	sbarrier.arrive $0xFFFF  }
0x5f: {  	[sflag:s0] =	ssyncadd.tile.s32 @!p0 $0x1;
	_ =	shalt  }
.Lfunc_end2:
_tile_overlayer_lowered:
.L_overlay_start_2:
0x60: {  	(tag) =	ssettag $0x2  }
0x61: {  	s0 =	rddreg [dreg:$0x0];
	s2 =	stileid.u32  }
0x62: {  	s1 =	rddreg [dreg:$0x1];
	p0 =	sne.s32 s2, $0x0  }
0x63: {  	s3 =	rddreg [dreg:$0x2];
	[bflag:$0x3] =	sbarrier.arrive $0xFFFF;
	s2 =	simm.s32 @!p0 $0x1C02  }
0x64: {  	[timem:s3], [sflag:s2] =	dma.local @!p0 [hbm:s0], s1  }
0x65: {  	s0 =	simm.s32 @!p0 $0x2  }
0x66: {  	_ =	swait.ge @!p0 [sflag:s0], s1  }
0x67: {  	s1 =	ssub.s32 @!p0 $0x0, s1;
	[sflag:s0] =	ssyncset.done @!p0 $0x0  }
0x68: {  	[sflag:s0] =	ssyncadd.s32 @!p0 s1  }
0x69: {  	[bflag:$0x3] =	sbarrier.arrive $0xFFFF  }
0x6a: {  	_ =	shalt  }

// kernel: kernel.9.cloned.1.call-start
scs
__scs_entry_jumppad:
0x0: {  	(pc) =	sbr.rel $0x88, $3  }
0x1: {  	(tag) =	ssettag $0x0;
	lr =	simm.s32 $0x1  }
0x2: {  	[smem:$0x3F9A] =	sst lr;
	_ =	strace $0xD0000000  }
0x3: {  	_ = 	snop  }
0x4: {  	_ = 	snop  }
0x5: {  	_ = 	snop  }
0x6: {  	_ = 	snop  }
0x7: {  	_ = 	snop  }
__scs_overlays_trampoline_lowered:
0x8: {  	[smem:$0x3FA9] =	sst s0  }
0x9: {  	[smem:$0x3FAA] =	sst s1  }
0xa: {  	[smem:$0x3FAB] =	sst s2  }
0xb: {  	[smem:$0x3FAC] =	sst s3  }
0xc: {  	[smem:$0x3FAD] =	sst s4  }
0xd: {  	[smem:$0x3FAE] =	sst s5  }
0xe: {  	[smem:$0x3FAF] =	sst s6  }
0xf: {  	[smem:$0x3FB0] =	sst s7  }
0x10: {  	[smem:$0x3FB1] =	sst s8  }
0x11: {  	[smem:$0x3FB2] =	sst s9;
	s0 =	simm.s32 @!p0 $0x0  }
0x12: {  	s1 =	sld [smem:$0x3F98];
	s0 =	simm.s32 @p0 $0x1  }
0x13: {  	[smem:$0x3FB3] =	sst s0;
	s0 =	simm.s32 @!p1 $0x0  }
0x14: {  	s2 =	sld [smem:$0x3F97];
	s0 =	simm.s32 @p1 $0x1  }
0x15: {  	[smem:$0x3FB4] =	sst s0;
	s0 =	simm.s32 @!p2 $0x0  }
0x16: {  	s3 =	sld [smem:$0x3FDB];
	s0 =	simm.s32 @p2 $0x1  }
0x17: {  	s4 =	simm.s32 $0x1BF5;
	[smem:$0x3FB6] =	sst s0  }
0x18: {  	s0 =	sld [smem:$0x3F99];
	_ =	swait.ge [sflag:s4], $0x0  }
0x19: {  	s7 =	sld [smem:$0x3F9A]  }
0x1a: {  	s8 =	sadd.s32 $0xFFFFE003, lr  }
0x1b: {  	s9 =	sadd.s32 $0xFFFFFEF7, lr;
	s5 =	simm.s32 $0xFFFFFFFF;
	p2 =	slt.u32 s8, $0xFFFFF086  }
0x1c: {  	p1 =	slt.u32 s9, $0xF7A;
	s5 =	simm.s32 @!p2 $0x0  }
0x1d: {  	s5 =	simm.s32 @p1 $0x1;
	p0 =	seq.s32 s7, s2  }
0x1e: {  	s7 =	smul.u32 @!p0 $0xF7A, s2;
	p2 =	seq.s32 @!p0 s5, $0x0  }
0x1f: {  	s9 =	smul.u32 $0xF7A, s1;
	s8 =	simm.s32 @!p0 $0x1BF5;
	p2 =	por !p2, p0  }
0x20: {  	[sflag:s8] =	ssyncset.s32 @!p0 $0xFFFFF086;
	s6 =	sadd.s32 @!p0 s3, s7;
	s7 =	simm.s32 @!p0 $0x108  }
0x21: {  	s3 =	sadd.s32 s3, s9;
	s6 =	sadd.s32 @!p0 $0x88, s6;
	s7 =	simm.s32 @p2 $0x1082  }
0x22: {  	[simem:s7], [sflag:s8] =	dma.local @!p0 [hbm:s6], $0xF7A  }
0x23: {  	s9 =	sor.u32 $0xD0000000, s2;
	s6 =	simm.s32 $0x108;
	_ =	swait.ge @!p0 [sflag:s8], $0x0  }
0x24: {  	s3 =	sadd.s32 $0x88, s3;
	s6 =	simm.s32 @!p1 $0x1082;
	[sflag:s4] =	ssyncset.s32 $0xFFFFF086  }
0x25: {  	[simem:s6], [sflag:s4] =	dma.local [hbm:s3], $0xF7A  }
0x26: {  	[smem:$0x3F9A] =	sst s1;
	(tag) =	ssettag s2;
	_ =	strace s9  }
0x27: {  	s1 =	sld [smem:$0x3FAA]  }
0x28: {  	s2 =	sld [smem:$0x3FAB]  }
0x29: {  	s4 =	sld [smem:$0x3FAD]  }
0x2a: {  	p0 =	seq.s32 s5, $0x0;
	s5 =	sld [smem:$0x3FAE]  }
0x2b: {  	s6 =	sld [smem:$0x3FAF]  }
0x2c: {  	s7 =	sld [smem:$0x3FB0]  }
0x2d: {  	s3 =	simm.s32 $0x108;
	s8 =	sld [smem:$0x3FB1]  }
0x2e: {  	s3 =	simm.s32 @!p0 $0x1082;
	s9 =	sld [smem:$0x3FB2]  }
0x2f: {  	lr =	sadd.s32 s0, s3;
	s0 =	sld [smem:$0x3FA9]  }
0x30: {  	s3 =	sld [smem:$0x3FAC]  }
0x31: {  	[smem:$0x3FB5] =	sst s10  }
0x32: {  	s10 =	sld [smem:$0x3FB3];
	_ =	sdelay $0x3  }
0x33: {  	p0 =	seq.s32 s10, $0x1;
	s10 =	sld [smem:$0x3FB5];
	_ =	sdelay $0x3  }
0x34: {  	[smem:$0x3FB5] =	sst s10  }
0x35: {  	s10 =	sld [smem:$0x3FB4];
	_ =	sdelay $0x3  }
0x36: {  	p1 =	seq.s32 s10, $0x1;
	s10 =	sld [smem:$0x3FB5];
	_ =	sdelay $0x3  }
0x37: {  	[smem:$0x3FB5] =	sst s10  }
0x38: {  	s10 =	sld [smem:$0x3FB6]  }
0x39: {  	_ = 	snop;
	(pc) =	sbr.ind lr, $3  }
0x3a: {  	_ = 	snop  }
0x3b: {  	_ = 	snop  }
0x3c: {  	p2 =	seq.s32 s10, $0x1;
	s10 =	sld [smem:$0x3FB5]  }
0x3d: {  	_ =	shalt  }
0x3e: {  	_ =	shalt  }
0x3f: {  	_ =	shalt  }
0x40: {  	_ =	shalt  }
0x41: {  	_ =	shalt  }
0x42: {  	_ =	shalt  }
0x43: {  	_ =	shalt  }
0x44: {  	_ =	shalt  }
0x45: {  	_ =	shalt  }
0x46: {  	_ =	shalt  }
0x47: {  	_ =	shalt  }
0x48: {  	_ =	shalt  }
0x49: {  	_ =	shalt  }
0x4a: {  	_ =	shalt  }
0x4b: {  	_ =	shalt  }
0x4c: {  	_ =	shalt  }
0x4d: {  	_ =	shalt  }
0x4e: {  	_ =	shalt  }
0x4f: {  	_ =	shalt  }
0x50: {  	_ =	shalt  }
0x51: {  	_ =	shalt  }
0x52: {  	_ =	shalt  }
0x53: {  	_ =	shalt  }
0x54: {  	_ =	shalt  }
0x55: {  	_ =	shalt  }
0x56: {  	_ =	shalt  }
0x57: {  	_ =	shalt  }
0x58: {  	_ =	shalt  }
0x59: {  	_ =	shalt  }
0x5a: {  	_ =	shalt  }
0x5b: {  	_ =	shalt  }
0x5c: {  	_ =	shalt  }
0x5d: {  	_ =	shalt  }
0x5e: {  	_ =	shalt  }
0x5f: {  	_ =	shalt  }
0x60: {  	_ =	shalt  }
0x61: {  	_ =	shalt  }
0x62: {  	_ =	shalt  }
0x63: {  	_ =	shalt  }
0x64: {  	_ =	shalt  }
0x65: {  	_ =	shalt  }
0x66: {  	_ =	shalt  }
0x67: {  	_ =	shalt  }
0x68: {  	_ =	shalt  }
0x69: {  	_ =	shalt  }
0x6a: {  	_ =	shalt  }
0x6b: {  	_ =	shalt  }
0x6c: {  	_ =	shalt  }
0x6d: {  	_ =	shalt  }
0x6e: {  	_ =	shalt  }
0x6f: {  	_ =	shalt  }
0x70: {  	_ =	shalt  }
0x71: {  	_ =	shalt  }
0x72: {  	_ =	shalt  }
0x73: {  	_ =	shalt  }
0x74: {  	_ =	shalt  }
0x75: {  	_ =	shalt  }
0x76: {  	_ =	shalt  }
0x77: {  	_ =	shalt  }
0x78: {  	_ =	shalt  }
0x79: {  	_ =	shalt  }
0x7a: {  	_ =	shalt  }
0x7b: {  	_ =	shalt  }
0x7c: {  	_ =	shalt  }
0x7d: {  	_ =	shalt  }
0x7e: {  	_ =	shalt  }
0x7f: {  	_ =	shalt  }
0x80: {  	_ =	shalt  }
0x81: {  	_ =	shalt  }
0x82: {  	_ =	shalt  }
0x83: {  	_ =	shalt  }
0x84: {  	_ =	shalt  }
0x85: {  	_ =	shalt  }
0x86: {  	_ =	shalt  }
0x87: {  	_ =	shalt  }
.Lfunc_end0:
.L_simem_size_0:
called_computation.1_lowered:
.L_overlay_start_0:
0x88: {  	s2 =	sld [smem:$0x3FD9]  }
0x89: {  	s3 =	sld [smem:$0x3FFE];
	_ =	sdelay $0x1  }
0x8a: {  	s1 =	srdreg.scid  }
0x8b: {  	s0 =	sand.u32 $0x1, s1  }
0x8c: {  	s16 =	sshll.u32 s0, $0xA;
	s2 =	sadd.s32 s3, s2  }
0x8d: {  	s2 =	sadd.s32 s2, s16  }
0x8e: {  	[smem:$0x3FC1] =	sst s2  }
0x8f: {  	_ = 	snop  }
0x90: {  	(tm) =	ssettm $0x1  }
0x91: {  	s17 =	sld [smem:$0x3FFB];
	_ =	sdelay $0x3  }
0x92: {  	_ =	strace s17  }
0x93: {  	s2 =	sld [smem:$0x3FFC];
	_ =	sdelay $0x3  }
0x94: {  	_ =	strace s2  }
0x95: {  	s2 =	sld [smem:$0x3FFD];
	_ =	sdelay $0x3  }
0x96: {  	_ =	strace s2  }
0x97: {  	_ =	strace $0x8FFFFFFF  }
0x98: {  	s18 =	sld [smem:$0x3FDB];
	_ =	sdelay $0x1  }
0x99: {  	s19 =	simm.s32 $_scs_section_size  }
0x9a: {  	s4 =	simm.s32 $_size__tile_overlayer_lowered;
	s5 =	simm.s32 $_tile_overlayer_lowered  }
0x9b: {  	s22 =	simm.s32 $0x1BFF;
	s21 =	sshll.u32 s5, $0x1;
	s2 =	sadd.s32 s19, s18  }
0x9c: {  	s6 =	simm.s32 $0x0;
	s20 =	sshll.u32 s4, $0x1;
	s4 =	sadd.s32 s21, s2  }
0x9d: {  	[timem:s6], [sflag:s22] =	dma.local [hbm:s4], s20  }
0x9e: {  	_ =	swait.ge [sflag:s22], s20  }
0x9f: {  	s3 =	ssub.s32 $0x0, s20;
	[sflag:s22] =	ssyncset.done $0x0  }
0xa0: {  	[sflag:s22] =	ssyncadd.s32 s3;
	_ =	sdelay $0x1  }
0xa1: {  	s23 =	simm.s32 $0x1B8B  }
0xa2: {  	_ =	swait.ge [sflag:s23], $0x1  }
0xa3: {  	[sflag:s23] =	ssyncset.done $0x0  }
0xa4: {  	s25 =	simm.s32 $0x1B8E;
	s24 =	sld [smem:$0x3FFE];
	[sflag:s23] =	ssyncadd.s32 $0xFFFFFFFF  }
0xa5: {  	s26 =	simm.s32 $execute0_lowered;
	[smem:$0x3FD2] =	sst s25  }
0xa6: {  	s4 =	sshll.u32 s26, $0x1;
	_ =	strace $0x80000049;
	[dreg:$0x1] =	wrdreg $0xFFFFFFFF  }
0xa7: {  	s28 =	simm.s32 $_size_execute0_lowered;
	s2 =	sadd.s32 s2, s4;
	[dreg:$0x0] =	wrdreg $0x0  }
0xa8: {  	s4 =	sshll.u32 s28, $0x1;
	[dreg:$0x2] =	wrdreg s2  }
0xa9: {  	[dreg:$0x3] =	wrdreg s4  }
0xaa: {  	[dreg:$0x4] =	wrdreg $0xC0  }
0xab: {  	_ =	task [dreg:s6], $0x5FFFF  }
0xac: {  	[dreg:$0x1] =	wrdreg $0xFFFFFFFF  }
0xad: {  	[dreg:$0x0] =	wrdreg $0x60  }
0xae: {  	[dreg:$0x2] =	wrdreg s24  }
0xaf: {  	[dreg:$0x3] =	wrdreg $0xB8000  }
0xb0: {  	[dreg:$0x4] =	wrdreg $0x9  }
0xb1: {  	_ =	task.clear_ibuf [dreg:s6], $0x5FFFF;
	_ =	strace $0x90000049  }
0xb2: {  	s29 =	simm.s32 $0x9;
	_ =	strace $0x8000004B  }
0xb3: {  	_ =	swait.ge [sflag:s29], $0x1  }
0xb4: {  	[sflag:s29] =	ssyncadd.s32 $0xFFFFFFFF  }
0xb5: {  	_ =	strace $0x9000004B  }
0xb6: {  	_ =	sfence  }
0xb7: {  	s30 =	sld [smem:$0x0];
	_ =	sdelay $0x2  }
0xb8: {  	s31 =	sshll.u32 s1, $0xD;
	s1 =	sshrl.u32 s1, $0x2  }
0xb9: {  	s3 =	sand.u32 $0x4000, s31;
	s1 =	sadd.s32 s1, s30  }
0xba: {  	s0 =	sor.u32 s3, s0;
	s1 =	sshll.u32 s1, $0x11  }
0xbb: {  	s0 =	sor.u32 s1, s0  }
0xbc: {  	s0 =	sadd.s32 $0x8F2B, s0  }
0xbd: {  	[sflag:s0] =	ssyncadd.remote.s32 $0x1  }
0xbe: {  	_ =	sfence.sel $0xFFFF  }
0xbf: {  	[dreg:$0x0] =	wrdreg $0xFFFFFFFF;
	(pc) =	sbr.abs _section_cstart, $3  }
0xc0: {  	[dreg:$0x1] =	wrdreg $0xFFFFFFFF  }
0xc1: {  	_ =	task.clear_ibuf [dreg:s6], $0x2FFFF;
	_ =	strace $0x9FFFFFFF  }
0xc2: {  	(tm) =	ssettm $0x7FFFFFFF  }
0xc3: {  	_ =	shalt  }
tec
execute0_lowered:
.L_overlay_start_1:
0x0: {  	(tag) =	ssettag $0x1  }
0x1: {  	s0 =	srdreg.scid  }
0x2: {  	s1 =	rddreg [dreg:$0x0];
	s9 =	stileid.u32  }
0x3: {  	s2 =	rddreg [dreg:$0x1];
	s30 =	simm.s32 $0x0;
	s28 =	simm.s32 $0x3  }
0x4: {  	s29 =	simm.s32 $0x5;
	s31 =	simm.s32 $0x7D;
	s5 =	smul.u32 $0x50000, s9  }
0x5: {  	s0 =	sand.u32 $0x1, s0;
	[smem:$0x7FF] =	sst s30;
	s23 =	smul.u32 $0x14000, s9  }
0x6: {  	s3 =	sshll.u32 s0, $0x4;
	_ =	strace $0x8000004A;
	s7 =	ssub.s32 $0x2, s0  }
0x7: {  	s0 =	smul.u32 $0x140000, s0;
	s4 =	sor.u32 s9, s3;
	s8 =	sshrl.u32 s7, $0x1  }
0x8: {  	s5 =	sshrl.u32 s5, $0x2;
	s3 =	sadd.s32 $0x4000, s23;
	s15 =	sadd.s32 $0x8000, s23  }
0x9: {  	s16 =	sadd.s32 $0xC000, s23;
	s4 =	smul.u32 $0x2800, s4;
	s7 =	ssub.s32 s7, s8  }
0xa: {  	s5 =	sadd.s32 s5, s2;
	s11 =	sadd.s32 s0, s23;
	s12 =	sadd.s32 s0, s3  }
0xb: {  	s8 =	sadd.s32 $0x10000, s23;
	s17 =	sadd.s32 s0, s15;
	s26 =	smax.u32 s7, $0x1  }
0xc: {  	s10 =	sadd.s32 $0x4000, s5;
	s7 =	sshrl.u32 s11, $0x3;
	s9 =	sshrl.u32 s12, $0x3  }
0xd: {  	s13 =	sadd.s32 $0xC000, s5;
	s11 =	sadd.s32 s0, s16;
	[dreg:$0x17] =	wrdreg s5  }
0xe: {  	s0 =	sadd.s32 s0, s8;
	s19 =	sadd.s32 $0x10000, s5;
	[dreg:$0x9] =	wrdreg s26  }
0xf: {  	s23 =	sadd.s32 s8, s2;
	s12 =	simm.s32 $0x3280;
	[dreg:$0xa] =	wrdreg s10  }
0x10: {  	s4 =	sshrl.u32 s4, $0x3;
	s10 =	sadd.s32 $0x8000, s5;
	[dreg:$0xc] =	wrdreg s13  }
0x11: {  	s11 =	sshrl.u32 s11, $0x3;
	s0 =	sshrl.u32 s0, $0x3;
	[dreg:$0x12] =	wrdreg s19  }
0x12: {  	s26 =	sshrl.u32 s23, $0x3;
	s6 =	sadd.s32 s4, s1;
	[dreg:$0xb] =	wrdreg s10  }
0x13: {  	s23 =	simm.s32 $0x2800;
	[dreg:$0x16] =	wrdreg s26;
	s20 =	sadd.s32 $0xC600, s6  }
0x14: {  	s5 =	simm.s32 $0x3000;
	s21 =	sadd.s32 $0x1C00, s6;
	[dreg:$0x3] =	wrdreg s20  }
0x15: {  	s13 =	simm.s32 $0x3300;
	s22 =	sadd.s32 $0x1D00, s6;
	[dreg:$0x4] =	wrdreg s21  }
0x16: {  	s19 =	simm.s32 $0x3600;
	s24 =	sadd.s32 $0x1E00, s6;
	[dreg:$0x5] =	wrdreg s22  }
0x17: {  	s4 =	sadd.s32 $0x16600, s1;
	s25 =	sadd.s32 $0x1F00, s6;
	[dreg:$0x6] =	wrdreg s24  }
0x18: {  	s1 =	sadd.s32 $0x3D800, s1;
	s6 =	sadd.s32 $0x2000, s6;
	[dreg:$0x7] =	wrdreg s25  }
0x19: {  	s10 =	sshrl.u32 s17, $0x3;
	s7 =	sadd.s32 s1, s7;
	[dreg:$0x8] =	wrdreg s6  }
0x1a: {  	s26 =	simm.s32 $0x3800;
	s14 =	sadd.s32 s1, s9;
	[dreg:$0xd] =	wrdreg s7  }
0x1b: {  	s17 =	simm.s32 $0x3500;
	s10 =	sadd.s32 s1, s10;
	[dreg:$0xe] =	wrdreg s14  }
0x1c: {  	s18 =	sadd.s32 s1, s11;
	s0 =	sadd.s32 s1, s0;
	[dreg:$0xf] =	wrdreg s10  }
0x1d: {  	s1 =	simm.s32 $0x7800;
	s11 =	simm.s32 $0x3080;
	[dreg:$0x10] =	wrdreg s18  }
0x1e: {  	[dreg:$0x11] =	wrdreg s0;
	s20 =	sadd.s32 s3, s2;
	s21 =	sadd.s32 s15, s2  }
0x1f: {  	s22 =	sadd.s32 s16, s2;
	s6 =	simm.s32 $0x1;
	s7 =	simm.s32 $0x2  }
0x20: {  	s3 =	simm.s32 $0x3100;
	s14 =	simm.s32 $0x3380;
	s15 =	simm.s32 $0x3400  }
0x21: {  	s16 =	simm.s32 $0x3480;
	s18 =	simm.s32 $0x3580;
	s0 =	sshrl.u32 s20, $0x3  }
0x22: {  	s24 =	sshrl.u32 s21, $0x3;
	s25 =	sshrl.u32 s22, $0x3;
	[dreg:$0x13] =	wrdreg s0  }
0x23: {  	s20 =	simm.s32 $0x3680;
	s21 =	simm.s32 $0x3700;
	[dreg:$0x14] =	wrdreg s24  }
0x24: {  	v0 =	vimm.f32 $0.0e+00;
	s22 =	simm.s32 $0x3780;
	[dreg:$0x15] =	wrdreg s25;
	s25 =	simm.s32 $0x0  }
.LBB2_1:
0x25: {  	s8 =	sand.u32 $0xFE00, s30  }
0x26: {  	s9 =	sand.u32 $0x70, s30;
	s8 =	sshrl.u32 s8, $0x2  }
0x27: {  	s24 =	simm.s32 $0x40;
	s9 =	sor.u32 s9, s8;
	s8 =	simm.s32 $0x0  }
.LBB2_2:
0x28: {  	p0 =	sne.s32 s24, $0xFFC0  }
0x29: {  	[tilespmem:s9+$0x3800] =	vst v0;
	s8 =	sadd.s32 $0x10, s8;
	s9 =	smov.u32 s24;
	s24 =	sadd.s32 $0x40, s24  }
.Ltmp0:
0x2a: {  	(pc) =	sbr.rel @p0 .LBB2_2-.Ltmp0, $4  }
0x2b: {  	_ = 	snop  }
0x2c: {  	s9 =	sand.u32 $0xFE00, s9  }
0x2d: {  	s10 =	sand.u32 $0x70, s8;
	s9 =	sshrl.u32 s9, $0x2  }
0x2e: {  	s9 =	sor.u32 s10, s9  }
0x2f: {  	[tilespmem:s9+$0x3800] =	vst v0;
	s24 =	rddreg [dreg:$0x17]  }
0x30: {  	[spmem:s24] =	stream.linear.scatter [tilespmem:s26], [sflag:$0x3], $0x4000, $0x38;
	[tilespmem:$0x1F800] =	vst v63  }
0x31: {  	s8 =	rddreg [dreg:$0xa]  }
0x32: {  	[spmem:s8] =	stream.linear.scatter [tilespmem:s26], [sflag:$0x3], $0x4000, $0x38;
	[tilespmem:$0x1F800] =	vst v63  }
0x33: {  	s10 =	rddreg [dreg:$0xb]  }
0x34: {  	[spmem:s10] =	stream.linear.scatter [tilespmem:s26], [sflag:$0x3], $0x4000, $0x38;
	[tilespmem:$0x1F800] =	vst v63  }
0x35: {  	s0 =	rddreg [dreg:$0xc]  }
0x36: {  	[spmem:s0] =	stream.linear.scatter [tilespmem:s26], [sflag:$0x3], $0x4000, $0x38;
	[tilespmem:$0x1F800] =	vst v63  }
0x37: {  	s9 =	rddreg [dreg:$0x12]  }
0x38: {  	[spmem:s9] =	stream.linear.scatter [tilespmem:s26], [sflag:$0x3], $0x4000, $0x38;
	[tilespmem:$0x1F800] =	vst v63  }
0x39: {  	_ =	swait.ge [sflag:s28], $0x4000  }
0x3a: {  	[sflag:s28] =	ssyncset.done $0x0  }
0x3b: {  	[sflag:s28] =	ssyncadd.s32 $0xFFFFC000  }
0x3c: {  	_ =	swait.ge [sflag:s28], $0x4000  }
0x3d: {  	[sflag:s28] =	ssyncset.done $0x0  }
0x3e: {  	[sflag:s28] =	ssyncadd.s32 $0xFFFFC000  }
0x3f: {  	_ =	swait.ge [sflag:s28], $0x4000  }
0x40: {  	[sflag:s28] =	ssyncset.done $0x0  }
0x41: {  	[sflag:s28] =	ssyncadd.s32 $0xFFFFC000  }
0x42: {  	_ =	swait.ge [sflag:s28], $0x4000  }
0x43: {  	[sflag:s28] =	ssyncset.done $0x0  }
0x44: {  	[sflag:s28] =	ssyncadd.s32 $0xFFFFC000  }
0x45: {  	_ =	swait.ge [sflag:s28], $0x4000  }
0x46: {  	[sflag:s28] =	ssyncset.done $0x0  }
0x47: {  	[sflag:s28] =	ssyncadd.s32 $0xFFFFC000  }
0x48: {  	[bflag:$0x0] =	sbarrier.arrive $0xFFFF  }
0x49: {  	s10 =	rddreg [dreg:$0x3]  }
0x4a: {  	[tilespmem:s30], [sflag:$0x5] =	stream.linear.gather [hbm4b:s10+s30], $0x2800, $0x38;
	[tilespmem:$0x1F800] =	vst v63  }
0x4b: {  	_ =	swait.ge [sflag:s29], $0x2800  }
0x4c: {  	[sflag:s29] =	ssyncset.done $0x0  }
0x4d: {  	s0 =	rddreg [dreg:$0x4];
	[sflag:s29] =	ssyncadd.s32 $0xFFFFD800  }
0x4e: {  	[tilespmem:s23], [sflag:$0x3] =	stream.linear.gather [hbm4b:s0+s30], $0x800, $0x38;
	[tilespmem:$0x1F800] =	vst v63  }
0x4f: {  	_ = 	snop  }
0x50: {  	[tilespmem:s26], [sflag:$0x1] =	stream.indirect.gather [hbm4b:s4+s31], $0x80, s30, s31, $0xb8;
	[tilespmem:$0x1F800] =	vst v63  }
0x51: {  	s9 =	simm.s32 $0x80  }
0x52: {  	[tilespmem:s1], [sflag:$0x2] =	stream.indirect.gather [hbm4b:s4+s31], $0x80, s9, s31, $0xb8;
	[tilespmem:$0x1F800] =	vst v63  }
0x53: {  	_ =	swait.ge [sflag:s28], $0x800  }
0x54: {  	[sflag:s28] =	ssyncset.done $0x0  }
0x55: {  	s10 =	rddreg [dreg:$0x5];
	[sflag:s28] =	ssyncadd.s32 $0xFFFFF800  }
0x56: {  	[tilespmem:s5], [sflag:$0x4] =	stream.linear.gather [hbm4b:s10+s30], $0x800, $0x38;
	[tilespmem:$0x1F800] =	vst v63  }
0x57: {  	_ =	swait.ge [sflag:s6], $0x3E80  }
0x58: {  	[sflag:s6] =	ssyncset.done $0x0  }
0x59: {  	[sflag:s6] =	ssyncadd.s32 $0xFFFFC180  }
0x5a: {  	[spmem:s2] =	stream.indirect.scatter.add.f32 [tilespmem:s26], [sflag:$0x5], $0x80, s23, s31, $0xb8;
	[tilespmem:$0x1F800] =	vst v63  }
0x5b: {  	_ =	swait.ge [sflag:s29], $0x3E80  }
0x5c: {  	[sflag:s29] =	ssyncset.done $0x0  }
0x5d: {  	s0 =	simm.s32 $0x100;
	[sflag:s29] =	ssyncadd.s32 $0xFFFFC180  }
0x5e: {  	[tilespmem:s26], [sflag:$0x1] =	stream.indirect.gather [hbm4b:s4+s31], $0x80, s0, s31, $0xb8;
	[tilespmem:$0x1F800] =	vst v63  }
0x5f: {  	_ =	swait.ge [sflag:s7], $0x3E80  }
0x60: {  	[sflag:s7] =	ssyncset.done $0x0  }
0x61: {  	s0 =	simm.s32 $0x2880;
	[sflag:s7] =	ssyncadd.s32 $0xFFFFC180  }
0x62: {  	[spmem:s2] =	stream.indirect.scatter.add.f32 [tilespmem:s1], [sflag:$0x5], $0x80, s0, s31, $0xb8;
	[tilespmem:$0x1F800] =	vst v63  }
0x63: {  	_ =	swait.ge [sflag:s29], $0x3E80  }
0x64: {  	[sflag:s29] =	ssyncset.done $0x0  }
0x65: {  	s9 =	simm.s32 $0x180;
	[sflag:s29] =	ssyncadd.s32 $0xFFFFC180  }
0x66: {  	[tilespmem:s1], [sflag:$0x2] =	stream.indirect.gather [hbm4b:s4+s31], $0x80, s9, s31, $0xb8;
	[tilespmem:$0x1F800] =	vst v63  }
0x67: {  	_ =	swait.ge [sflag:s6], $0x3E80  }
0x68: {  	[sflag:s6] =	ssyncset.done $0x0  }
0x69: {  	s10 =	simm.s32 $0x2900;
	[sflag:s6] =	ssyncadd.s32 $0xFFFFC180  }
0x6a: {  	[spmem:s2] =	stream.indirect.scatter.add.f32 [tilespmem:s26], [sflag:$0x5], $0x80, s10, s31, $0xb8;
	[tilespmem:$0x1F800] =	vst v63  }
0x6b: {  	_ =	swait.ge [sflag:s29], $0x3E80  }
0x6c: {  	[sflag:s29] =	ssyncset.done $0x0  }
0x6d: {  	s0 =	simm.s32 $0x200;
	[sflag:s29] =	ssyncadd.s32 $0xFFFFC180  }
0x6e: {  	[tilespmem:s26], [sflag:$0x1] =	stream.indirect.gather [hbm4b:s4+s31], $0x80, s0, s31, $0xb8;
	[tilespmem:$0x1F800] =	vst v63  }
0x6f: {  	_ =	swait.ge [sflag:s7], $0x3E80  }
0x70: {  	[sflag:s7] =	ssyncset.done $0x0  }
0x71: {  	s8 =	simm.s32 $0x2980;
	[sflag:s7] =	ssyncadd.s32 $0xFFFFC180  }
0x72: {  	[spmem:s2] =	stream.indirect.scatter.add.f32 [tilespmem:s1], [sflag:$0x5], $0x80, s8, s31, $0xb8;
	[tilespmem:$0x1F800] =	vst v63  }
0x73: {  	_ =	swait.ge [sflag:s29], $0x3E80  }
0x74: {  	[sflag:s29] =	ssyncset.done $0x0  }
0x75: {  	s9 =	simm.s32 $0x280;
	[sflag:s29] =	ssyncadd.s32 $0xFFFFC180  }
0x76: {  	[tilespmem:s1], [sflag:$0x2] =	stream.indirect.gather [hbm4b:s4+s31], $0x80, s9, s31, $0xb8;
	[tilespmem:$0x1F800] =	vst v63  }
0x77: {  	_ =	swait.ge [sflag:s6], $0x3E80  }
0x78: {  	[sflag:s6] =	ssyncset.done $0x0  }
0x79: {  	s10 =	simm.s32 $0x2A00;
	[sflag:s6] =	ssyncadd.s32 $0xFFFFC180  }
0x7a: {  	[spmem:s2] =	stream.indirect.scatter.add.f32 [tilespmem:s26], [sflag:$0x5], $0x80, s10, s31, $0xb8;
	[tilespmem:$0x1F800] =	vst v63  }
0x7b: {  	_ =	swait.ge [sflag:s29], $0x3E80  }
0x7c: {  	[sflag:s29] =	ssyncset.done $0x0  }
0x7d: {  	s0 =	simm.s32 $0x300;
	[sflag:s29] =	ssyncadd.s32 $0xFFFFC180  }
0x7e: {  	[tilespmem:s26], [sflag:$0x1] =	stream.indirect.gather [hbm4b:s4+s31], $0x80, s0, s31, $0xb8;
	[tilespmem:$0x1F800] =	vst v63  }
0x7f: {  	_ =	swait.ge [sflag:s7], $0x3E80  }
0x80: {  	[sflag:s7] =	ssyncset.done $0x0  }
0x81: {  	s8 =	simm.s32 $0x2A80;
	[sflag:s7] =	ssyncadd.s32 $0xFFFFC180  }
0x82: {  	[spmem:s2] =	stream.indirect.scatter.add.f32 [tilespmem:s1], [sflag:$0x5], $0x80, s8, s31, $0xb8;
	[tilespmem:$0x1F800] =	vst v63  }
0x83: {  	_ =	swait.ge [sflag:s29], $0x3E80  }
0x84: {  	[sflag:s29] =	ssyncset.done $0x0  }
0x85: {  	s9 =	simm.s32 $0x380;
	[sflag:s29] =	ssyncadd.s32 $0xFFFFC180  }
0x86: {  	[tilespmem:s1], [sflag:$0x2] =	stream.indirect.gather [hbm4b:s4+s31], $0x80, s9, s31, $0xb8;
	[tilespmem:$0x1F800] =	vst v63  }
0x87: {  	_ =	swait.ge [sflag:s6], $0x3E80  }
0x88: {  	[sflag:s6] =	ssyncset.done $0x0  }
0x89: {  	s10 =	simm.s32 $0x2B00;
	[sflag:s6] =	ssyncadd.s32 $0xFFFFC180  }
0x8a: {  	[spmem:s2] =	stream.indirect.scatter.add.f32 [tilespmem:s26], [sflag:$0x5], $0x80, s10, s31, $0xb8;
	[tilespmem:$0x1F800] =	vst v63  }
0x8b: {  	_ =	swait.ge [sflag:s29], $0x3E80  }
0x8c: {  	[sflag:s29] =	ssyncset.done $0x0  }
0x8d: {  	s0 =	simm.s32 $0x400;
	[sflag:s29] =	ssyncadd.s32 $0xFFFFC180  }
0x8e: {  	[tilespmem:s26], [sflag:$0x1] =	stream.indirect.gather [hbm4b:s4+s31], $0x80, s0, s31, $0xb8;
	[tilespmem:$0x1F800] =	vst v63  }
0x8f: {  	_ =	swait.ge [sflag:s7], $0x3E80  }
0x90: {  	[sflag:s7] =	ssyncset.done $0x0  }
0x91: {  	s8 =	simm.s32 $0x2B80;
	[sflag:s7] =	ssyncadd.s32 $0xFFFFC180  }
0x92: {  	[spmem:s2] =	stream.indirect.scatter.add.f32 [tilespmem:s1], [sflag:$0x5], $0x80, s8, s31, $0xb8;
	[tilespmem:$0x1F800] =	vst v63  }
0x93: {  	_ =	swait.ge [sflag:s29], $0x3E80  }
0x94: {  	[sflag:s29] =	ssyncset.done $0x0  }
0x95: {  	s9 =	simm.s32 $0x480;
	[sflag:s29] =	ssyncadd.s32 $0xFFFFC180  }
0x96: {  	[tilespmem:s1], [sflag:$0x2] =	stream.indirect.gather [hbm4b:s4+s31], $0x80, s9, s31, $0xb8;
	[tilespmem:$0x1F800] =	vst v63  }
0x97: {  	_ =	swait.ge [sflag:s6], $0x3E80  }
0x98: {  	[sflag:s6] =	ssyncset.done $0x0  }
0x99: {  	s10 =	simm.s32 $0x2C00;
	[sflag:s6] =	ssyncadd.s32 $0xFFFFC180  }
0x9a: {  	[spmem:s2] =	stream.indirect.scatter.add.f32 [tilespmem:s26], [sflag:$0x5], $0x80, s10, s31, $0xb8;
	[tilespmem:$0x1F800] =	vst v63  }
0x9b: {  	_ =	swait.ge [sflag:s29], $0x3E80  }
0x9c: {  	[sflag:s29] =	ssyncset.done $0x0  }
0x9d: {  	s0 =	simm.s32 $0x500;
	[sflag:s29] =	ssyncadd.s32 $0xFFFFC180  }
0x9e: {  	[tilespmem:s26], [sflag:$0x1] =	stream.indirect.gather [hbm4b:s4+s31], $0x80, s0, s31, $0xb8;
	[tilespmem:$0x1F800] =	vst v63  }
0x9f: {  	_ =	swait.ge [sflag:s7], $0x3E80  }
0xa0: {  	[sflag:s7] =	ssyncset.done $0x0  }
0xa1: {  	s8 =	simm.s32 $0x2C80;
	[sflag:s7] =	ssyncadd.s32 $0xFFFFC180  }
0xa2: {  	[spmem:s2] =	stream.indirect.scatter.add.f32 [tilespmem:s1], [sflag:$0x5], $0x80, s8, s31, $0xb8;
	[tilespmem:$0x1F800] =	vst v63  }
0xa3: {  	_ =	swait.ge [sflag:s29], $0x3E80  }
0xa4: {  	[sflag:s29] =	ssyncset.done $0x0  }
0xa5: {  	s9 =	simm.s32 $0x580;
	[sflag:s29] =	ssyncadd.s32 $0xFFFFC180  }
0xa6: {  	[tilespmem:s1], [sflag:$0x2] =	stream.indirect.gather [hbm4b:s4+s31], $0x80, s9, s31, $0xb8;
	[tilespmem:$0x1F800] =	vst v63  }
0xa7: {  	_ =	swait.ge [sflag:s6], $0x3E80  }
0xa8: {  	[sflag:s6] =	ssyncset.done $0x0  }
0xa9: {  	s10 =	simm.s32 $0x2D00;
	[sflag:s6] =	ssyncadd.s32 $0xFFFFC180  }
0xaa: {  	[spmem:s2] =	stream.indirect.scatter.add.f32 [tilespmem:s26], [sflag:$0x5], $0x80, s10, s31, $0xb8;
	[tilespmem:$0x1F800] =	vst v63  }
0xab: {  	_ =	swait.ge [sflag:s29], $0x3E80  }
0xac: {  	[sflag:s29] =	ssyncset.done $0x0  }
0xad: {  	s0 =	simm.s32 $0x600;
	[sflag:s29] =	ssyncadd.s32 $0xFFFFC180  }
0xae: {  	[tilespmem:s26], [sflag:$0x1] =	stream.indirect.gather [hbm4b:s4+s31], $0x80, s0, s31, $0xb8;
	[tilespmem:$0x1F800] =	vst v63  }
0xaf: {  	_ =	swait.ge [sflag:s7], $0x3E80  }
0xb0: {  	[sflag:s7] =	ssyncset.done $0x0  }
0xb1: {  	s8 =	simm.s32 $0x2D80;
	[sflag:s7] =	ssyncadd.s32 $0xFFFFC180  }
0xb2: {  	[spmem:s2] =	stream.indirect.scatter.add.f32 [tilespmem:s1], [sflag:$0x5], $0x80, s8, s31, $0xb8;
	[tilespmem:$0x1F800] =	vst v63  }
0xb3: {  	_ =	swait.ge [sflag:s29], $0x3E80  }
0xb4: {  	[sflag:s29] =	ssyncset.done $0x0  }
0xb5: {  	s9 =	simm.s32 $0x680;
	[sflag:s29] =	ssyncadd.s32 $0xFFFFC180  }
0xb6: {  	[tilespmem:s1], [sflag:$0x2] =	stream.indirect.gather [hbm4b:s4+s31], $0x80, s9, s31, $0xb8;
	[tilespmem:$0x1F800] =	vst v63  }
0xb7: {  	_ =	swait.ge [sflag:s6], $0x3E80  }
0xb8: {  	[sflag:s6] =	ssyncset.done $0x0  }
0xb9: {  	s10 =	simm.s32 $0x2E00;
	[sflag:s6] =	ssyncadd.s32 $0xFFFFC180  }
0xba: {  	[spmem:s2] =	stream.indirect.scatter.add.f32 [tilespmem:s26], [sflag:$0x5], $0x80, s10, s31, $0xb8;
	[tilespmem:$0x1F800] =	vst v63  }
0xbb: {  	_ =	swait.ge [sflag:s29], $0x3E80  }
0xbc: {  	[sflag:s29] =	ssyncset.done $0x0  }
0xbd: {  	s0 =	simm.s32 $0x700;
	[sflag:s29] =	ssyncadd.s32 $0xFFFFC180  }
0xbe: {  	[tilespmem:s26], [sflag:$0x1] =	stream.indirect.gather [hbm4b:s4+s31], $0x80, s0, s31, $0xb8;
	[tilespmem:$0x1F800] =	vst v63  }
0xbf: {  	_ =	swait.ge [sflag:s7], $0x3E80  }
0xc0: {  	[sflag:s7] =	ssyncset.done $0x0  }
0xc1: {  	s8 =	simm.s32 $0x2E80;
	[sflag:s7] =	ssyncadd.s32 $0xFFFFC180  }
0xc2: {  	[spmem:s2] =	stream.indirect.scatter.add.f32 [tilespmem:s1], [sflag:$0x5], $0x80, s8, s31, $0xb8;
	[tilespmem:$0x1F800] =	vst v63  }
0xc3: {  	_ =	swait.ge [sflag:s29], $0x3E80  }
0xc4: {  	[sflag:s29] =	ssyncset.done $0x0  }
0xc5: {  	s9 =	simm.s32 $0x780;
	[sflag:s29] =	ssyncadd.s32 $0xFFFFC180  }
0xc6: {  	[tilespmem:s1], [sflag:$0x2] =	stream.indirect.gather [hbm4b:s4+s31], $0x80, s9, s31, $0xb8;
	[tilespmem:$0x1F800] =	vst v63  }
0xc7: {  	_ =	swait.ge [sflag:s6], $0x3E80  }
0xc8: {  	[sflag:s6] =	ssyncset.done $0x0  }
0xc9: {  	s10 =	simm.s32 $0x2F00;
	[sflag:s6] =	ssyncadd.s32 $0xFFFFC180  }
0xca: {  	[spmem:s2] =	stream.indirect.scatter.add.f32 [tilespmem:s26], [sflag:$0x5], $0x80, s10, s31, $0xb8;
	[tilespmem:$0x1F800] =	vst v63  }
0xcb: {  	_ =	swait.ge [sflag:s29], $0x3E80  }
0xcc: {  	[sflag:s29] =	ssyncset.done $0x0  }
0xcd: {  	s0 =	simm.s32 $0x800;
	[sflag:s29] =	ssyncadd.s32 $0xFFFFC180  }
0xce: {  	[tilespmem:s26], [sflag:$0x1] =	stream.indirect.gather [hbm4b:s4+s31], $0x80, s0, s31, $0xb8;
	[tilespmem:$0x1F800] =	vst v63  }
0xcf: {  	_ =	swait.ge [sflag:s7], $0x3E80  }
0xd0: {  	[sflag:s7] =	ssyncset.done $0x0  }
0xd1: {  	s8 =	simm.s32 $0x2F80;
	[sflag:s7] =	ssyncadd.s32 $0xFFFFC180  }
0xd2: {  	[spmem:s2] =	stream.indirect.scatter.add.f32 [tilespmem:s1], [sflag:$0x5], $0x80, s8, s31, $0xb8;
	[tilespmem:$0x1F800] =	vst v63  }
0xd3: {  	_ =	swait.ge [sflag:s29], $0x3E80  }
0xd4: {  	[sflag:s29] =	ssyncset.done $0x0  }
0xd5: {  	s9 =	simm.s32 $0x880;
	s0 =	simm.s32 $0x4;
	[sflag:s29] =	ssyncadd.s32 $0xFFFFC180  }
0xd6: {  	[tilespmem:s1], [sflag:$0x2] =	stream.indirect.gather [hbm4b:s4+s31], $0x80, s9, s31, $0xb8;
	[tilespmem:$0x1F800] =	vst v63  }
0xd7: {  	_ =	swait.ge [sflag:s0], $0x800  }
0xd8: {  	[sflag:s0] =	ssyncset.done $0x0  }
0xd9: {  	s10 =	rddreg [dreg:$0x6];
	[sflag:s0] =	ssyncadd.s32 $0xFFFFF800  }
0xda: {  	[tilespmem:s23], [sflag:$0x3] =	stream.linear.gather [hbm4b:s10+s30], $0x800, $0x38;
	[tilespmem:$0x1F800] =	vst v63  }
0xdb: {  	_ =	swait.ge [sflag:s6], $0x3E80  }
0xdc: {  	[sflag:s6] =	ssyncset.done $0x0  }
0xdd: {  	[sflag:s6] =	ssyncadd.s32 $0xFFFFC180  }
0xde: {  	[spmem:s2] =	stream.indirect.scatter.add.f32 [tilespmem:s26], [sflag:$0x5], $0x80, s5, s31, $0xb8;
	[tilespmem:$0x1F800] =	vst v63  }
0xdf: {  	_ =	swait.ge [sflag:s29], $0x3E80  }
0xe0: {  	[sflag:s29] =	ssyncset.done $0x0  }
0xe1: {  	s9 =	simm.s32 $0x900;
	[sflag:s29] =	ssyncadd.s32 $0xFFFFC180  }
0xe2: {  	[tilespmem:s26], [sflag:$0x1] =	stream.indirect.gather [hbm4b:s4+s31], $0x80, s9, s31, $0xb8;
	[tilespmem:$0x1F800] =	vst v63  }
0xe3: {  	_ =	swait.ge [sflag:s7], $0x3E80  }
0xe4: {  	[sflag:s7] =	ssyncset.done $0x0  }
0xe5: {  	[sflag:s7] =	ssyncadd.s32 $0xFFFFC180  }
0xe6: {  	[spmem:s2] =	stream.indirect.scatter.add.f32 [tilespmem:s1], [sflag:$0x5], $0x80, s11, s31, $0xb8;
	[tilespmem:$0x1F800] =	vst v63  }
0xe7: {  	_ =	swait.ge [sflag:s29], $0x3E80  }
0xe8: {  	[sflag:s29] =	ssyncset.done $0x0  }
0xe9: {  	s10 =	simm.s32 $0x980;
	[sflag:s29] =	ssyncadd.s32 $0xFFFFC180  }
0xea: {  	[tilespmem:s1], [sflag:$0x2] =	stream.indirect.gather [hbm4b:s4+s31], $0x80, s10, s31, $0xb8;
	[tilespmem:$0x1F800] =	vst v63  }
0xeb: {  	_ =	swait.ge [sflag:s6], $0x3E80  }
0xec: {  	[sflag:s6] =	ssyncset.done $0x0  }
0xed: {  	[sflag:s6] =	ssyncadd.s32 $0xFFFFC180  }
0xee: {  	[spmem:s2] =	stream.indirect.scatter.add.f32 [tilespmem:s26], [sflag:$0x5], $0x80, s3, s31, $0xb8;
	[tilespmem:$0x1F800] =	vst v63  }
0xef: {  	_ =	swait.ge [sflag:s29], $0x3E80  }
0xf0: {  	[sflag:s29] =	ssyncset.done $0x0  }
0xf1: {  	s9 =	simm.s32 $0xA00;
	[sflag:s29] =	ssyncadd.s32 $0xFFFFC180  }
0xf2: {  	[tilespmem:s26], [sflag:$0x1] =	stream.indirect.gather [hbm4b:s4+s31], $0x80, s9, s31, $0xb8;
	[tilespmem:$0x1F800] =	vst v63  }
0xf3: {  	_ =	swait.ge [sflag:s7], $0x3E80  }
0xf4: {  	[sflag:s7] =	ssyncset.done $0x0  }
0xf5: {  	s9 =	simm.s32 $0x3180;
	[sflag:s7] =	ssyncadd.s32 $0xFFFFC180  }
0xf6: {  	[spmem:s2] =	stream.indirect.scatter.add.f32 [tilespmem:s1], [sflag:$0x5], $0x80, s9, s31, $0xb8;
	[tilespmem:$0x1F800] =	vst v63  }
0xf7: {  	_ =	swait.ge [sflag:s29], $0x3E80  }
0xf8: {  	[sflag:s29] =	ssyncset.done $0x0  }
0xf9: {  	s10 =	simm.s32 $0xA80;
	[sflag:s29] =	ssyncadd.s32 $0xFFFFC180  }
0xfa: {  	[tilespmem:s1], [sflag:$0x2] =	stream.indirect.gather [hbm4b:s4+s31], $0x80, s10, s31, $0xb8;
	[tilespmem:$0x1F800] =	vst v63  }
0xfb: {  	_ =	swait.ge [sflag:s6], $0x3E80  }
0xfc: {  	[sflag:s6] =	ssyncset.done $0x0  }
0xfd: {  	s10 =	simm.s32 $0x3200;
	[sflag:s6] =	ssyncadd.s32 $0xFFFFC180  }
0xfe: {  	[spmem:s2] =	stream.indirect.scatter.add.f32 [tilespmem:s26], [sflag:$0x5], $0x80, s10, s31, $0xb8;
	[tilespmem:$0x1F800] =	vst v63  }
0xff: {  	_ =	swait.ge [sflag:s29], $0x3E80  }
0x100: {  	[sflag:s29] =	ssyncset.done $0x0  }
0x101: {  	s8 =	simm.s32 $0xB00;
	[sflag:s29] =	ssyncadd.s32 $0xFFFFC180  }
0x102: {  	[tilespmem:s26], [sflag:$0x1] =	stream.indirect.gather [hbm4b:s4+s31], $0x80, s8, s31, $0xb8;
	[tilespmem:$0x1F800] =	vst v63  }
0x103: {  	_ =	swait.ge [sflag:s7], $0x3E80  }
0x104: {  	[sflag:s7] =	ssyncset.done $0x0  }
0x105: {  	[sflag:s7] =	ssyncadd.s32 $0xFFFFC180  }
0x106: {  	[spmem:s2] =	stream.indirect.scatter.add.f32 [tilespmem:s1], [sflag:$0x5], $0x80, s12, s31, $0xb8;
	[tilespmem:$0x1F800] =	vst v63  }
0x107: {  	_ =	swait.ge [sflag:s29], $0x3E80  }
0x108: {  	[sflag:s29] =	ssyncset.done $0x0  }
0x109: {  	s8 =	simm.s32 $0xB80;
	[sflag:s29] =	ssyncadd.s32 $0xFFFFC180  }
0x10a: {  	[tilespmem:s1], [sflag:$0x2] =	stream.indirect.gather [hbm4b:s4+s31], $0x80, s8, s31, $0xb8;
	[tilespmem:$0x1F800] =	vst v63  }
0x10b: {  	_ =	swait.ge [sflag:s6], $0x3E80  }
0x10c: {  	[sflag:s6] =	ssyncset.done $0x0  }
0x10d: {  	[sflag:s6] =	ssyncadd.s32 $0xFFFFC180  }
0x10e: {  	[spmem:s2] =	stream.indirect.scatter.add.f32 [tilespmem:s26], [sflag:$0x5], $0x80, s13, s31, $0xb8;
	[tilespmem:$0x1F800] =	vst v63  }
0x10f: {  	_ =	swait.ge [sflag:s29], $0x3E80  }
0x110: {  	[sflag:s29] =	ssyncset.done $0x0  }
0x111: {  	s8 =	simm.s32 $0xC00;
	[sflag:s29] =	ssyncadd.s32 $0xFFFFC180  }
0x112: {  	[tilespmem:s26], [sflag:$0x1] =	stream.indirect.gather [hbm4b:s4+s31], $0x80, s8, s31, $0xb8;
	[tilespmem:$0x1F800] =	vst v63  }
0x113: {  	_ =	swait.ge [sflag:s7], $0x3E80  }
0x114: {  	[sflag:s7] =	ssyncset.done $0x0  }
0x115: {  	[sflag:s7] =	ssyncadd.s32 $0xFFFFC180  }
0x116: {  	[spmem:s2] =	stream.indirect.scatter.add.f32 [tilespmem:s1], [sflag:$0x5], $0x80, s14, s31, $0xb8;
	[tilespmem:$0x1F800] =	vst v63  }
0x117: {  	_ =	swait.ge [sflag:s29], $0x3E80  }
0x118: {  	[sflag:s29] =	ssyncset.done $0x0  }
0x119: {  	s8 =	simm.s32 $0xC80;
	[sflag:s29] =	ssyncadd.s32 $0xFFFFC180  }
0x11a: {  	[tilespmem:s1], [sflag:$0x2] =	stream.indirect.gather [hbm4b:s4+s31], $0x80, s8, s31, $0xb8;
	[tilespmem:$0x1F800] =	vst v63  }
0x11b: {  	_ =	swait.ge [sflag:s6], $0x3E80  }
0x11c: {  	[sflag:s6] =	ssyncset.done $0x0  }
0x11d: {  	[sflag:s6] =	ssyncadd.s32 $0xFFFFC180  }
0x11e: {  	[spmem:s2] =	stream.indirect.scatter.add.f32 [tilespmem:s26], [sflag:$0x5], $0x80, s15, s31, $0xb8;
	[tilespmem:$0x1F800] =	vst v63  }
0x11f: {  	_ =	swait.ge [sflag:s29], $0x3E80  }
0x120: {  	[sflag:s29] =	ssyncset.done $0x0  }
0x121: {  	s8 =	simm.s32 $0xD00;
	[sflag:s29] =	ssyncadd.s32 $0xFFFFC180  }
0x122: {  	[tilespmem:s26], [sflag:$0x1] =	stream.indirect.gather [hbm4b:s4+s31], $0x80, s8, s31, $0xb8;
	[tilespmem:$0x1F800] =	vst v63  }
0x123: {  	_ =	swait.ge [sflag:s7], $0x3E80  }
0x124: {  	[sflag:s7] =	ssyncset.done $0x0  }
0x125: {  	[sflag:s7] =	ssyncadd.s32 $0xFFFFC180  }
0x126: {  	[spmem:s2] =	stream.indirect.scatter.add.f32 [tilespmem:s1], [sflag:$0x5], $0x80, s16, s31, $0xb8;
	[tilespmem:$0x1F800] =	vst v63  }
0x127: {  	_ =	swait.ge [sflag:s29], $0x3E80  }
0x128: {  	[sflag:s29] =	ssyncset.done $0x0  }
0x129: {  	s8 =	simm.s32 $0xD80;
	[sflag:s29] =	ssyncadd.s32 $0xFFFFC180  }
0x12a: {  	[tilespmem:s1], [sflag:$0x2] =	stream.indirect.gather [hbm4b:s4+s31], $0x80, s8, s31, $0xb8;
	[tilespmem:$0x1F800] =	vst v63  }
0x12b: {  	_ =	swait.ge [sflag:s6], $0x3E80  }
0x12c: {  	[sflag:s6] =	ssyncset.done $0x0  }
0x12d: {  	[sflag:s6] =	ssyncadd.s32 $0xFFFFC180  }
0x12e: {  	[spmem:s2] =	stream.indirect.scatter.add.f32 [tilespmem:s26], [sflag:$0x5], $0x80, s17, s31, $0xb8;
	[tilespmem:$0x1F800] =	vst v63  }
0x12f: {  	_ =	swait.ge [sflag:s29], $0x3E80  }
0x130: {  	[sflag:s29] =	ssyncset.done $0x0  }
0x131: {  	s8 =	simm.s32 $0xE00;
	[sflag:s29] =	ssyncadd.s32 $0xFFFFC180  }
0x132: {  	[tilespmem:s26], [sflag:$0x1] =	stream.indirect.gather [hbm4b:s4+s31], $0x80, s8, s31, $0xb8;
	[tilespmem:$0x1F800] =	vst v63  }
0x133: {  	_ =	swait.ge [sflag:s7], $0x3E80  }
0x134: {  	[sflag:s7] =	ssyncset.done $0x0  }
0x135: {  	[sflag:s7] =	ssyncadd.s32 $0xFFFFC180  }
0x136: {  	[spmem:s2] =	stream.indirect.scatter.add.f32 [tilespmem:s1], [sflag:$0x5], $0x80, s18, s31, $0xb8;
	[tilespmem:$0x1F800] =	vst v63  }
0x137: {  	_ =	swait.ge [sflag:s29], $0x3E80  }
0x138: {  	[sflag:s29] =	ssyncset.done $0x0  }
0x139: {  	s8 =	simm.s32 $0xE80;
	[sflag:s29] =	ssyncadd.s32 $0xFFFFC180  }
0x13a: {  	[tilespmem:s1], [sflag:$0x2] =	stream.indirect.gather [hbm4b:s4+s31], $0x80, s8, s31, $0xb8;
	[tilespmem:$0x1F800] =	vst v63  }
0x13b: {  	_ =	swait.ge [sflag:s6], $0x3E80  }
0x13c: {  	[sflag:s6] =	ssyncset.done $0x0  }
0x13d: {  	[sflag:s6] =	ssyncadd.s32 $0xFFFFC180  }
0x13e: {  	[spmem:s2] =	stream.indirect.scatter.add.f32 [tilespmem:s26], [sflag:$0x5], $0x80, s19, s31, $0xb8;
	[tilespmem:$0x1F800] =	vst v63  }
0x13f: {  	_ =	swait.ge [sflag:s29], $0x3E80  }
0x140: {  	[sflag:s29] =	ssyncset.done $0x0  }
0x141: {  	s8 =	simm.s32 $0xF00;
	[sflag:s29] =	ssyncadd.s32 $0xFFFFC180  }
0x142: {  	[tilespmem:s26], [sflag:$0x1] =	stream.indirect.gather [hbm4b:s4+s31], $0x80, s8, s31, $0xb8;
	[tilespmem:$0x1F800] =	vst v63  }
0x143: {  	_ =	swait.ge [sflag:s7], $0x3E80  }
0x144: {  	[sflag:s7] =	ssyncset.done $0x0  }
0x145: {  	[sflag:s7] =	ssyncadd.s32 $0xFFFFC180  }
0x146: {  	[spmem:s2] =	stream.indirect.scatter.add.f32 [tilespmem:s1], [sflag:$0x5], $0x80, s20, s31, $0xb8;
	[tilespmem:$0x1F800] =	vst v63  }
0x147: {  	_ =	swait.ge [sflag:s29], $0x3E80  }
0x148: {  	[sflag:s29] =	ssyncset.done $0x0  }
0x149: {  	s8 =	simm.s32 $0xF80;
	[sflag:s29] =	ssyncadd.s32 $0xFFFFC180  }
0x14a: {  	[tilespmem:s1], [sflag:$0x2] =	stream.indirect.gather [hbm4b:s4+s31], $0x80, s8, s31, $0xb8;
	[tilespmem:$0x1F800] =	vst v63  }
0x14b: {  	_ =	swait.ge [sflag:s6], $0x3E80  }
0x14c: {  	[sflag:s6] =	ssyncset.done $0x0  }
0x14d: {  	[sflag:s6] =	ssyncadd.s32 $0xFFFFC180  }
0x14e: {  	[spmem:s2] =	stream.indirect.scatter.add.f32 [tilespmem:s26], [sflag:$0x5], $0x80, s21, s31, $0xb8;
	[tilespmem:$0x1F800] =	vst v63  }
0x14f: {  	_ =	swait.ge [sflag:s29], $0x3E80  }
0x150: {  	[sflag:s29] =	ssyncset.done $0x0  }
0x151: {  	s8 =	simm.s32 $0x1000;
	[sflag:s29] =	ssyncadd.s32 $0xFFFFC180  }
0x152: {  	[tilespmem:s26], [sflag:$0x1] =	stream.indirect.gather [hbm4b:s4+s31], $0x80, s8, s31, $0xb8;
	[tilespmem:$0x1F800] =	vst v63  }
0x153: {  	_ =	swait.ge [sflag:s7], $0x3E80  }
0x154: {  	[sflag:s7] =	ssyncset.done $0x0  }
0x155: {  	[sflag:s7] =	ssyncadd.s32 $0xFFFFC180  }
0x156: {  	[spmem:s2] =	stream.indirect.scatter.add.f32 [tilespmem:s1], [sflag:$0x5], $0x80, s22, s31, $0xb8;
	[tilespmem:$0x1F800] =	vst v63  }
0x157: {  	_ =	swait.ge [sflag:s29], $0x3E80  }
0x158: {  	[sflag:s29] =	ssyncset.done $0x0  }
0x159: {  	s8 =	simm.s32 $0x1080;
	[sflag:s29] =	ssyncadd.s32 $0xFFFFC180  }
0x15a: {  	[tilespmem:s1], [sflag:$0x2] =	stream.indirect.gather [hbm4b:s4+s31], $0x80, s8, s31, $0xb8;
	[tilespmem:$0x1F800] =	vst v63  }
0x15b: {  	_ =	swait.ge [sflag:s28], $0x800  }
0x15c: {  	[sflag:s28] =	ssyncset.done $0x0  }
0x15d: {  	s8 =	rddreg [dreg:$0x7];
	[sflag:s28] =	ssyncadd.s32 $0xFFFFF800  }
0x15e: {  	[tilespmem:s5], [sflag:$0x4] =	stream.linear.gather [hbm4b:s8+s30], $0x800, $0x38;
	[tilespmem:$0x1F800] =	vst v63  }
0x15f: {  	_ =	swait.ge [sflag:s6], $0x3E80  }
0x160: {  	[sflag:s6] =	ssyncset.done $0x0  }
0x161: {  	[sflag:s6] =	ssyncadd.s32 $0xFFFFC180  }
0x162: {  	[spmem:s2] =	stream.indirect.scatter.add.f32 [tilespmem:s26], [sflag:$0x5], $0x80, s23, s31, $0xb8;
	[tilespmem:$0x1F800] =	vst v63  }
0x163: {  	_ =	swait.ge [sflag:s29], $0x3E80  }
0x164: {  	[sflag:s29] =	ssyncset.done $0x0  }
0x165: {  	s8 =	simm.s32 $0x1100;
	[sflag:s29] =	ssyncadd.s32 $0xFFFFC180  }
0x166: {  	[tilespmem:s26], [sflag:$0x1] =	stream.indirect.gather [hbm4b:s4+s31], $0x80, s8, s31, $0xb8;
	[tilespmem:$0x1F800] =	vst v63  }
0x167: {  	_ =	swait.ge [sflag:s7], $0x3E80  }
0x168: {  	[sflag:s7] =	ssyncset.done $0x0  }
0x169: {  	s8 =	simm.s32 $0x2880;
	[sflag:s7] =	ssyncadd.s32 $0xFFFFC180  }
0x16a: {  	[spmem:s2] =	stream.indirect.scatter.add.f32 [tilespmem:s1], [sflag:$0x5], $0x80, s8, s31, $0xb8;
	[tilespmem:$0x1F800] =	vst v63  }
0x16b: {  	_ =	swait.ge [sflag:s29], $0x3E80  }
0x16c: {  	[sflag:s29] =	ssyncset.done $0x0  }
0x16d: {  	s8 =	simm.s32 $0x1180;
	[sflag:s29] =	ssyncadd.s32 $0xFFFFC180  }
0x16e: {  	[tilespmem:s1], [sflag:$0x2] =	stream.indirect.gather [hbm4b:s4+s31], $0x80, s8, s31, $0xb8;
	[tilespmem:$0x1F800] =	vst v63  }
0x16f: {  	_ =	swait.ge [sflag:s6], $0x3E80  }
0x170: {  	[sflag:s6] =	ssyncset.done $0x0  }
0x171: {  	s8 =	simm.s32 $0x2900;
	[sflag:s6] =	ssyncadd.s32 $0xFFFFC180  }
0x172: {  	[spmem:s2] =	stream.indirect.scatter.add.f32 [tilespmem:s26], [sflag:$0x5], $0x80, s8, s31, $0xb8;
	[tilespmem:$0x1F800] =	vst v63  }
0x173: {  	_ =	swait.ge [sflag:s29], $0x3E80  }
0x174: {  	[sflag:s29] =	ssyncset.done $0x0  }
0x175: {  	s8 =	simm.s32 $0x1200;
	[sflag:s29] =	ssyncadd.s32 $0xFFFFC180  }
0x176: {  	[tilespmem:s26], [sflag:$0x1] =	stream.indirect.gather [hbm4b:s4+s31], $0x80, s8, s31, $0xb8;
	[tilespmem:$0x1F800] =	vst v63  }
0x177: {  	_ =	swait.ge [sflag:s7], $0x3E80  }
0x178: {  	[sflag:s7] =	ssyncset.done $0x0  }
0x179: {  	s8 =	simm.s32 $0x2980;
	[sflag:s7] =	ssyncadd.s32 $0xFFFFC180  }
0x17a: {  	[spmem:s2] =	stream.indirect.scatter.add.f32 [tilespmem:s1], [sflag:$0x5], $0x80, s8, s31, $0xb8;
	[tilespmem:$0x1F800] =	vst v63  }
0x17b: {  	_ =	swait.ge [sflag:s29], $0x3E80  }
0x17c: {  	[sflag:s29] =	ssyncset.done $0x0  }
0x17d: {  	s8 =	simm.s32 $0x1280;
	[sflag:s29] =	ssyncadd.s32 $0xFFFFC180  }
0x17e: {  	[tilespmem:s1], [sflag:$0x2] =	stream.indirect.gather [hbm4b:s4+s31], $0x80, s8, s31, $0xb8;
	[tilespmem:$0x1F800] =	vst v63  }
0x17f: {  	_ =	swait.ge [sflag:s6], $0x3E80  }
0x180: {  	[sflag:s6] =	ssyncset.done $0x0  }
0x181: {  	s8 =	simm.s32 $0x2A00;
	[sflag:s6] =	ssyncadd.s32 $0xFFFFC180  }
0x182: {  	[spmem:s2] =	stream.indirect.scatter.add.f32 [tilespmem:s26], [sflag:$0x5], $0x80, s8, s31, $0xb8;
	[tilespmem:$0x1F800] =	vst v63  }
0x183: {  	_ =	swait.ge [sflag:s29], $0x3E80  }
0x184: {  	[sflag:s29] =	ssyncset.done $0x0  }
0x185: {  	s8 =	simm.s32 $0x1300;
	[sflag:s29] =	ssyncadd.s32 $0xFFFFC180  }
0x186: {  	[tilespmem:s26], [sflag:$0x1] =	stream.indirect.gather [hbm4b:s4+s31], $0x80, s8, s31, $0xb8;
	[tilespmem:$0x1F800] =	vst v63  }
0x187: {  	_ =	swait.ge [sflag:s7], $0x3E80  }
0x188: {  	[sflag:s7] =	ssyncset.done $0x0  }
0x189: {  	s8 =	simm.s32 $0x2A80;
	[sflag:s7] =	ssyncadd.s32 $0xFFFFC180  }
0x18a: {  	[spmem:s2] =	stream.indirect.scatter.add.f32 [tilespmem:s1], [sflag:$0x5], $0x80, s8, s31, $0xb8;
	[tilespmem:$0x1F800] =	vst v63  }
0x18b: {  	_ =	swait.ge [sflag:s29], $0x3E80  }
0x18c: {  	[sflag:s29] =	ssyncset.done $0x0  }
0x18d: {  	s8 =	simm.s32 $0x1380;
	[sflag:s29] =	ssyncadd.s32 $0xFFFFC180  }
0x18e: {  	[tilespmem:s1], [sflag:$0x2] =	stream.indirect.gather [hbm4b:s4+s31], $0x80, s8, s31, $0xb8;
	[tilespmem:$0x1F800] =	vst v63  }
0x18f: {  	_ =	swait.ge [sflag:s6], $0x3E80  }
0x190: {  	[sflag:s6] =	ssyncset.done $0x0  }
0x191: {  	s8 =	simm.s32 $0x2B00;
	[sflag:s6] =	ssyncadd.s32 $0xFFFFC180  }
0x192: {  	[spmem:s2] =	stream.indirect.scatter.add.f32 [tilespmem:s26], [sflag:$0x5], $0x80, s8, s31, $0xb8;
	[tilespmem:$0x1F800] =	vst v63  }
0x193: {  	_ =	swait.ge [sflag:s29], $0x3E80  }
0x194: {  	[sflag:s29] =	ssyncset.done $0x0  }
0x195: {  	s8 =	simm.s32 $0x1400;
	[sflag:s29] =	ssyncadd.s32 $0xFFFFC180  }
0x196: {  	[tilespmem:s26], [sflag:$0x1] =	stream.indirect.gather [hbm4b:s4+s31], $0x80, s8, s31, $0xb8;
	[tilespmem:$0x1F800] =	vst v63  }
0x197: {  	_ =	swait.ge [sflag:s7], $0x3E80  }
0x198: {  	[sflag:s7] =	ssyncset.done $0x0  }
0x199: {  	s8 =	simm.s32 $0x2B80;
	[sflag:s7] =	ssyncadd.s32 $0xFFFFC180  }
0x19a: {  	[spmem:s2] =	stream.indirect.scatter.add.f32 [tilespmem:s1], [sflag:$0x5], $0x80, s8, s31, $0xb8;
	[tilespmem:$0x1F800] =	vst v63  }
0x19b: {  	_ =	swait.ge [sflag:s29], $0x3E80  }
0x19c: {  	[sflag:s29] =	ssyncset.done $0x0  }
0x19d: {  	s8 =	simm.s32 $0x1480;
	[sflag:s29] =	ssyncadd.s32 $0xFFFFC180  }
0x19e: {  	[tilespmem:s1], [sflag:$0x2] =	stream.indirect.gather [hbm4b:s4+s31], $0x80, s8, s31, $0xb8;
	[tilespmem:$0x1F800] =	vst v63  }
0x19f: {  	_ =	swait.ge [sflag:s6], $0x3E80  }
0x1a0: {  	[sflag:s6] =	ssyncset.done $0x0  }
0x1a1: {  	s8 =	simm.s32 $0x2C00;
	[sflag:s6] =	ssyncadd.s32 $0xFFFFC180  }
0x1a2: {  	[spmem:s2] =	stream.indirect.scatter.add.f32 [tilespmem:s26], [sflag:$0x5], $0x80, s8, s31, $0xb8;
	[tilespmem:$0x1F800] =	vst v63  }
0x1a3: {  	_ =	swait.ge [sflag:s29], $0x3E80  }
0x1a4: {  	[sflag:s29] =	ssyncset.done $0x0  }
0x1a5: {  	s8 =	simm.s32 $0x1500;
	[sflag:s29] =	ssyncadd.s32 $0xFFFFC180  }
0x1a6: {  	[tilespmem:s26], [sflag:$0x1] =	stream.indirect.gather [hbm4b:s4+s31], $0x80, s8, s31, $0xb8;
	[tilespmem:$0x1F800] =	vst v63  }
0x1a7: {  	_ =	swait.ge [sflag:s7], $0x3E80  }
0x1a8: {  	[sflag:s7] =	ssyncset.done $0x0  }
0x1a9: {  	s8 =	simm.s32 $0x2C80;
	[sflag:s7] =	ssyncadd.s32 $0xFFFFC180  }
0x1aa: {  	[spmem:s2] =	stream.indirect.scatter.add.f32 [tilespmem:s1], [sflag:$0x5], $0x80, s8, s31, $0xb8;
	[tilespmem:$0x1F800] =	vst v63  }
0x1ab: {  	_ =	swait.ge [sflag:s29], $0x3E80  }
0x1ac: {  	[sflag:s29] =	ssyncset.done $0x0  }
0x1ad: {  	s8 =	simm.s32 $0x1580;
	[sflag:s29] =	ssyncadd.s32 $0xFFFFC180  }
0x1ae: {  	[tilespmem:s1], [sflag:$0x2] =	stream.indirect.gather [hbm4b:s4+s31], $0x80, s8, s31, $0xb8;
	[tilespmem:$0x1F800] =	vst v63  }
0x1af: {  	_ =	swait.ge [sflag:s6], $0x3E80  }
0x1b0: {  	[sflag:s6] =	ssyncset.done $0x0  }
0x1b1: {  	s8 =	simm.s32 $0x2D00;
	[sflag:s6] =	ssyncadd.s32 $0xFFFFC180  }
0x1b2: {  	[spmem:s2] =	stream.indirect.scatter.add.f32 [tilespmem:s26], [sflag:$0x5], $0x80, s8, s31, $0xb8;
	[tilespmem:$0x1F800] =	vst v63  }
0x1b3: {  	_ =	swait.ge [sflag:s29], $0x3E80  }
0x1b4: {  	[sflag:s29] =	ssyncset.done $0x0  }
0x1b5: {  	s8 =	simm.s32 $0x1600;
	[sflag:s29] =	ssyncadd.s32 $0xFFFFC180  }
0x1b6: {  	[tilespmem:s26], [sflag:$0x1] =	stream.indirect.gather [hbm4b:s4+s31], $0x80, s8, s31, $0xb8;
	[tilespmem:$0x1F800] =	vst v63  }
0x1b7: {  	_ =	swait.ge [sflag:s7], $0x3E80  }
0x1b8: {  	[sflag:s7] =	ssyncset.done $0x0  }
0x1b9: {  	s8 =	simm.s32 $0x2D80;
	[sflag:s7] =	ssyncadd.s32 $0xFFFFC180  }
0x1ba: {  	[spmem:s2] =	stream.indirect.scatter.add.f32 [tilespmem:s1], [sflag:$0x5], $0x80, s8, s31, $0xb8;
	[tilespmem:$0x1F800] =	vst v63  }
0x1bb: {  	_ =	swait.ge [sflag:s29], $0x3E80  }
0x1bc: {  	[sflag:s29] =	ssyncset.done $0x0  }
0x1bd: {  	s8 =	simm.s32 $0x1680;
	[sflag:s29] =	ssyncadd.s32 $0xFFFFC180  }
0x1be: {  	[tilespmem:s1], [sflag:$0x2] =	stream.indirect.gather [hbm4b:s4+s31], $0x80, s8, s31, $0xb8;
	[tilespmem:$0x1F800] =	vst v63  }
0x1bf: {  	_ =	swait.ge [sflag:s6], $0x3E80  }
0x1c0: {  	[sflag:s6] =	ssyncset.done $0x0  }
0x1c1: {  	s8 =	simm.s32 $0x2E00;
	[sflag:s6] =	ssyncadd.s32 $0xFFFFC180  }
0x1c2: {  	[spmem:s2] =	stream.indirect.scatter.add.f32 [tilespmem:s26], [sflag:$0x5], $0x80, s8, s31, $0xb8;
	[tilespmem:$0x1F800] =	vst v63  }
0x1c3: {  	_ =	swait.ge [sflag:s29], $0x3E80  }
0x1c4: {  	[sflag:s29] =	ssyncset.done $0x0  }
0x1c5: {  	s8 =	simm.s32 $0x1700;
	[sflag:s29] =	ssyncadd.s32 $0xFFFFC180  }
0x1c6: {  	[tilespmem:s26], [sflag:$0x1] =	stream.indirect.gather [hbm4b:s4+s31], $0x80, s8, s31, $0xb8;
	[tilespmem:$0x1F800] =	vst v63  }
0x1c7: {  	_ =	swait.ge [sflag:s7], $0x3E80  }
0x1c8: {  	[sflag:s7] =	ssyncset.done $0x0  }
0x1c9: {  	s8 =	simm.s32 $0x2E80;
	[sflag:s7] =	ssyncadd.s32 $0xFFFFC180  }
0x1ca: {  	[spmem:s2] =	stream.indirect.scatter.add.f32 [tilespmem:s1], [sflag:$0x5], $0x80, s8, s31, $0xb8;
	[tilespmem:$0x1F800] =	vst v63  }
0x1cb: {  	_ =	swait.ge [sflag:s29], $0x3E80  }
0x1cc: {  	[sflag:s29] =	ssyncset.done $0x0  }
0x1cd: {  	s8 =	simm.s32 $0x1780;
	[sflag:s29] =	ssyncadd.s32 $0xFFFFC180  }
0x1ce: {  	[tilespmem:s1], [sflag:$0x2] =	stream.indirect.gather [hbm4b:s4+s31], $0x80, s8, s31, $0xb8;
	[tilespmem:$0x1F800] =	vst v63  }
0x1cf: {  	_ =	swait.ge [sflag:s6], $0x3E80  }
0x1d0: {  	[sflag:s6] =	ssyncset.done $0x0  }
0x1d1: {  	s8 =	simm.s32 $0x2F00;
	[sflag:s6] =	ssyncadd.s32 $0xFFFFC180  }
0x1d2: {  	[spmem:s2] =	stream.indirect.scatter.add.f32 [tilespmem:s26], [sflag:$0x5], $0x80, s8, s31, $0xb8;
	[tilespmem:$0x1F800] =	vst v63  }
0x1d3: {  	_ =	swait.ge [sflag:s29], $0x3E80  }
0x1d4: {  	[sflag:s29] =	ssyncset.done $0x0  }
0x1d5: {  	s8 =	simm.s32 $0x1800;
	[sflag:s29] =	ssyncadd.s32 $0xFFFFC180  }
0x1d6: {  	[tilespmem:s26], [sflag:$0x1] =	stream.indirect.gather [hbm4b:s4+s31], $0x80, s8, s31, $0xb8;
	[tilespmem:$0x1F800] =	vst v63  }
0x1d7: {  	_ =	swait.ge [sflag:s7], $0x3E80  }
0x1d8: {  	[sflag:s7] =	ssyncset.done $0x0  }
0x1d9: {  	s8 =	simm.s32 $0x2F80;
	[sflag:s7] =	ssyncadd.s32 $0xFFFFC180  }
0x1da: {  	[spmem:s2] =	stream.indirect.scatter.add.f32 [tilespmem:s1], [sflag:$0x5], $0x80, s8, s31, $0xb8;
	[tilespmem:$0x1F800] =	vst v63  }
0x1db: {  	_ =	swait.ge [sflag:s29], $0x3E80  }
0x1dc: {  	[sflag:s29] =	ssyncset.done $0x0  }
0x1dd: {  	s8 =	simm.s32 $0x1880;
	[sflag:s29] =	ssyncadd.s32 $0xFFFFC180  }
0x1de: {  	[tilespmem:s1], [sflag:$0x2] =	stream.indirect.gather [hbm4b:s4+s31], $0x80, s8, s31, $0xb8;
	[tilespmem:$0x1F800] =	vst v63  }
0x1df: {  	_ =	swait.ge [sflag:s0], $0x800  }
0x1e0: {  	[sflag:s0] =	ssyncset.done $0x0  }
0x1e1: {  	[sflag:s0] =	ssyncadd.s32 $0xFFFFF800;
	s0 =	rddreg [dreg:$0x8]  }
0x1e2: {  	[tilespmem:s23], [sflag:$0x3] =	stream.linear.gather [hbm4b:s0+s30], $0x800, $0x38;
	[tilespmem:$0x1F800] =	vst v63  }
0x1e3: {  	_ =	swait.ge [sflag:s6], $0x3E80  }
0x1e4: {  	[sflag:s6] =	ssyncset.done $0x0  }
0x1e5: {  	[sflag:s6] =	ssyncadd.s32 $0xFFFFC180  }
0x1e6: {  	[spmem:s2] =	stream.indirect.scatter.add.f32 [tilespmem:s26], [sflag:$0x5], $0x80, s5, s31, $0xb8;
	[tilespmem:$0x1F800] =	vst v63  }
0x1e7: {  	_ =	swait.ge [sflag:s29], $0x3E80  }
0x1e8: {  	[sflag:s29] =	ssyncset.done $0x0  }
0x1e9: {  	s8 =	simm.s32 $0x1900;
	[sflag:s29] =	ssyncadd.s32 $0xFFFFC180  }
0x1ea: {  	[tilespmem:s26], [sflag:$0x1] =	stream.indirect.gather [hbm4b:s4+s31], $0x80, s8, s31, $0xb8;
	[tilespmem:$0x1F800] =	vst v63  }
0x1eb: {  	_ =	swait.ge [sflag:s7], $0x3E80  }
0x1ec: {  	[sflag:s7] =	ssyncset.done $0x0  }
0x1ed: {  	[sflag:s7] =	ssyncadd.s32 $0xFFFFC180  }
0x1ee: {  	[spmem:s2] =	stream.indirect.scatter.add.f32 [tilespmem:s1], [sflag:$0x5], $0x80, s11, s31, $0xb8;
	[tilespmem:$0x1F800] =	vst v63  }
0x1ef: {  	_ =	swait.ge [sflag:s29], $0x3E80  }
0x1f0: {  	[sflag:s29] =	ssyncset.done $0x0  }
0x1f1: {  	s8 =	simm.s32 $0x1980;
	[sflag:s29] =	ssyncadd.s32 $0xFFFFC180  }
0x1f2: {  	[tilespmem:s1], [sflag:$0x2] =	stream.indirect.gather [hbm4b:s4+s31], $0x80, s8, s31, $0xb8;
	[tilespmem:$0x1F800] =	vst v63  }
0x1f3: {  	_ =	swait.ge [sflag:s6], $0x3E80  }
0x1f4: {  	[sflag:s6] =	ssyncset.done $0x0  }
0x1f5: {  	[sflag:s6] =	ssyncadd.s32 $0xFFFFC180  }
0x1f6: {  	[spmem:s2] =	stream.indirect.scatter.add.f32 [tilespmem:s26], [sflag:$0x5], $0x80, s3, s31, $0xb8;
	[tilespmem:$0x1F800] =	vst v63  }
0x1f7: {  	_ =	swait.ge [sflag:s29], $0x3E80  }
0x1f8: {  	[sflag:s29] =	ssyncset.done $0x0  }
0x1f9: {  	s8 =	simm.s32 $0x1A00;
	[sflag:s29] =	ssyncadd.s32 $0xFFFFC180  }
0x1fa: {  	[tilespmem:s26], [sflag:$0x1] =	stream.indirect.gather [hbm4b:s4+s31], $0x80, s8, s31, $0xb8;
	[tilespmem:$0x1F800] =	vst v63  }
0x1fb: {  	_ =	swait.ge [sflag:s7], $0x3E80  }
0x1fc: {  	[sflag:s7] =	ssyncset.done $0x0  }
0x1fd: {  	[sflag:s7] =	ssyncadd.s32 $0xFFFFC180  }
0x1fe: {  	[spmem:s2] =	stream.indirect.scatter.add.f32 [tilespmem:s1], [sflag:$0x5], $0x80, s9, s31, $0xb8;
	[tilespmem:$0x1F800] =	vst v63  }
0x1ff: {  	_ =	swait.ge [sflag:s29], $0x3E80  }
0x200: {  	[sflag:s29] =	ssyncset.done $0x0  }
0x201: {  	s9 =	simm.s32 $0x1A80;
	[sflag:s29] =	ssyncadd.s32 $0xFFFFC180  }
0x202: {  	[tilespmem:s1], [sflag:$0x2] =	stream.indirect.gather [hbm4b:s4+s31], $0x80, s9, s31, $0xb8;
	[tilespmem:$0x1F800] =	vst v63  }
0x203: {  	_ =	swait.ge [sflag:s6], $0x3E80  }
0x204: {  	[sflag:s6] =	ssyncset.done $0x0  }
0x205: {  	[sflag:s6] =	ssyncadd.s32 $0xFFFFC180  }
0x206: {  	[spmem:s2] =	stream.indirect.scatter.add.f32 [tilespmem:s26], [sflag:$0x5], $0x80, s10, s31, $0xb8;
	[tilespmem:$0x1F800] =	vst v63  }
0x207: {  	_ =	swait.ge [sflag:s29], $0x3E80  }
0x208: {  	[sflag:s29] =	ssyncset.done $0x0  }
0x209: {  	s8 =	simm.s32 $0x1B00;
	[sflag:s29] =	ssyncadd.s32 $0xFFFFC180  }
0x20a: {  	[tilespmem:s26], [sflag:$0x1] =	stream.indirect.gather [hbm4b:s4+s31], $0x80, s8, s31, $0xb8;
	[tilespmem:$0x1F800] =	vst v63  }
0x20b: {  	_ =	swait.ge [sflag:s7], $0x3E80  }
0x20c: {  	[sflag:s7] =	ssyncset.done $0x0  }
0x20d: {  	[sflag:s7] =	ssyncadd.s32 $0xFFFFC180  }
0x20e: {  	[spmem:s2] =	stream.indirect.scatter.add.f32 [tilespmem:s1], [sflag:$0x5], $0x80, s12, s31, $0xb8;
	[tilespmem:$0x1F800] =	vst v63  }
0x20f: {  	_ =	swait.ge [sflag:s29], $0x3E80  }
0x210: {  	[sflag:s29] =	ssyncset.done $0x0  }
0x211: {  	s9 =	simm.s32 $0x1B80;
	[sflag:s29] =	ssyncadd.s32 $0xFFFFC180  }
0x212: {  	[tilespmem:s1], [sflag:$0x2] =	stream.indirect.gather [hbm4b:s4+s31], $0x80, s9, s31, $0xb8;
	[tilespmem:$0x1F800] =	vst v63  }
0x213: {  	_ =	swait.ge [sflag:s6], $0x3E80  }
0x214: {  	[sflag:s6] =	ssyncset.done $0x0  }
0x215: {  	[sflag:s6] =	ssyncadd.s32 $0xFFFFC180  }
0x216: {  	[spmem:s2] =	stream.indirect.scatter.add.f32 [tilespmem:s26], [sflag:$0x5], $0x80, s13, s31, $0xb8;
	[tilespmem:$0x1F800] =	vst v63  }
0x217: {  	_ =	swait.ge [sflag:s29], $0x3E80  }
0x218: {  	[sflag:s29] =	ssyncset.done $0x0  }
0x219: {  	s10 =	simm.s32 $0x1C00;
	[sflag:s29] =	ssyncadd.s32 $0xFFFFC180  }
0x21a: {  	[tilespmem:s26], [sflag:$0x1] =	stream.indirect.gather [hbm4b:s4+s31], $0x80, s10, s31, $0xb8;
	[tilespmem:$0x1F800] =	vst v63  }
0x21b: {  	_ =	swait.ge [sflag:s7], $0x3E80  }
0x21c: {  	[sflag:s7] =	ssyncset.done $0x0  }
0x21d: {  	[sflag:s7] =	ssyncadd.s32 $0xFFFFC180  }
0x21e: {  	[spmem:s2] =	stream.indirect.scatter.add.f32 [tilespmem:s1], [sflag:$0x5], $0x80, s14, s31, $0xb8;
	[tilespmem:$0x1F800] =	vst v63  }
0x21f: {  	_ =	swait.ge [sflag:s29], $0x3E80  }
0x220: {  	[sflag:s29] =	ssyncset.done $0x0  }
0x221: {  	s8 =	simm.s32 $0x1C80;
	[sflag:s29] =	ssyncadd.s32 $0xFFFFC180  }
0x222: {  	[tilespmem:s1], [sflag:$0x2] =	stream.indirect.gather [hbm4b:s4+s31], $0x80, s8, s31, $0xb8;
	[tilespmem:$0x1F800] =	vst v63  }
0x223: {  	_ =	swait.ge [sflag:s6], $0x3E80  }
0x224: {  	[sflag:s6] =	ssyncset.done $0x0  }
0x225: {  	[sflag:s6] =	ssyncadd.s32 $0xFFFFC180  }
0x226: {  	[spmem:s2] =	stream.indirect.scatter.add.f32 [tilespmem:s26], [sflag:$0x5], $0x80, s15, s31, $0xb8;
	[tilespmem:$0x1F800] =	vst v63  }
0x227: {  	_ =	swait.ge [sflag:s29], $0x3E80  }
0x228: {  	[sflag:s29] =	ssyncset.done $0x0  }
0x229: {  	s9 =	simm.s32 $0x1D00;
	[sflag:s29] =	ssyncadd.s32 $0xFFFFC180  }
0x22a: {  	[tilespmem:s26], [sflag:$0x1] =	stream.indirect.gather [hbm4b:s4+s31], $0x80, s9, s31, $0xb8;
	[tilespmem:$0x1F800] =	vst v63  }
0x22b: {  	_ =	swait.ge [sflag:s7], $0x3E80  }
0x22c: {  	[sflag:s7] =	ssyncset.done $0x0  }
0x22d: {  	[sflag:s7] =	ssyncadd.s32 $0xFFFFC180  }
0x22e: {  	[spmem:s2] =	stream.indirect.scatter.add.f32 [tilespmem:s1], [sflag:$0x5], $0x80, s16, s31, $0xb8;
	[tilespmem:$0x1F800] =	vst v63  }
0x22f: {  	_ =	swait.ge [sflag:s29], $0x3E80  }
0x230: {  	[sflag:s29] =	ssyncset.done $0x0  }
0x231: {  	s10 =	simm.s32 $0x1D80;
	[sflag:s29] =	ssyncadd.s32 $0xFFFFC180  }
0x232: {  	[tilespmem:s1], [sflag:$0x2] =	stream.indirect.gather [hbm4b:s4+s31], $0x80, s10, s31, $0xb8;
	[tilespmem:$0x1F800] =	vst v63  }
0x233: {  	_ =	swait.ge [sflag:s6], $0x3E80  }
0x234: {  	[sflag:s6] =	ssyncset.done $0x0  }
0x235: {  	[sflag:s6] =	ssyncadd.s32 $0xFFFFC180  }
0x236: {  	[spmem:s2] =	stream.indirect.scatter.add.f32 [tilespmem:s26], [sflag:$0x5], $0x80, s17, s31, $0xb8;
	[tilespmem:$0x1F800] =	vst v63  }
0x237: {  	_ =	swait.ge [sflag:s29], $0x3E80  }
0x238: {  	[sflag:s29] =	ssyncset.done $0x0  }
0x239: {  	s8 =	simm.s32 $0x1E00;
	[sflag:s29] =	ssyncadd.s32 $0xFFFFC180  }
0x23a: {  	[tilespmem:s26], [sflag:$0x1] =	stream.indirect.gather [hbm4b:s4+s31], $0x80, s8, s31, $0xb8;
	[tilespmem:$0x1F800] =	vst v63  }
0x23b: {  	_ =	swait.ge [sflag:s7], $0x3E80  }
0x23c: {  	[sflag:s7] =	ssyncset.done $0x0  }
0x23d: {  	[sflag:s7] =	ssyncadd.s32 $0xFFFFC180  }
0x23e: {  	[spmem:s2] =	stream.indirect.scatter.add.f32 [tilespmem:s1], [sflag:$0x5], $0x80, s18, s31, $0xb8;
	[tilespmem:$0x1F800] =	vst v63  }
0x23f: {  	_ =	swait.ge [sflag:s29], $0x3E80  }
0x240: {  	[sflag:s29] =	ssyncset.done $0x0  }
0x241: {  	s9 =	simm.s32 $0x1E80;
	[sflag:s29] =	ssyncadd.s32 $0xFFFFC180  }
0x242: {  	[tilespmem:s1], [sflag:$0x2] =	stream.indirect.gather [hbm4b:s4+s31], $0x80, s9, s31, $0xb8;
	[tilespmem:$0x1F800] =	vst v63  }
0x243: {  	_ =	swait.ge [sflag:s6], $0x3E80  }
0x244: {  	[sflag:s6] =	ssyncset.done $0x0  }
0x245: {  	[sflag:s6] =	ssyncadd.s32 $0xFFFFC180  }
0x246: {  	[spmem:s2] =	stream.indirect.scatter.add.f32 [tilespmem:s26], [sflag:$0x5], $0x80, s19, s31, $0xb8;
	[tilespmem:$0x1F800] =	vst v63  }
0x247: {  	_ =	swait.ge [sflag:s29], $0x3E80  }
0x248: {  	[sflag:s29] =	ssyncset.done $0x0  }
0x249: {  	s10 =	simm.s32 $0x1F00;
	[sflag:s29] =	ssyncadd.s32 $0xFFFFC180  }
0x24a: {  	[tilespmem:s26], [sflag:$0x1] =	stream.indirect.gather [hbm4b:s4+s31], $0x80, s10, s31, $0xb8;
	[tilespmem:$0x1F800] =	vst v63  }
0x24b: {  	_ =	swait.ge [sflag:s7], $0x3E80  }
0x24c: {  	[sflag:s7] =	ssyncset.done $0x0  }
0x24d: {  	[sflag:s7] =	ssyncadd.s32 $0xFFFFC180  }
0x24e: {  	[spmem:s2] =	stream.indirect.scatter.add.f32 [tilespmem:s1], [sflag:$0x5], $0x80, s20, s31, $0xb8;
	[tilespmem:$0x1F800] =	vst v63  }
0x24f: {  	_ =	swait.ge [sflag:s29], $0x3E80  }
0x250: {  	[sflag:s29] =	ssyncset.done $0x0  }
0x251: {  	s8 =	simm.s32 $0x1F80;
	[sflag:s29] =	ssyncadd.s32 $0xFFFFC180  }
0x252: {  	[tilespmem:s1], [sflag:$0x2] =	stream.indirect.gather [hbm4b:s4+s31], $0x80, s8, s31, $0xb8;
	[tilespmem:$0x1F800] =	vst v63  }
0x253: {  	_ =	swait.ge [sflag:s6], $0x3E80  }
0x254: {  	[sflag:s6] =	ssyncset.done $0x0  }
0x255: {  	[sflag:s6] =	ssyncadd.s32 $0xFFFFC180  }
0x256: {  	[spmem:s2] =	stream.indirect.scatter.add.f32 [tilespmem:s26], [sflag:$0x5], $0x80, s21, s31, $0xb8;
	[tilespmem:$0x1F800] =	vst v63  }
0x257: {  	_ =	swait.ge [sflag:s29], $0x3E80  }
0x258: {  	[sflag:s29] =	ssyncset.done $0x0  }
0x259: {  	s9 =	simm.s32 $0x2000;
	[sflag:s29] =	ssyncadd.s32 $0xFFFFC180  }
0x25a: {  	[tilespmem:s26], [sflag:$0x1] =	stream.indirect.gather [hbm4b:s4+s31], $0x80, s9, s31, $0xb8;
	[tilespmem:$0x1F800] =	vst v63  }
0x25b: {  	_ =	swait.ge [sflag:s7], $0x3E80  }
0x25c: {  	[sflag:s7] =	ssyncset.done $0x0  }
0x25d: {  	[sflag:s7] =	ssyncadd.s32 $0xFFFFC180  }
0x25e: {  	[spmem:s2] =	stream.indirect.scatter.add.f32 [tilespmem:s1], [sflag:$0x5], $0x80, s22, s31, $0xb8;
	[tilespmem:$0x1F800] =	vst v63  }
0x25f: {  	_ =	swait.ge [sflag:s29], $0x3E80  }
0x260: {  	[sflag:s29] =	ssyncset.done $0x0  }
0x261: {  	s10 =	simm.s32 $0x2080;
	[sflag:s29] =	ssyncadd.s32 $0xFFFFC180  }
0x262: {  	[tilespmem:s1], [sflag:$0x2] =	stream.indirect.gather [hbm4b:s4+s31], $0x80, s10, s31, $0xb8;
	[tilespmem:$0x1F800] =	vst v63  }
0x263: {  	_ =	swait.ge [sflag:s28], $0x800  }
0x264: {  	[sflag:s28] =	ssyncset.done $0x0  }
0x265: {  	[sflag:s28] =	ssyncadd.s32 $0xFFFFF800  }
0x266: {  	_ =	swait.ge [sflag:s6], $0x3E80  }
0x267: {  	[sflag:s6] =	ssyncset.done $0x0  }
0x268: {  	[sflag:s6] =	ssyncadd.s32 $0xFFFFC180  }
0x269: {  	[spmem:s2] =	stream.indirect.scatter.add.f32 [tilespmem:s26], [sflag:$0x5], $0x80, s23, s31, $0xb8;
	[tilespmem:$0x1F800] =	vst v63  }
0x26a: {  	_ =	swait.ge [sflag:s29], $0x3E80  }
0x26b: {  	[sflag:s29] =	ssyncset.done $0x0  }
0x26c: {  	s8 =	simm.s32 $0x2100;
	[sflag:s29] =	ssyncadd.s32 $0xFFFFC180  }
0x26d: {  	[tilespmem:s26], [sflag:$0x1] =	stream.indirect.gather [hbm4b:s4+s31], $0x80, s8, s31, $0xb8;
	[tilespmem:$0x1F800] =	vst v63  }
0x26e: {  	_ =	swait.ge [sflag:s7], $0x3E80  }
0x26f: {  	[sflag:s7] =	ssyncset.done $0x0  }
0x270: {  	s9 =	simm.s32 $0x2880;
	[sflag:s7] =	ssyncadd.s32 $0xFFFFC180  }
0x271: {  	[spmem:s2] =	stream.indirect.scatter.add.f32 [tilespmem:s1], [sflag:$0x5], $0x80, s9, s31, $0xb8;
	[tilespmem:$0x1F800] =	vst v63  }
0x272: {  	_ =	swait.ge [sflag:s29], $0x3E80  }
0x273: {  	[sflag:s29] =	ssyncset.done $0x0  }
0x274: {  	s10 =	simm.s32 $0x2180;
	[sflag:s29] =	ssyncadd.s32 $0xFFFFC180  }
0x275: {  	[tilespmem:s1], [sflag:$0x2] =	stream.indirect.gather [hbm4b:s4+s31], $0x80, s10, s31, $0xb8;
	[tilespmem:$0x1F800] =	vst v63  }
0x276: {  	_ =	swait.ge [sflag:s6], $0x3E80  }
0x277: {  	[sflag:s6] =	ssyncset.done $0x0  }
0x278: {  	s8 =	simm.s32 $0x2900;
	[sflag:s6] =	ssyncadd.s32 $0xFFFFC180  }
0x279: {  	[spmem:s2] =	stream.indirect.scatter.add.f32 [tilespmem:s26], [sflag:$0x5], $0x80, s8, s31, $0xb8;
	[tilespmem:$0x1F800] =	vst v63  }
0x27a: {  	_ =	swait.ge [sflag:s29], $0x3E80  }
0x27b: {  	[sflag:s29] =	ssyncset.done $0x0  }
0x27c: {  	s9 =	simm.s32 $0x2200;
	[sflag:s29] =	ssyncadd.s32 $0xFFFFC180  }
0x27d: {  	[tilespmem:s26], [sflag:$0x1] =	stream.indirect.gather [hbm4b:s4+s31], $0x80, s9, s31, $0xb8;
	[tilespmem:$0x1F800] =	vst v63  }
0x27e: {  	_ =	swait.ge [sflag:s7], $0x3E80  }
0x27f: {  	[sflag:s7] =	ssyncset.done $0x0  }
0x280: {  	s10 =	simm.s32 $0x2980;
	[sflag:s7] =	ssyncadd.s32 $0xFFFFC180  }
0x281: {  	[spmem:s2] =	stream.indirect.scatter.add.f32 [tilespmem:s1], [sflag:$0x5], $0x80, s10, s31, $0xb8;
	[tilespmem:$0x1F800] =	vst v63  }
0x282: {  	_ =	swait.ge [sflag:s29], $0x3E80  }
0x283: {  	[sflag:s29] =	ssyncset.done $0x0  }
0x284: {  	s8 =	simm.s32 $0x2280;
	[sflag:s29] =	ssyncadd.s32 $0xFFFFC180  }
0x285: {  	[tilespmem:s1], [sflag:$0x2] =	stream.indirect.gather [hbm4b:s4+s31], $0x80, s8, s31, $0xb8;
	[tilespmem:$0x1F800] =	vst v63  }
0x286: {  	_ =	swait.ge [sflag:s6], $0x3E80  }
0x287: {  	[sflag:s6] =	ssyncset.done $0x0  }
0x288: {  	s9 =	simm.s32 $0x2A00;
	[sflag:s6] =	ssyncadd.s32 $0xFFFFC180  }
0x289: {  	[spmem:s2] =	stream.indirect.scatter.add.f32 [tilespmem:s26], [sflag:$0x5], $0x80, s9, s31, $0xb8;
	[tilespmem:$0x1F800] =	vst v63  }
0x28a: {  	_ =	swait.ge [sflag:s29], $0x3E80  }
0x28b: {  	[sflag:s29] =	ssyncset.done $0x0  }
0x28c: {  	s10 =	simm.s32 $0x2300;
	[sflag:s29] =	ssyncadd.s32 $0xFFFFC180  }
0x28d: {  	[tilespmem:s26], [sflag:$0x1] =	stream.indirect.gather [hbm4b:s4+s31], $0x80, s10, s31, $0xb8;
	[tilespmem:$0x1F800] =	vst v63  }
0x28e: {  	_ =	swait.ge [sflag:s7], $0x3E80  }
0x28f: {  	[sflag:s7] =	ssyncset.done $0x0  }
0x290: {  	s8 =	simm.s32 $0x2A80;
	[sflag:s7] =	ssyncadd.s32 $0xFFFFC180  }
0x291: {  	[spmem:s2] =	stream.indirect.scatter.add.f32 [tilespmem:s1], [sflag:$0x5], $0x80, s8, s31, $0xb8;
	[tilespmem:$0x1F800] =	vst v63  }
0x292: {  	_ =	swait.ge [sflag:s29], $0x3E80  }
0x293: {  	[sflag:s29] =	ssyncset.done $0x0  }
0x294: {  	s9 =	simm.s32 $0x2380;
	[sflag:s29] =	ssyncadd.s32 $0xFFFFC180  }
0x295: {  	[tilespmem:s1], [sflag:$0x2] =	stream.indirect.gather [hbm4b:s4+s31], $0x80, s9, s31, $0xb8;
	[tilespmem:$0x1F800] =	vst v63  }
0x296: {  	_ =	swait.ge [sflag:s6], $0x3E80  }
0x297: {  	[sflag:s6] =	ssyncset.done $0x0  }
0x298: {  	s10 =	simm.s32 $0x2B00;
	[sflag:s6] =	ssyncadd.s32 $0xFFFFC180  }
0x299: {  	[spmem:s2] =	stream.indirect.scatter.add.f32 [tilespmem:s26], [sflag:$0x5], $0x80, s10, s31, $0xb8;
	[tilespmem:$0x1F800] =	vst v63  }
0x29a: {  	_ =	swait.ge [sflag:s29], $0x3E80  }
0x29b: {  	[sflag:s29] =	ssyncset.done $0x0  }
0x29c: {  	s8 =	simm.s32 $0x2400;
	[sflag:s29] =	ssyncadd.s32 $0xFFFFC180  }
0x29d: {  	[tilespmem:s26], [sflag:$0x1] =	stream.indirect.gather [hbm4b:s4+s31], $0x80, s8, s31, $0xb8;
	[tilespmem:$0x1F800] =	vst v63  }
0x29e: {  	_ =	swait.ge [sflag:s7], $0x3E80  }
0x29f: {  	[sflag:s7] =	ssyncset.done $0x0  }
0x2a0: {  	s9 =	simm.s32 $0x2B80;
	[sflag:s7] =	ssyncadd.s32 $0xFFFFC180  }
0x2a1: {  	[spmem:s2] =	stream.indirect.scatter.add.f32 [tilespmem:s1], [sflag:$0x5], $0x80, s9, s31, $0xb8;
	[tilespmem:$0x1F800] =	vst v63  }
0x2a2: {  	_ =	swait.ge [sflag:s29], $0x3E80  }
0x2a3: {  	[sflag:s29] =	ssyncset.done $0x0  }
0x2a4: {  	s10 =	simm.s32 $0x2480;
	[sflag:s29] =	ssyncadd.s32 $0xFFFFC180  }
0x2a5: {  	[tilespmem:s1], [sflag:$0x2] =	stream.indirect.gather [hbm4b:s4+s31], $0x80, s10, s31, $0xb8;
	[tilespmem:$0x1F800] =	vst v63  }
0x2a6: {  	_ =	swait.ge [sflag:s6], $0x3E80  }
0x2a7: {  	[sflag:s6] =	ssyncset.done $0x0  }
0x2a8: {  	s8 =	simm.s32 $0x2C00;
	[sflag:s6] =	ssyncadd.s32 $0xFFFFC180  }
0x2a9: {  	[spmem:s2] =	stream.indirect.scatter.add.f32 [tilespmem:s26], [sflag:$0x5], $0x80, s8, s31, $0xb8;
	[tilespmem:$0x1F800] =	vst v63  }
0x2aa: {  	_ =	swait.ge [sflag:s29], $0x3E80  }
0x2ab: {  	[sflag:s29] =	ssyncset.done $0x0  }
0x2ac: {  	s9 =	simm.s32 $0x2500;
	[sflag:s29] =	ssyncadd.s32 $0xFFFFC180  }
0x2ad: {  	[tilespmem:s26], [sflag:$0x1] =	stream.indirect.gather [hbm4b:s4+s31], $0x80, s9, s31, $0xb8;
	[tilespmem:$0x1F800] =	vst v63  }
0x2ae: {  	_ =	swait.ge [sflag:s7], $0x3E80  }
0x2af: {  	[sflag:s7] =	ssyncset.done $0x0  }
0x2b0: {  	s10 =	simm.s32 $0x2C80;
	[sflag:s7] =	ssyncadd.s32 $0xFFFFC180  }
0x2b1: {  	[spmem:s2] =	stream.indirect.scatter.add.f32 [tilespmem:s1], [sflag:$0x5], $0x80, s10, s31, $0xb8;
	[tilespmem:$0x1F800] =	vst v63  }
0x2b2: {  	_ =	swait.ge [sflag:s29], $0x3E80  }
0x2b3: {  	[sflag:s29] =	ssyncset.done $0x0  }
0x2b4: {  	s8 =	simm.s32 $0x2580;
	[sflag:s29] =	ssyncadd.s32 $0xFFFFC180  }
0x2b5: {  	[tilespmem:s1], [sflag:$0x2] =	stream.indirect.gather [hbm4b:s4+s31], $0x80, s8, s31, $0xb8;
	[tilespmem:$0x1F800] =	vst v63  }
0x2b6: {  	_ =	swait.ge [sflag:s6], $0x3E80  }
0x2b7: {  	[sflag:s6] =	ssyncset.done $0x0  }
0x2b8: {  	s9 =	simm.s32 $0x2D00;
	[sflag:s6] =	ssyncadd.s32 $0xFFFFC180  }
0x2b9: {  	[spmem:s2] =	stream.indirect.scatter.add.f32 [tilespmem:s26], [sflag:$0x5], $0x80, s9, s31, $0xb8;
	[tilespmem:$0x1F800] =	vst v63  }
0x2ba: {  	_ =	swait.ge [sflag:s29], $0x3E80  }
0x2bb: {  	[sflag:s29] =	ssyncset.done $0x0  }
0x2bc: {  	s10 =	simm.s32 $0x2600;
	[sflag:s29] =	ssyncadd.s32 $0xFFFFC180  }
0x2bd: {  	[tilespmem:s26], [sflag:$0x1] =	stream.indirect.gather [hbm4b:s4+s31], $0x80, s10, s31, $0xb8;
	[tilespmem:$0x1F800] =	vst v63  }
0x2be: {  	_ =	swait.ge [sflag:s7], $0x3E80  }
0x2bf: {  	[sflag:s7] =	ssyncset.done $0x0  }
0x2c0: {  	s8 =	simm.s32 $0x2D80;
	[sflag:s7] =	ssyncadd.s32 $0xFFFFC180  }
0x2c1: {  	[spmem:s2] =	stream.indirect.scatter.add.f32 [tilespmem:s1], [sflag:$0x5], $0x80, s8, s31, $0xb8;
	[tilespmem:$0x1F800] =	vst v63  }
0x2c2: {  	_ =	swait.ge [sflag:s29], $0x3E80  }
0x2c3: {  	[sflag:s29] =	ssyncset.done $0x0  }
0x2c4: {  	s9 =	simm.s32 $0x2680;
	[sflag:s29] =	ssyncadd.s32 $0xFFFFC180  }
0x2c5: {  	[tilespmem:s1], [sflag:$0x2] =	stream.indirect.gather [hbm4b:s4+s31], $0x80, s9, s31, $0xb8;
	[tilespmem:$0x1F800] =	vst v63  }
0x2c6: {  	_ =	swait.ge [sflag:s6], $0x3E80  }
0x2c7: {  	[sflag:s6] =	ssyncset.done $0x0  }
0x2c8: {  	s10 =	simm.s32 $0x2E00;
	[sflag:s6] =	ssyncadd.s32 $0xFFFFC180  }
0x2c9: {  	[spmem:s2] =	stream.indirect.scatter.add.f32 [tilespmem:s26], [sflag:$0x5], $0x80, s10, s31, $0xb8;
	[tilespmem:$0x1F800] =	vst v63  }
0x2ca: {  	_ =	swait.ge [sflag:s29], $0x3E80  }
0x2cb: {  	[sflag:s29] =	ssyncset.done $0x0  }
0x2cc: {  	s8 =	simm.s32 $0x2700;
	[sflag:s29] =	ssyncadd.s32 $0xFFFFC180  }
0x2cd: {  	[tilespmem:s26], [sflag:$0x1] =	stream.indirect.gather [hbm4b:s4+s31], $0x80, s8, s31, $0xb8;
	[tilespmem:$0x1F800] =	vst v63  }
0x2ce: {  	_ =	swait.ge [sflag:s7], $0x3E80  }
0x2cf: {  	[sflag:s7] =	ssyncset.done $0x0  }
0x2d0: {  	s9 =	simm.s32 $0x2E80;
	[sflag:s7] =	ssyncadd.s32 $0xFFFFC180  }
0x2d1: {  	[spmem:s2] =	stream.indirect.scatter.add.f32 [tilespmem:s1], [sflag:$0x5], $0x80, s9, s31, $0xb8;
	[tilespmem:$0x1F800] =	vst v63  }
0x2d2: {  	_ =	swait.ge [sflag:s29], $0x3E80  }
0x2d3: {  	[sflag:s29] =	ssyncset.done $0x0  }
0x2d4: {  	s10 =	simm.s32 $0x2780;
	[sflag:s29] =	ssyncadd.s32 $0xFFFFC180  }
0x2d5: {  	[tilespmem:s1], [sflag:$0x2] =	stream.indirect.gather [hbm4b:s4+s31], $0x80, s10, s31, $0xb8;
	[tilespmem:$0x1F800] =	vst v63  }
0x2d6: {  	_ =	swait.ge [sflag:s6], $0x3E80  }
0x2d7: {  	[sflag:s6] =	ssyncset.done $0x0  }
0x2d8: {  	s8 =	simm.s32 $0x2F00;
	[sflag:s6] =	ssyncadd.s32 $0xFFFFC180  }
0x2d9: {  	[spmem:s2] =	stream.indirect.scatter.add.f32 [tilespmem:s26], [sflag:$0x5], $0x80, s8, s31, $0xb8;
	[tilespmem:$0x1F800] =	vst v63  }
0x2da: {  	_ =	swait.ge [sflag:s29], $0x3E80  }
0x2db: {  	[sflag:s29] =	ssyncset.done $0x0  }
0x2dc: {  	[sflag:s29] =	ssyncadd.s32 $0xFFFFC180  }
0x2dd: {  	_ =	swait.ge [sflag:s7], $0x3E80  }
0x2de: {  	[sflag:s7] =	ssyncset.done $0x0  }
0x2df: {  	s9 =	simm.s32 $0x2F80;
	[sflag:s7] =	ssyncadd.s32 $0xFFFFC180  }
0x2e0: {  	[spmem:s2] =	stream.indirect.scatter.add.f32 [tilespmem:s1], [sflag:$0x5], $0x80, s9, s31, $0xb8;
	[tilespmem:$0x1F800] =	vst v63  }
0x2e1: {  	_ =	swait.ge [sflag:s29], $0x3E80  }
0x2e2: {  	[sflag:s29] =	ssyncset.done $0x0  }
0x2e3: {  	s10 =	stileid.u32;
	[sflag:s29] =	ssyncadd.s32 $0xFFFFC180  }
0x2e4: {  	s8 =	sshll.u32 s10, $0x6;
	[bflag:$0x0] =	sbarrier.arrive $0xFFFF  }
0x2e5: {  	s24 =	sshrl.u32 s24, $0x3;
	s8 =	sor.u32 $0x1C03, s8;
	s0 =	rddreg [dreg:$0xd]  }
0x2e6: {  	[hbm:s0], [sflag:s8] =	dma.local [spmem:s24], $0x800  }
0x2e7: {  	s9 =	rddreg [dreg:$0xe]  }
0x2e8: {  	s10 =	rddreg [dreg:$0x13]  }
0x2e9: {  	[hbm:s9], [sflag:s8] =	dma.local [spmem:s10], $0x800  }
0x2ea: {  	s9 =	rddreg [dreg:$0xf]  }
0x2eb: {  	s10 =	rddreg [dreg:$0x14]  }
0x2ec: {  	[hbm:s9], [sflag:s8] =	dma.local [spmem:s10], $0x800  }
0x2ed: {  	s9 =	rddreg [dreg:$0x10]  }
0x2ee: {  	s10 =	rddreg [dreg:$0x15]  }
0x2ef: {  	[hbm:s9], [sflag:s8] =	dma.local [spmem:s10], $0x800  }
0x2f0: {  	s9 =	rddreg [dreg:$0x11]  }
0x2f1: {  	s10 =	rddreg [dreg:$0x16]  }
0x2f2: {  	[hbm:s9], [sflag:s8] =	dma.local [spmem:s10], $0x800  }
0x2f3: {  	_ =	swait.ge [sflag:s28], $0x800  }
0x2f4: {  	[sflag:s28] =	ssyncset.done $0x0  }
0x2f5: {  	[sflag:s28] =	ssyncadd.s32 $0xFFFFF800  }
0x2f6: {  	_ =	swait.ge [sflag:s28], $0x800  }
0x2f7: {  	[sflag:s28] =	ssyncset.done $0x0  }
0x2f8: {  	[sflag:s28] =	ssyncadd.s32 $0xFFFFF800  }
0x2f9: {  	_ =	swait.ge [sflag:s28], $0x800  }
0x2fa: {  	[sflag:s28] =	ssyncset.done $0x0  }
0x2fb: {  	[sflag:s28] =	ssyncadd.s32 $0xFFFFF800  }
0x2fc: {  	_ =	swait.ge [sflag:s28], $0x800  }
0x2fd: {  	[sflag:s28] =	ssyncset.done $0x0  }
0x2fe: {  	[sflag:s28] =	ssyncadd.s32 $0xFFFFF800  }
0x2ff: {  	_ =	swait.ge [sflag:s28], $0x800  }
0x300: {  	s25 =	sadd.s32 $0x1, s25;
	s24 =	rddreg [dreg:$0x9]  }
0x301: {  	p0 =	sne.s32 s25, s24  }
.Ltmp1:
0x302: {  	_ = 	snop;
	(pc) =	sbr.rel @p0 .LBB2_1-.Ltmp1, $3  }
0x303: {  	_ =	sdelay $0x1  }
0x304: {  	[sflag:s28] =	ssyncset.done $0x0  }
0x305: {  	[sflag:s28] =	ssyncadd.s32 $0xFFFFF800  }
0x306: {  	_ =	sfence.sel $0x180000  }
0x307: {  	[bflag:$0x0] =	sbarrier.arrive $0xFFFF  }
0x308: {  	_ =	strace $0x9000004A  }
0x309: {  	s0 =	stileid.u32;
	[bflag:$0x2] =	sbarrier.arrive $0xFFFF  }
0x30a: {  	p0 =	sne.s32 s0, $0x0;
	s0 =	rddreg [dreg:$0x2]  }
0x30b: {  	s0 =	sadd.s32 @!p0 $0x100000, s0  }
0x30c: {  	[sflag:s0] =	ssyncadd.tile.s32 @!p0 $0x1;
	_ =	shalt  }
.Lfunc_end2:
_tile_overlayer_lowered:
.L_overlay_start_2:
0x30d: {  	(tag) =	ssettag $0x2  }
0x30e: {  	s0 =	rddreg [dreg:$0x0];
	s2 =	stileid.u32  }
0x30f: {  	s1 =	rddreg [dreg:$0x1];
	p0 =	sne.s32 s2, $0x0  }
0x310: {  	s3 =	rddreg [dreg:$0x2];
	[bflag:$0x3] =	sbarrier.arrive $0xFFFF;
	s2 =	simm.s32 @!p0 $0x1C05  }
0x311: {  	[timem:s3], [sflag:s2] =	dma.local @!p0 [hbm:s0], s1  }
0x312: {  	s0 =	simm.s32 @!p0 $0x5  }
0x313: {  	_ =	swait.ge @!p0 [sflag:s0], s1  }
0x314: {  	s1 =	ssub.s32 @!p0 $0x0, s1;
	[sflag:s0] =	ssyncset.done @!p0 $0x0  }
0x315: {  	[sflag:s0] =	ssyncadd.s32 @!p0 s1  }
0x316: {  	[bflag:$0x3] =	sbarrier.arrive $0xFFFF  }
0x317: {  	_ =	shalt  }

</sc_bundles>
